<compile_context>
chip_gen: v7x
topology: tpu7x:2x2x1
jax: 0.10.2.dev20260603
libtpu: 0.0.44.dev20260713+nightly
codegen_flags: <defaults>
</compile_context>

<pallas_src>
import functools

import jax
import jax.numpy as jnp
from jax import lax
from jax.experimental import pallas as pl
from jax.experimental.pallas import tpu as pltpu
from jax.experimental.pallas import tpu_sc as plsc

N = 10000
E = 160000
D_IN = 256
D_HID = 512
D_OUT = 64

NC = 2
NS = 16
CH = 125
CHUNK_ROWS = E // CH
SUB_CHUNKS = CHUNK_ROWS // NS
W_CHUNKS = CHUNK_ROWS // (NS * NC)

_MESH = plsc.VectorSubcoreMesh(core_axis_name="c", subcore_axis_name="s")

_SLAB_A = 624
_SLAB_B = 632
_SLAB_SPLIT = 14


def _per_subcore_slab(s, copy_fn):

    @pl.when(s < _SLAB_SPLIT)
    def _():
        copy_fn(s * _SLAB_A, _SLAB_A)

    @pl.when(s >= _SLAB_SPLIT)
    def _():
        copy_fn(_SLAB_SPLIT * _SLAB_A + (s - _SLAB_SPLIT) * _SLAB_B, _SLAB_B)



def _sc_aggregate(g_tbl, row2d, col2d, feat, edge_split):
    sub_chunks = CHUNK_ROWS // (NC * NS) if edge_split else SUB_CHUNKS
    rp = SUB_CHUNKS // 2
    passes = sub_chunks // rp
    nbuf = 4 if edge_split else 2

    @functools.partial(
        pl.kernel,
        out_type=jax.ShapeDtypeStruct((NC, N, feat), jnp.float32),
        mesh=_MESH,
        compiler_params=pltpu.CompilerParams(use_tc_tiling_on_sc=False),
        scratch_types=[
            pltpu.VMEM_SHARED((N, feat), jnp.float32),
            pltpu.VMEM((rp, CH), jnp.int32),
            pltpu.VMEM((rp, CH), jnp.int32),
        ] + [pltpu.VMEM((CH, feat), jnp.float32)] * nbuf
          + [pltpu.SemaphoreType.DMA] * nbuf,
    )
    def agg_kernel(g_hbm, row_hbm, col_hbm, out_hbm,
                   shared, rowbuf, colbuf, *bufsem):
        bufs = bufsem[:nbuf]
        sems = bufsem[nbuf:]
        c = lax.axis_index("c")
        s = lax.axis_index("s")
        tc = 0 if edge_split else c

        _per_subcore_slab(s, lambda off, rows: pltpu.sync_copy(
            g_hbm.at[tc, pl.ds(off, rows)], shared.at[pl.ds(off, rows)]))
        plsc.subcore_barrier()

        def gather(j, k):
            pltpu.async_copy(g_hbm.at[tc].at[rowbuf.at[j]], bufs[k], sems[k])

        def wait_g(j, k):
            pltpu.make_async_copy(g_hbm.at[tc].at[rowbuf.at[j]], bufs[k],
                                  sems[k]).wait()

        def scatter(j, k):
            pltpu.sync_copy(bufs[k], shared.at[colbuf.at[j]], add=True)

        sub_base = (c * NS + s) * sub_chunks if edge_split else s * sub_chunks

        @pl.loop(0, passes)
        def _(p):
            base = sub_base + p * rp
            pltpu.sync_copy(row_hbm.at[pl.ds(base, rp)], rowbuf)
            pltpu.sync_copy(col_hbm.at[pl.ds(base, rp)], colbuf)
            for k in range(nbuf - 1):
                gather(k, k)

            @pl.loop(0, rp, step=nbuf)
            def _(j):
                for k in range(nbuf):
                    gather_j = j + k + nbuf - 1
                    if k == 0:
                        gather(gather_j, nbuf - 1)
                    else:
                        @pl.when(gather_j < rp)
                        def _(gj=gather_j, kk=k - 1):
                            gather(gj, kk)

                    wait_g(j + k, k)
                    scatter(j + k, k)

        plsc.subcore_barrier()
        _per_subcore_slab(s, lambda off, rows: pltpu.sync_copy(
            shared.at[pl.ds(off, rows)], out_hbm.at[c, pl.ds(off, rows)]))

    return agg_kernel(g_tbl, row2d, col2d)


def _sc_degree(ones_small, col2d):

    @functools.partial(
        pl.kernel,
        out_type=jax.ShapeDtypeStruct((NC, N, 16), jnp.float32),
        mesh=_MESH,
        compiler_params=pltpu.CompilerParams(use_tc_tiling_on_sc=False),
        scratch_types=[
            pltpu.VMEM_SHARED((N, 16), jnp.float32),
            pltpu.VMEM((W_CHUNKS, CH), jnp.int32),
            pltpu.VMEM((CH, 16), jnp.float32),
            pltpu.SemaphoreType.DMA,
        ],
    )
    def deg_kernel(ones_hbm, col_hbm, out_hbm, shared, colbuf, onesbuf, sem):
        c = lax.axis_index("c")
        s = lax.axis_index("s")

        pltpu.sync_copy(ones_hbm.at[pl.ds(0, CH)], onesbuf)
        _per_subcore_slab(s, lambda off, rows: pltpu.sync_copy(
            ones_hbm.at[pl.ds(0, rows)], shared.at[pl.ds(off, rows)]))

        w = s * NC + c
        pltpu.sync_copy(col_hbm.at[pl.ds(w * W_CHUNKS, W_CHUNKS)], colbuf)
        plsc.subcore_barrier()

        @pl.loop(0, W_CHUNKS, step=4)
        def _(j):
            for k in range(4):
                pltpu.async_copy(onesbuf, shared.at[colbuf.at[j + k]], sem,
                                 add=True)
            for k in range(4):
                pltpu.make_async_copy(onesbuf, shared.at[colbuf.at[j + k]],
                                      sem).wait()

        plsc.subcore_barrier()
        _per_subcore_slab(s, lambda off, rows: pltpu.sync_copy(
            shared.at[pl.ds(off, rows)], out_hbm.at[c, pl.ds(off, rows)]))

    return deg_kernel(ones_small, col2d)



_BR = 2000


def _tc_prep(x, cnt):

    def body(x_ref, cnt_ref, g1_ref, dinv_ref):
        deg = cnt_ref[0] + cnt_ref[1] - 1.0
        dinv = lax.rsqrt(deg)
        dinv_ref[...] = dinv
        g = jax.nn.relu(x_ref[...]) * dinv[:, :1]
        g1_ref[0] = g[:, : D_IN // 2]
        g1_ref[1] = g[:, D_IN // 2:]

    return pl.pallas_call(
        body,
        grid=(N // _BR,),
        in_specs=[
            pl.BlockSpec((_BR, D_IN), lambda i: (i, 0)),
            pl.BlockSpec((NC, _BR, 16), lambda i: (0, i, 0)),
        ],
        out_specs=[
            pl.BlockSpec((NC, _BR, D_IN // 2), lambda i: (0, i, 0)),
            pl.BlockSpec((_BR, 16), lambda i: (i, 0)),
        ],
        out_shape=[
            jax.ShapeDtypeStruct((NC, N, D_IN // 2), jnp.float32),
            jax.ShapeDtypeStruct((N, 16), jnp.float32),
        ],
    )(x, cnt)


def _tc_mid(acc1, dinv16, W1, b1, W2):

    def body(acc_ref, dinv_ref, w1_ref, b1_ref, w2_ref, g2_ref):
        dinv = dinv_ref[:, :1]
        z = jnp.concatenate([acc_ref[0], acc_ref[1]], axis=1) * dinv
        h = jax.nn.relu(
            jnp.dot(z, w1_ref[...], preferred_element_type=jnp.float32)
            + b1_ref[...]
        )
        t = jnp.dot(h, w2_ref[...], preferred_element_type=jnp.float32)
        g2_ref[0] = t * dinv

    return pl.pallas_call(
        body,
        grid=(N // _BR,),
        in_specs=[
            pl.BlockSpec((NC, _BR, D_IN // 2), lambda i: (0, i, 0)),
            pl.BlockSpec((_BR, 16), lambda i: (i, 0)),
            pl.BlockSpec((D_IN, D_HID), lambda i: (0, 0)),
            pl.BlockSpec((1, D_HID), lambda i: (0, 0)),
            pl.BlockSpec((D_HID, D_OUT), lambda i: (0, 0)),
        ],
        out_specs=pl.BlockSpec((1, _BR, D_OUT), lambda i: (0, i, 0)),
        out_shape=jax.ShapeDtypeStruct((1, N, D_OUT), jnp.float32),
    )(acc1, dinv16, W1, b1, W2)


def _tc_final(acc2, g2, dinv16, b2):
    def body(acc_ref, g2_ref, dinv_ref, b2_ref, out_ref):
        dinv = dinv_ref[:, :1]
        out_ref[...] = (
            (acc_ref[0] + acc_ref[1] - g2_ref[0]) * dinv + b2_ref[...]
        )

    return pl.pallas_call(
        body,
        grid=(N // _BR,),
        in_specs=[
            pl.BlockSpec((NC, _BR, D_OUT), lambda i: (0, i, 0)),
            pl.BlockSpec((1, _BR, D_OUT), lambda i: (0, i, 0)),
            pl.BlockSpec((_BR, 16), lambda i: (i, 0)),
            pl.BlockSpec((1, D_OUT), lambda i: (0, 0)),
        ],
        out_specs=pl.BlockSpec((_BR, D_OUT), lambda i: (i, 0)),
        out_shape=jax.ShapeDtypeStruct((N, D_OUT), jnp.float32),
    )(acc2, g2, dinv16, b2)



def kernel(x, edge_index, W1, b1, W2, b2):
    edge_index = edge_index.astype(jnp.int32)
    row2d = edge_index[0].reshape(CHUNK_ROWS, CH)
    col2d = edge_index[1].reshape(CHUNK_ROWS, CH)

    ones_small = jnp.ones((_SLAB_B, 16), jnp.float32)
    deg = _sc_degree(ones_small, col2d)
    g1, dinv16 = _tc_prep(x, deg)
    acc1 = _sc_aggregate(g1, row2d, col2d, D_IN // 2, edge_split=False)
    g2 = _tc_mid(acc1, dinv16, W1, b1.reshape(1, D_HID), W2)
    acc2 = _sc_aggregate(g2, row2d, col2d, D_OUT, edge_split=True)
    return _tc_final(acc2, g2, dinv16, b2.reshape(1, D_OUT))

# --- scband reference (transcript-rebuilt; emitter-appended) ---
"""Pipeline reference for scband-gnn-homogen-chem-data-gcn-44890998177995 (READ-ONLY COPY).

The authoritative reference and input builder live on the scoring server;
editing this copy changes nothing except your own understanding.
"""

import jax, jax.numpy as jnp
import numpy as np

N = 10000
E = 160000
D_IN = 256
D_HID = 512
D_OUT = 64


def _glorot(key, shape):
    limit = float(np.sqrt(6.0 / (shape[0] + shape[1])))
    return jax.random.uniform(key, shape, minval=-limit, maxval=limit, dtype=jnp.float32)


def setup_inputs(seed: int = 0) -> dict:
    key = jax.random.key(seed)
    ks = jax.random.split(key, 6)
    x = jax.random.normal(ks[0], (N, D_IN), dtype=jnp.float32)
    edge_index = jax.random.randint(ks[1], (2, E), 0, N)
    W1 = _glorot(ks[2], (D_IN, D_HID))
    b1 = jnp.zeros((D_HID,), dtype=jnp.float32)
    W2 = _glorot(ks[3], (D_HID, D_OUT))
    b2 = jnp.zeros((D_OUT,), dtype=jnp.float32)
    return {"x": x, "edge_index": edge_index, "W1": W1, "b1": b1, "W2": W2, "b2": b2}


def _gcn_conv(x, edge_index, W, b, num_nodes):
    # Faithful PyG GCNConv: linear transform, add self-loops, symmetric norm, scatter-add aggregate.
    h = x @ W
    loop = jnp.arange(num_nodes, dtype=edge_index.dtype)
    row = jnp.concatenate([edge_index[0], loop])  # source nodes
    col = jnp.concatenate([edge_index[1], loop])  # target nodes
    deg = jnp.zeros((num_nodes,), dtype=h.dtype).at[col].add(1.0)
    dinv = jnp.where(deg > 0, jax.lax.rsqrt(jnp.maximum(deg, 1e-12)), 0.0)
    norm = dinv[row] * dinv[col]
    msg = h[row] * norm[:, None]
    out = jnp.zeros((num_nodes, h.shape[1]), dtype=h.dtype).at[col].add(msg)
    return out + b


def reference(x, edge_index, W1, b1, W2, b2):
    # encode(): conv1(x.relu(), edge_index) -> relu -> conv2(h, edge_index)
    h = jax.nn.relu(x)
    h = _gcn_conv(h, edge_index, W1, b1, N)
    h = jax.nn.relu(h)
    out = _gcn_conv(h, edge_index, W2, b2, N)
    return out

if __name__ == "__main__":
    import jax
    _d = setup_inputs()
    print(jax.jit(kernel)(*tuple(_d.values())))

</pallas_src>

<mosaic_0001>
#map = affine_map<(d0, d1) -> (0, 0)>
#map1 = affine_map<(d0, d1) -> (0, 0, 0)>
module attributes {stable_mosaic.version = 14 : i64} {
  func.func @deg_kernel(%arg0: i32, %arg1: i32, %arg2: memref<632x16xf32, #tpu.memory_space<hbm>>, %arg3: memref<1280x125xi32, #tpu.memory_space<hbm>>, %arg4: memref<2x10000x16xf32, #tpu.memory_space<hbm>>, %arg5: memref<10000x16xf32, #tpu.memory_space<vmem_shared>>, %arg6: memref<40x125xi32, #tpu.memory_space<vmem>>, %arg7: memref<125x16xf32, #tpu.memory_space<vmem>>, %arg8: memref<!tpu.dma_semaphore, #tpu.memory_space<semaphore_mem>>) attributes {dimension_semantics = [#tpu.dimension_semantics<core_parallel>, #tpu.dimension_semantics<subcore_parallel>], iteration_bounds = array<i64: 2, 16>, scalar_prefetch = 0 : i64, scratch_operands = 4 : i64, tpu.core_type = #tpu.core_type<sc_vector_subcore>, window_params = [{transform_indices = #map}, {transform_indices = #map}, {transform_indices = #map1}]} {
    "tpu.region"() ({
      %run_scoped3A = tpu.sem_alloc : memref<!tpu.dma_semaphore, #tpu.memory_space<semaphore_mem>>
      %dma_start3A = arith.constant 0 : i32
      %dma_start3A_24 = arith.constant 0 : i32
      %dma_start3A_25 = tpu.memref_slice %arg2[%dma_start3A, %dma_start3A_24] : memref<632x16xf32, #tpu.memory_space<hbm>> -> memref<125x16xf32, #tpu.memory_space<hbm>>
      %dma_start3A_26 = arith.constant 0 : i32
      %dma_start3A_27 = arith.constant 0 : i32
      %dma_start3A_28 = tpu.memref_slice %arg2[%dma_start3A_26, %dma_start3A_27] : memref<632x16xf32, #tpu.memory_space<hbm>> -> memref<125x16xf32, #tpu.memory_space<hbm>>
      tpu.enqueue_dma source(%dma_start3A_28 : memref<125x16xf32, #tpu.memory_space<hbm>>) target(%arg7 : memref<125x16xf32, #tpu.memory_space<vmem>>) target_semaphore(%run_scoped3A : memref<!tpu.dma_semaphore, #tpu.memory_space<semaphore_mem>>)
      %dma_wait3A = arith.constant 0 : i32
      %dma_wait3A_29 = arith.constant 0 : i32
      %dma_wait3A_30 = tpu.memref_slice %arg2[%dma_wait3A, %dma_wait3A_29] : memref<632x16xf32, #tpu.memory_space<hbm>> -> memref<125x16xf32, #tpu.memory_space<hbm>>
      %dma_wait3A_31 = arith.constant 0 : i32
      %dma_wait3A_32 = arith.constant 0 : i32
      %dma_wait3A_33 = tpu.memref_slice %arg2[%dma_wait3A_31, %dma_wait3A_32] : memref<632x16xf32, #tpu.memory_space<hbm>> -> memref<125x16xf32, #tpu.memory_space<hbm>>
      tpu.wait_dma2 semaphore(%run_scoped3A : memref<!tpu.dma_semaphore, #tpu.memory_space<semaphore_mem>>) src(%dma_wait3A_33 : memref<125x16xf32, #tpu.memory_space<hbm>>) dst(%arg7 : memref<125x16xf32, #tpu.memory_space<vmem>>)
      tpu.yield
    }) : () -> ()
    %lt3A = arith.constant 14 : i32
    %lt3A_0 = arith.cmpi slt, %arg1, %lt3A : i32
    %convert_element_type3A = arith.extui %lt3A_0 : i1 to i32
    %cond3A = arith.constant 0 : i32
    %cond3A_1 = arith.cmpi ne, %convert_element_type3A, %cond3A : i32
    scf.if %cond3A_1 {
      %mul3A_24 = arith.constant 624 : i32
      %mul3A_25 = arith.muli %arg1, %mul3A_24 : i32
      "tpu.region"() ({
        %run_scoped3A = tpu.sem_alloc : memref<!tpu.dma_semaphore, #tpu.memory_space<semaphore_mem>>
        %dma_start3A = arith.constant 0 : i32
        %dma_start3A_26 = tpu.memref_slice %arg5[%mul3A_25, %dma_start3A] : memref<10000x16xf32, #tpu.memory_space<vmem_shared>> -> memref<624x16xf32, #tpu.memory_space<vmem_shared>>
        %dma_start3A_27 = arith.constant 0 : i32
        %dma_start3A_28 = arith.constant 0 : i32
        %dma_start3A_29 = tpu.memref_slice %arg2[%dma_start3A_27, %dma_start3A_28] : memref<632x16xf32, #tpu.memory_space<hbm>> -> memref<624x16xf32, #tpu.memory_space<hbm>>
        tpu.enqueue_dma source(%dma_start3A_29 : memref<624x16xf32, #tpu.memory_space<hbm>>) target(%dma_start3A_26 : memref<624x16xf32, #tpu.memory_space<vmem_shared>>) target_semaphore(%run_scoped3A : memref<!tpu.dma_semaphore, #tpu.memory_space<semaphore_mem>>)
        %dma_wait3A = arith.constant 0 : i32
        %dma_wait3A_30 = tpu.memref_slice %arg5[%mul3A_25, %dma_wait3A] : memref<10000x16xf32, #tpu.memory_space<vmem_shared>> -> memref<624x16xf32, #tpu.memory_space<vmem_shared>>
        %dma_wait3A_31 = arith.constant 0 : i32
        %dma_wait3A_32 = arith.constant 0 : i32
        %dma_wait3A_33 = tpu.memref_slice %arg2[%dma_wait3A_31, %dma_wait3A_32] : memref<632x16xf32, #tpu.memory_space<hbm>> -> memref<624x16xf32, #tpu.memory_space<hbm>>
        tpu.wait_dma2 semaphore(%run_scoped3A : memref<!tpu.dma_semaphore, #tpu.memory_space<semaphore_mem>>) src(%dma_wait3A_33 : memref<624x16xf32, #tpu.memory_space<hbm>>) dst(%dma_wait3A_30 : memref<624x16xf32, #tpu.memory_space<vmem_shared>>)
        tpu.yield
      }) : () -> ()
    } else {
    }
    %ge3A = arith.constant 14 : i32
    %ge3A_2 = arith.cmpi sge, %arg1, %ge3A : i32
    %convert_element_type3A_3 = arith.extui %ge3A_2 : i1 to i32
    %cond3A_4 = arith.constant 0 : i32
    %cond3A_5 = arith.cmpi ne, %convert_element_type3A_3, %cond3A_4 : i32
    scf.if %cond3A_5 {
      %sub3A = arith.constant 14 : i32
      %sub3A_24 = arith.subi %arg1, %sub3A : i32
      %mul3A_25 = arith.constant 632 : i32
      %mul3A_26 = arith.muli %sub3A_24, %mul3A_25 : i32
      %add3A_27 = arith.constant 8736 : i32
      %add3A_28 = arith.addi %add3A_27, %mul3A_26 : i32
      "tpu.region"() ({
        %run_scoped3A = tpu.sem_alloc : memref<!tpu.dma_semaphore, #tpu.memory_space<semaphore_mem>>
        %dma_start3A = arith.constant 0 : i32
        %dma_start3A_29 = tpu.memref_slice %arg5[%add3A_28, %dma_start3A] : memref<10000x16xf32, #tpu.memory_space<vmem_shared>> -> memref<632x16xf32, #tpu.memory_space<vmem_shared>>
        %dma_start3A_30 = arith.constant 0 : i32
        %dma_start3A_31 = arith.constant 0 : i32
        %dma_start3A_32 = tpu.memref_slice %arg2[%dma_start3A_30, %dma_start3A_31] : memref<632x16xf32, #tpu.memory_space<hbm>> -> memref<632x16xf32, #tpu.memory_space<hbm>>
        tpu.enqueue_dma source(%dma_start3A_32 : memref<632x16xf32, #tpu.memory_space<hbm>>) target(%dma_start3A_29 : memref<632x16xf32, #tpu.memory_space<vmem_shared>>) target_semaphore(%run_scoped3A : memref<!tpu.dma_semaphore, #tpu.memory_space<semaphore_mem>>)
        %dma_wait3A = arith.constant 0 : i32
        %dma_wait3A_33 = tpu.memref_slice %arg5[%add3A_28, %dma_wait3A] : memref<10000x16xf32, #tpu.memory_space<vmem_shared>> -> memref<632x16xf32, #tpu.memory_space<vmem_shared>>
        %dma_wait3A_34 = arith.constant 0 : i32
        %dma_wait3A_35 = arith.constant 0 : i32
        %dma_wait3A_36 = tpu.memref_slice %arg2[%dma_wait3A_34, %dma_wait3A_35] : memref<632x16xf32, #tpu.memory_space<hbm>> -> memref<632x16xf32, #tpu.memory_space<hbm>>
        tpu.wait_dma2 semaphore(%run_scoped3A : memref<!tpu.dma_semaphore, #tpu.memory_space<semaphore_mem>>) src(%dma_wait3A_36 : memref<632x16xf32, #tpu.memory_space<hbm>>) dst(%dma_wait3A_33 : memref<632x16xf32, #tpu.memory_space<vmem_shared>>)
        tpu.yield
      }) : () -> ()
    } else {
    }
    %mul3A = arith.constant 2 : i32
    %mul3A_6 = arith.muli %arg1, %mul3A : i32
    %add3A = arith.addi %mul3A_6, %arg0 : i32
    %mul3A_7 = arith.constant 40 : i32
    %mul3A_8 = arith.muli %add3A, %mul3A_7 : i32
    "tpu.region"() ({
      %run_scoped3A = tpu.sem_alloc : memref<!tpu.dma_semaphore, #tpu.memory_space<semaphore_mem>>
      %dma_start3A = arith.constant 0 : i32
      %dma_start3A_24 = tpu.memref_slice %arg3[%mul3A_8, %dma_start3A] : memref<1280x125xi32, #tpu.memory_space<hbm>> -> memref<40x125xi32, #tpu.memory_space<hbm>>
      %dma_start3A_25 = arith.constant 0 : i32
      %dma_start3A_26 = tpu.memref_slice %arg3[%mul3A_8, %dma_start3A_25] : memref<1280x125xi32, #tpu.memory_space<hbm>> -> memref<40x125xi32, #tpu.memory_space<hbm>>
      tpu.enqueue_dma source(%dma_start3A_26 : memref<40x125xi32, #tpu.memory_space<hbm>>) target(%arg6 : memref<40x125xi32, #tpu.memory_space<vmem>>) target_semaphore(%run_scoped3A : memref<!tpu.dma_semaphore, #tpu.memory_space<semaphore_mem>>)
      %dma_wait3A = arith.constant 0 : i32
      %dma_wait3A_27 = tpu.memref_slice %arg3[%mul3A_8, %dma_wait3A] : memref<1280x125xi32, #tpu.memory_space<hbm>> -> memref<40x125xi32, #tpu.memory_space<hbm>>
      %dma_wait3A_28 = arith.constant 0 : i32
      %dma_wait3A_29 = tpu.memref_slice %arg3[%mul3A_8, %dma_wait3A_28] : memref<1280x125xi32, #tpu.memory_space<hbm>> -> memref<40x125xi32, #tpu.memory_space<hbm>>
      tpu.wait_dma2 semaphore(%run_scoped3A : memref<!tpu.dma_semaphore, #tpu.memory_space<semaphore_mem>>) src(%dma_wait3A_29 : memref<40x125xi32, #tpu.memory_space<hbm>>) dst(%arg6 : memref<40x125xi32, #tpu.memory_space<vmem>>)
      tpu.yield
    }) : () -> ()
    %barrier3A = arith.constant 0 : index
    tpu.barrier barrier_id(%barrier3A)
    %scan3A = arith.constant 0 : i32
    %scan3A_9 = arith.constant 10 : i32
    %scan3A_10 = arith.addi %scan3A, %scan3A_9 : i32
    %scan3A_11 = arith.constant 1 : i32
    scf.for %scan3A_24 = %scan3A to %scan3A_10 step %scan3A_11  : i32 {
      %mul3A_25 = arith.constant 4 : i32
      %mul3A_26 = arith.muli %scan3A_24, %mul3A_25 : i32
      %add3A_27 = arith.constant 0 : i32
      %add3A_28 = arith.addi %add3A_27, %mul3A_26 : i32
      %add3A_29 = arith.constant 0 : i32
      %add3A_30 = arith.addi %add3A_28, %add3A_29 : i32
      %dma_start3A = arith.constant 0 : i32
      %dma_start3A_31 = tpu.memref_slice %arg6[%add3A_30, %dma_start3A] : memref<40x125xi32, #tpu.memory_space<vmem>> -> memref<1x125xi32, #tpu.memory_space<vmem>>
      %dma_start3A_32 = tpu.memref_squeeze %dma_start3A_31 : memref<1x125xi32, #tpu.memory_space<vmem>> -> memref<125xi32, #tpu.memory_space<vmem>>
      %dma_start3A_33 = arith.constant 0 : i32
      %dma_start3A_34 = arith.constant 0 : i32
      %dma_start3A_35 = tpu.memref_slice %arg5[%dma_start3A_33, %dma_start3A_34] : memref<10000x16xf32, #tpu.memory_space<vmem_shared>> -> memref<10000x16xf32, #tpu.memory_space<vmem_shared>>
      tpu.enqueue_indirect_dma source(%arg7 : memref<125x16xf32, #tpu.memory_space<vmem>>) target(%dma_start3A_35 : memref<10000x16xf32, #tpu.memory_space<vmem_shared>>) offsets(%dma_start3A_32 : memref<125xi32, #tpu.memory_space<vmem>>) semaphore(%arg8 : memref<!tpu.dma_semaphore, #tpu.memory_space<semaphore_mem>>) {add = true}
      %add3A_36 = arith.constant 1 : i32
      %add3A_37 = arith.addi %add3A_28, %add3A_36 : i32
      %dma_start3A_38 = arith.constant 0 : i32
      %dma_start3A_39 = tpu.memref_slice %arg6[%add3A_37, %dma_start3A_38] : memref<40x125xi32, #tpu.memory_space<vmem>> -> memref<1x125xi32, #tpu.memory_space<vmem>>
      %dma_start3A_40 = tpu.memref_squeeze %dma_start3A_39 : memref<1x125xi32, #tpu.memory_space<vmem>> -> memref<125xi32, #tpu.memory_space<vmem>>
      %dma_start3A_41 = arith.constant 0 : i32
      %dma_start3A_42 = arith.constant 0 : i32
      %dma_start3A_43 = tpu.memref_slice %arg5[%dma_start3A_41, %dma_start3A_42] : memref<10000x16xf32, #tpu.memory_space<vmem_shared>> -> memref<10000x16xf32, #tpu.memory_space<vmem_shared>>
      tpu.enqueue_indirect_dma source(%arg7 : memref<125x16xf32, #tpu.memory_space<vmem>>) target(%dma_start3A_43 : memref<10000x16xf32, #tpu.memory_space<vmem_shared>>) offsets(%dma_start3A_40 : memref<125xi32, #tpu.memory_space<vmem>>) semaphore(%arg8 : memref<!tpu.dma_semaphore, #tpu.memory_space<semaphore_mem>>) {add = true}
      %add3A_44 = arith.constant 2 : i32
      %add3A_45 = arith.addi %add3A_28, %add3A_44 : i32
      %dma_start3A_46 = arith.constant 0 : i32
      %dma_start3A_47 = tpu.memref_slice %arg6[%add3A_45, %dma_start3A_46] : memref<40x125xi32, #tpu.memory_space<vmem>> -> memref<1x125xi32, #tpu.memory_space<vmem>>
      %dma_start3A_48 = tpu.memref_squeeze %dma_start3A_47 : memref<1x125xi32, #tpu.memory_space<vmem>> -> memref<125xi32, #tpu.memory_space<vmem>>
      %dma_start3A_49 = arith.constant 0 : i32
      %dma_start3A_50 = arith.constant 0 : i32
      %dma_start3A_51 = tpu.memref_slice %arg5[%dma_start3A_49, %dma_start3A_50] : memref<10000x16xf32, #tpu.memory_space<vmem_shared>> -> memref<10000x16xf32, #tpu.memory_space<vmem_shared>>
      tpu.enqueue_indirect_dma source(%arg7 : memref<125x16xf32, #tpu.memory_space<vmem>>) target(%dma_start3A_51 : memref<10000x16xf32, #tpu.memory_space<vmem_shared>>) offsets(%dma_start3A_48 : memref<125xi32, #tpu.memory_space<vmem>>) semaphore(%arg8 : memref<!tpu.dma_semaphore, #tpu.memory_space<semaphore_mem>>) {add = true}
      %add3A_52 = arith.constant 3 : i32
      %add3A_53 = arith.addi %add3A_28, %add3A_52 : i32
      %dma_start3A_54 = arith.constant 0 : i32
      %dma_start3A_55 = tpu.memref_slice %arg6[%add3A_53, %dma_start3A_54] : memref<40x125xi32, #tpu.memory_space<vmem>> -> memref<1x125xi32, #tpu.memory_space<vmem>>
      %dma_start3A_56 = tpu.memref_squeeze %dma_start3A_55 : memref<1x125xi32, #tpu.memory_space<vmem>> -> memref<125xi32, #tpu.memory_space<vmem>>
      %dma_start3A_57 = arith.constant 0 : i32
      %dma_start3A_58 = arith.constant 0 : i32
      %dma_start3A_59 = tpu.memref_slice %arg5[%dma_start3A_57, %dma_start3A_58] : memref<10000x16xf32, #tpu.memory_space<vmem_shared>> -> memref<10000x16xf32, #tpu.memory_space<vmem_shared>>
      tpu.enqueue_indirect_dma source(%arg7 : memref<125x16xf32, #tpu.memory_space<vmem>>) target(%dma_start3A_59 : memref<10000x16xf32, #tpu.memory_space<vmem_shared>>) offsets(%dma_start3A_56 : memref<125xi32, #tpu.memory_space<vmem>>) semaphore(%arg8 : memref<!tpu.dma_semaphore, #tpu.memory_space<semaphore_mem>>) {add = true}
      %add3A_60 = arith.constant 0 : i32
      %add3A_61 = arith.addi %add3A_28, %add3A_60 : i32
      %dma_wait3A = arith.constant 0 : i32
      %dma_wait3A_62 = tpu.memref_slice %arg6[%add3A_61, %dma_wait3A] : memref<40x125xi32, #tpu.memory_space<vmem>> -> memref<1x125xi32, #tpu.memory_space<vmem>>
      %dma_wait3A_63 = tpu.memref_squeeze %dma_wait3A_62 : memref<1x125xi32, #tpu.memory_space<vmem>> -> memref<125xi32, #tpu.memory_space<vmem>>
      %dma_wait3A_64 = arith.constant 0 : i32
      %dma_wait3A_65 = arith.constant 0 : i32
      %dma_wait3A_66 = tpu.memref_slice %arg5[%dma_wait3A_64, %dma_wait3A_65] : memref<10000x16xf32, #tpu.memory_space<vmem_shared>> -> memref<10000x16xf32, #tpu.memory_space<vmem_shared>>
      tpu.wait_indirect_dma semaphore(%arg8 : memref<!tpu.dma_semaphore, #tpu.memory_space<semaphore_mem>>) src(%arg7 : memref<125x16xf32, #tpu.memory_space<vmem>>) dst(%dma_wait3A_66 : memref<10000x16xf32, #tpu.memory_space<vmem_shared>>)
      %add3A_67 = arith.constant 1 : i32
      %add3A_68 = arith.addi %add3A_28, %add3A_67 : i32
      %dma_wait3A_69 = arith.constant 0 : i32
      %dma_wait3A_70 = tpu.memref_slice %arg6[%add3A_68, %dma_wait3A_69] : memref<40x125xi32, #tpu.memory_space<vmem>> -> memref<1x125xi32, #tpu.memory_space<vmem>>
      %dma_wait3A_71 = tpu.memref_squeeze %dma_wait3A_70 : memref<1x125xi32, #tpu.memory_space<vmem>> -> memref<125xi32, #tpu.memory_space<vmem>>
      %dma_wait3A_72 = arith.constant 0 : i32
      %dma_wait3A_73 = arith.constant 0 : i32
      %dma_wait3A_74 = tpu.memref_slice %arg5[%dma_wait3A_72, %dma_wait3A_73] : memref<10000x16xf32, #tpu.memory_space<vmem_shared>> -> memref<10000x16xf32, #tpu.memory_space<vmem_shared>>
      tpu.wait_indirect_dma semaphore(%arg8 : memref<!tpu.dma_semaphore, #tpu.memory_space<semaphore_mem>>) src(%arg7 : memref<125x16xf32, #tpu.memory_space<vmem>>) dst(%dma_wait3A_74 : memref<10000x16xf32, #tpu.memory_space<vmem_shared>>)
      %add3A_75 = arith.constant 2 : i32
      %add3A_76 = arith.addi %add3A_28, %add3A_75 : i32
      %dma_wait3A_77 = arith.constant 0 : i32
      %dma_wait3A_78 = tpu.memref_slice %arg6[%add3A_76, %dma_wait3A_77] : memref<40x125xi32, #tpu.memory_space<vmem>> -> memref<1x125xi32, #tpu.memory_space<vmem>>
      %dma_wait3A_79 = tpu.memref_squeeze %dma_wait3A_78 : memref<1x125xi32, #tpu.memory_space<vmem>> -> memref<125xi32, #tpu.memory_space<vmem>>
      %dma_wait3A_80 = arith.constant 0 : i32
      %dma_wait3A_81 = arith.constant 0 : i32
      %dma_wait3A_82 = tpu.memref_slice %arg5[%dma_wait3A_80, %dma_wait3A_81] : memref<10000x16xf32, #tpu.memory_space<vmem_shared>> -> memref<10000x16xf32, #tpu.memory_space<vmem_shared>>
      tpu.wait_indirect_dma semaphore(%arg8 : memref<!tpu.dma_semaphore, #tpu.memory_space<semaphore_mem>>) src(%arg7 : memref<125x16xf32, #tpu.memory_space<vmem>>) dst(%dma_wait3A_82 : memref<10000x16xf32, #tpu.memory_space<vmem_shared>>)
      %add3A_83 = arith.constant 3 : i32
      %add3A_84 = arith.addi %add3A_28, %add3A_83 : i32
      %dma_wait3A_85 = arith.constant 0 : i32
      %dma_wait3A_86 = tpu.memref_slice %arg6[%add3A_84, %dma_wait3A_85] : memref<40x125xi32, #tpu.memory_space<vmem>> -> memref<1x125xi32, #tpu.memory_space<vmem>>
      %dma_wait3A_87 = tpu.memref_squeeze %dma_wait3A_86 : memref<1x125xi32, #tpu.memory_space<vmem>> -> memref<125xi32, #tpu.memory_space<vmem>>
      %dma_wait3A_88 = arith.constant 0 : i32
      %dma_wait3A_89 = arith.constant 0 : i32
      %dma_wait3A_90 = tpu.memref_slice %arg5[%dma_wait3A_88, %dma_wait3A_89] : memref<10000x16xf32, #tpu.memory_space<vmem_shared>> -> memref<10000x16xf32, #tpu.memory_space<vmem_shared>>
      tpu.wait_indirect_dma semaphore(%arg8 : memref<!tpu.dma_semaphore, #tpu.memory_space<semaphore_mem>>) src(%arg7 : memref<125x16xf32, #tpu.memory_space<vmem>>) dst(%dma_wait3A_90 : memref<10000x16xf32, #tpu.memory_space<vmem_shared>>)
    }
    %scan3A_12 = arith.constant 10 : i32
    %barrier3A_13 = arith.constant 0 : index
    tpu.barrier barrier_id(%barrier3A_13)
    %lt3A_14 = arith.constant 14 : i32
    %lt3A_15 = arith.cmpi slt, %arg1, %lt3A_14 : i32
    %convert_element_type3A_16 = arith.extui %lt3A_15 : i1 to i32
    %cond3A_17 = arith.constant 0 : i32
    %cond3A_18 = arith.cmpi ne, %convert_element_type3A_16, %cond3A_17 : i32
    scf.if %cond3A_18 {
      %mul3A_24 = arith.constant 624 : i32
      %mul3A_25 = arith.muli %arg1, %mul3A_24 : i32
      "tpu.region"() ({
        %run_scoped3A = tpu.sem_alloc : memref<!tpu.dma_semaphore, #tpu.memory_space<semaphore_mem>>
        %dma_start3A = arith.constant 0 : i32
        %dma_start3A_26 = tpu.memref_slice %arg4[%arg0, %mul3A_25, %dma_start3A] : memref<2x10000x16xf32, #tpu.memory_space<hbm>> -> memref<1x624x16xf32, #tpu.memory_space<hbm>>
        %dma_start3A_27 = tpu.memref_squeeze %dma_start3A_26 : memref<1x624x16xf32, #tpu.memory_space<hbm>> -> memref<624x16xf32, #tpu.memory_space<hbm>>
        %dma_start3A_28 = arith.constant 0 : i32
        %dma_start3A_29 = tpu.memref_slice %arg5[%mul3A_25, %dma_start3A_28] : memref<10000x16xf32, #tpu.memory_space<vmem_shared>> -> memref<624x16xf32, #tpu.memory_space<vmem_shared>>
        tpu.enqueue_dma source(%dma_start3A_29 : memref<624x16xf32, #tpu.memory_space<vmem_shared>>) target(%dma_start3A_27 : memref<624x16xf32, #tpu.memory_space<hbm>>) target_semaphore(%run_scoped3A : memref<!tpu.dma_semaphore, #tpu.memory_space<semaphore_mem>>)
        %dma_wait3A = arith.constant 0 : i32
        %dma_wait3A_30 = tpu.memref_slice %arg4[%arg0, %mul3A_25, %dma_wait3A] : memref<2x10000x16xf32, #tpu.memory_space<hbm>> -> memref<1x624x16xf32, #tpu.memory_space<hbm>>
        %dma_wait3A_31 = tpu.memref_squeeze %dma_wait3A_30 : memref<1x624x16xf32, #tpu.memory_space<hbm>> -> memref<624x16xf32, #tpu.memory_space<hbm>>
        %dma_wait3A_32 = arith.constant 0 : i32
        %dma_wait3A_33 = tpu.memref_slice %arg5[%mul3A_25, %dma_wait3A_32] : memref<10000x16xf32, #tpu.memory_space<vmem_shared>> -> memref<624x16xf32, #tpu.memory_space<vmem_shared>>
        tpu.wait_dma2 semaphore(%run_scoped3A : memref<!tpu.dma_semaphore, #tpu.memory_space<semaphore_mem>>) src(%dma_wait3A_33 : memref<624x16xf32, #tpu.memory_space<vmem_shared>>) dst(%dma_wait3A_31 : memref<624x16xf32, #tpu.memory_space<hbm>>)
        tpu.yield
      }) : () -> ()
    } else {
    }
    %ge3A_19 = arith.constant 14 : i32
    %ge3A_20 = arith.cmpi sge, %arg1, %ge3A_19 : i32
    %convert_element_type3A_21 = arith.extui %ge3A_20 : i1 to i32
    %cond3A_22 = arith.constant 0 : i32
    %cond3A_23 = arith.cmpi ne, %convert_element_type3A_21, %cond3A_22 : i32
    scf.if %cond3A_23 {
      %sub3A = arith.constant 14 : i32
      %sub3A_24 = arith.subi %arg1, %sub3A : i32
      %mul3A_25 = arith.constant 632 : i32
      %mul3A_26 = arith.muli %sub3A_24, %mul3A_25 : i32
      %add3A_27 = arith.constant 8736 : i32
      %add3A_28 = arith.addi %add3A_27, %mul3A_26 : i32
      "tpu.region"() ({
        %run_scoped3A = tpu.sem_alloc : memref<!tpu.dma_semaphore, #tpu.memory_space<semaphore_mem>>
        %dma_start3A = arith.constant 0 : i32
        %dma_start3A_29 = tpu.memref_slice %arg4[%arg0, %add3A_28, %dma_start3A] : memref<2x10000x16xf32, #tpu.memory_space<hbm>> -> memref<1x632x16xf32, #tpu.memory_space<hbm>>
        %dma_start3A_30 = tpu.memref_squeeze %dma_start3A_29 : memref<1x632x16xf32, #tpu.memory_space<hbm>> -> memref<632x16xf32, #tpu.memory_space<hbm>>
        %dma_start3A_31 = arith.constant 0 : i32
        %dma_start3A_32 = tpu.memref_slice %arg5[%add3A_28, %dma_start3A_31] : memref<10000x16xf32, #tpu.memory_space<vmem_shared>> -> memref<632x16xf32, #tpu.memory_space<vmem_shared>>
        tpu.enqueue_dma source(%dma_start3A_32 : memref<632x16xf32, #tpu.memory_space<vmem_shared>>) target(%dma_start3A_30 : memref<632x16xf32, #tpu.memory_space<hbm>>) target_semaphore(%run_scoped3A : memref<!tpu.dma_semaphore, #tpu.memory_space<semaphore_mem>>)
        %dma_wait3A = arith.constant 0 : i32
        %dma_wait3A_33 = tpu.memref_slice %arg4[%arg0, %add3A_28, %dma_wait3A] : memref<2x10000x16xf32, #tpu.memory_space<hbm>> -> memref<1x632x16xf32, #tpu.memory_space<hbm>>
        %dma_wait3A_34 = tpu.memref_squeeze %dma_wait3A_33 : memref<1x632x16xf32, #tpu.memory_space<hbm>> -> memref<632x16xf32, #tpu.memory_space<hbm>>
        %dma_wait3A_35 = arith.constant 0 : i32
        %dma_wait3A_36 = tpu.memref_slice %arg5[%add3A_28, %dma_wait3A_35] : memref<10000x16xf32, #tpu.memory_space<vmem_shared>> -> memref<632x16xf32, #tpu.memory_space<vmem_shared>>
        tpu.wait_dma2 semaphore(%run_scoped3A : memref<!tpu.dma_semaphore, #tpu.memory_space<semaphore_mem>>) src(%dma_wait3A_36 : memref<632x16xf32, #tpu.memory_space<vmem_shared>>) dst(%dma_wait3A_34 : memref<632x16xf32, #tpu.memory_space<hbm>>)
        tpu.yield
      }) : () -> ()
    } else {
    }
    return
  }
}

#map = affine_map<(d0, d1) -> (0, 0, 0)>
#map1 = affine_map<(d0, d1) -> (0, 0)>
module attributes {stable_mosaic.version = 14 : i64} {
  func.func @agg_kernel(%arg0: i32, %arg1: i32, %arg2: memref<1x10000x64xf32, #tpu.memory_space<hbm>>, %arg3: memref<1280x125xi32, #tpu.memory_space<hbm>>, %arg4: memref<1280x125xi32, #tpu.memory_space<hbm>>, %arg5: memref<2x10000x64xf32, #tpu.memory_space<hbm>>, %arg6: memref<10000x64xf32, #tpu.memory_space<vmem_shared>>, %arg7: memref<40x125xi32, #tpu.memory_space<vmem>>, %arg8: memref<40x125xi32, #tpu.memory_space<vmem>>, %arg9: memref<125x64xf32, #tpu.memory_space<vmem>>, %arg10: memref<125x64xf32, #tpu.memory_space<vmem>>, %arg11: memref<125x64xf32, #tpu.memory_space<vmem>>, %arg12: memref<125x64xf32, #tpu.memory_space<vmem>>, %arg13: memref<!tpu.dma_semaphore, #tpu.memory_space<semaphore_mem>>, %arg14: memref<!tpu.dma_semaphore, #tpu.memory_space<semaphore_mem>>, %arg15: memref<!tpu.dma_semaphore, #tpu.memory_space<semaphore_mem>>, %arg16: memref<!tpu.dma_semaphore, #tpu.memory_space<semaphore_mem>>) attributes {dimension_semantics = [#tpu.dimension_semantics<core_parallel>, #tpu.dimension_semantics<subcore_parallel>], iteration_bounds = array<i64: 2, 16>, scalar_prefetch = 0 : i64, scratch_operands = 11 : i64, tpu.core_type = #tpu.core_type<sc_vector_subcore>, window_params = [{transform_indices = #map}, {transform_indices = #map1}, {transform_indices = #map1}, {transform_indices = #map}]} {
    %lt3A = arith.constant 14 : i32
    %lt3A_0 = arith.cmpi slt, %arg1, %lt3A : i32
    %convert_element_type3A = arith.extui %lt3A_0 : i1 to i32
    %cond3A = arith.constant 0 : i32
    %cond3A_1 = arith.cmpi ne, %convert_element_type3A, %cond3A : i32
    scf.if %cond3A_1 {
      %mul3A_68 = arith.constant 624 : i32
      %mul3A_69 = arith.muli %arg1, %mul3A_68 : i32
      %run_scoped3A = arith.constant 0 : i32
      "tpu.region"() ({
        %run_scoped3A_70 = tpu.sem_alloc : memref<!tpu.dma_semaphore, #tpu.memory_space<semaphore_mem>>
        %dma_start3A_71 = arith.constant 0 : i32
        %dma_start3A_72 = tpu.memref_slice %arg6[%mul3A_69, %dma_start3A_71] : memref<10000x64xf32, #tpu.memory_space<vmem_shared>> -> memref<624x64xf32, #tpu.memory_space<vmem_shared>>
        %dma_start3A_73 = arith.constant 0 : i32
        %dma_start3A_74 = tpu.memref_slice %arg2[%run_scoped3A, %mul3A_69, %dma_start3A_73] : memref<1x10000x64xf32, #tpu.memory_space<hbm>> -> memref<1x624x64xf32, #tpu.memory_space<hbm>>
        %dma_start3A_75 = tpu.memref_squeeze %dma_start3A_74 : memref<1x624x64xf32, #tpu.memory_space<hbm>> -> memref<624x64xf32, #tpu.memory_space<hbm>>
        tpu.enqueue_dma source(%dma_start3A_75 : memref<624x64xf32, #tpu.memory_space<hbm>>) target(%dma_start3A_72 : memref<624x64xf32, #tpu.memory_space<vmem_shared>>) target_semaphore(%run_scoped3A_70 : memref<!tpu.dma_semaphore, #tpu.memory_space<semaphore_mem>>)
        %dma_wait3A = arith.constant 0 : i32
        %dma_wait3A_76 = tpu.memref_slice %arg6[%mul3A_69, %dma_wait3A] : memref<10000x64xf32, #tpu.memory_space<vmem_shared>> -> memref<624x64xf32, #tpu.memory_space<vmem_shared>>
        %dma_wait3A_77 = arith.constant 0 : i32
        %dma_wait3A_78 = tpu.memref_slice %arg2[%run_scoped3A, %mul3A_69, %dma_wait3A_77] : memref<1x10000x64xf32, #tpu.memory_space<hbm>> -> memref<1x624x64xf32, #tpu.memory_space<hbm>>
        %dma_wait3A_79 = tpu.memref_squeeze %dma_wait3A_78 : memref<1x624x64xf32, #tpu.memory_space<hbm>> -> memref<624x64xf32, #tpu.memory_space<hbm>>
        tpu.wait_dma2 semaphore(%run_scoped3A_70 : memref<!tpu.dma_semaphore, #tpu.memory_space<semaphore_mem>>) src(%dma_wait3A_79 : memref<624x64xf32, #tpu.memory_space<hbm>>) dst(%dma_wait3A_76 : memref<624x64xf32, #tpu.memory_space<vmem_shared>>)
        tpu.yield
      }) : () -> ()
    } else {
    }
    %ge3A = arith.constant 14 : i32
    %ge3A_2 = arith.cmpi sge, %arg1, %ge3A : i32
    %convert_element_type3A_3 = arith.extui %ge3A_2 : i1 to i32
    %cond3A_4 = arith.constant 0 : i32
    %cond3A_5 = arith.cmpi ne, %convert_element_type3A_3, %cond3A_4 : i32
    scf.if %cond3A_5 {
      %sub3A = arith.constant 14 : i32
      %sub3A_68 = arith.subi %arg1, %sub3A : i32
      %mul3A_69 = arith.constant 632 : i32
      %mul3A_70 = arith.muli %sub3A_68, %mul3A_69 : i32
      %add3A_71 = arith.constant 8736 : i32
      %add3A_72 = arith.addi %add3A_71, %mul3A_70 : i32
      %run_scoped3A = arith.constant 0 : i32
      "tpu.region"() ({
        %run_scoped3A_73 = tpu.sem_alloc : memref<!tpu.dma_semaphore, #tpu.memory_space<semaphore_mem>>
        %dma_start3A_74 = arith.constant 0 : i32
        %dma_start3A_75 = tpu.memref_slice %arg6[%add3A_72, %dma_start3A_74] : memref<10000x64xf32, #tpu.memory_space<vmem_shared>> -> memref<632x64xf32, #tpu.memory_space<vmem_shared>>
        %dma_start3A_76 = arith.constant 0 : i32
        %dma_start3A_77 = tpu.memref_slice %arg2[%run_scoped3A, %add3A_72, %dma_start3A_76] : memref<1x10000x64xf32, #tpu.memory_space<hbm>> -> memref<1x632x64xf32, #tpu.memory_space<hbm>>
        %dma_start3A_78 = tpu.memref_squeeze %dma_start3A_77 : memref<1x632x64xf32, #tpu.memory_space<hbm>> -> memref<632x64xf32, #tpu.memory_space<hbm>>
        tpu.enqueue_dma source(%dma_start3A_78 : memref<632x64xf32, #tpu.memory_space<hbm>>) target(%dma_start3A_75 : memref<632x64xf32, #tpu.memory_space<vmem_shared>>) target_semaphore(%run_scoped3A_73 : memref<!tpu.dma_semaphore, #tpu.memory_space<semaphore_mem>>)
        %dma_wait3A = arith.constant 0 : i32
        %dma_wait3A_79 = tpu.memref_slice %arg6[%add3A_72, %dma_wait3A] : memref<10000x64xf32, #tpu.memory_space<vmem_shared>> -> memref<632x64xf32, #tpu.memory_space<vmem_shared>>
        %dma_wait3A_80 = arith.constant 0 : i32
        %dma_wait3A_81 = tpu.memref_slice %arg2[%run_scoped3A, %add3A_72, %dma_wait3A_80] : memref<1x10000x64xf32, #tpu.memory_space<hbm>> -> memref<1x632x64xf32, #tpu.memory_space<hbm>>
        %dma_wait3A_82 = tpu.memref_squeeze %dma_wait3A_81 : memref<1x632x64xf32, #tpu.memory_space<hbm>> -> memref<632x64xf32, #tpu.memory_space<hbm>>
        tpu.wait_dma2 semaphore(%run_scoped3A_73 : memref<!tpu.dma_semaphore, #tpu.memory_space<semaphore_mem>>) src(%dma_wait3A_82 : memref<632x64xf32, #tpu.memory_space<hbm>>) dst(%dma_wait3A_79 : memref<632x64xf32, #tpu.memory_space<vmem_shared>>)
        tpu.yield
      }) : () -> ()
    } else {
    }
    %barrier3A = arith.constant 0 : index
    tpu.barrier barrier_id(%barrier3A)
    %mul3A = arith.constant 16 : i32
    %mul3A_6 = arith.muli %arg0, %mul3A : i32
    %add3A = arith.addi %mul3A_6, %arg1 : i32
    %mul3A_7 = arith.constant 40 : i32
    %mul3A_8 = arith.muli %add3A, %mul3A_7 : i32
    %scan3A = arith.constant 0 : i32
    %mul3A_9 = arith.constant 1 : i32
    %mul3A_10 = arith.muli %scan3A, %mul3A_9 : i32
    %add3A_11 = arith.constant 0 : i32
    %add3A_12 = arith.addi %add3A_11, %mul3A_10 : i32
    %mul3A_13 = arith.constant 40 : i32
    %mul3A_14 = arith.muli %add3A_12, %mul3A_13 : i32
    %add3A_15 = arith.addi %mul3A_8, %mul3A_14 : i32
    "tpu.region"() ({
      %run_scoped3A = tpu.sem_alloc : memref<!tpu.dma_semaphore, #tpu.memory_space<semaphore_mem>>
      %dma_start3A_68 = arith.constant 0 : i32
      %dma_start3A_69 = tpu.memref_slice %arg3[%add3A_15, %dma_start3A_68] : memref<1280x125xi32, #tpu.memory_space<hbm>> -> memref<40x125xi32, #tpu.memory_space<hbm>>
      %dma_start3A_70 = arith.constant 0 : i32
      %dma_start3A_71 = tpu.memref_slice %arg3[%add3A_15, %dma_start3A_70] : memref<1280x125xi32, #tpu.memory_space<hbm>> -> memref<40x125xi32, #tpu.memory_space<hbm>>
      tpu.enqueue_dma source(%dma_start3A_71 : memref<40x125xi32, #tpu.memory_space<hbm>>) target(%arg7 : memref<40x125xi32, #tpu.memory_space<vmem>>) target_semaphore(%run_scoped3A : memref<!tpu.dma_semaphore, #tpu.memory_space<semaphore_mem>>)
      %dma_wait3A = arith.constant 0 : i32
      %dma_wait3A_72 = tpu.memref_slice %arg3[%add3A_15, %dma_wait3A] : memref<1280x125xi32, #tpu.memory_space<hbm>> -> memref<40x125xi32, #tpu.memory_space<hbm>>
      %dma_wait3A_73 = arith.constant 0 : i32
      %dma_wait3A_74 = tpu.memref_slice %arg3[%add3A_15, %dma_wait3A_73] : memref<1280x125xi32, #tpu.memory_space<hbm>> -> memref<40x125xi32, #tpu.memory_space<hbm>>
      tpu.wait_dma2 semaphore(%run_scoped3A : memref<!tpu.dma_semaphore, #tpu.memory_space<semaphore_mem>>) src(%dma_wait3A_74 : memref<40x125xi32, #tpu.memory_space<hbm>>) dst(%arg7 : memref<40x125xi32, #tpu.memory_space<vmem>>)
      tpu.yield
    }) : () -> ()
    "tpu.region"() ({
      %run_scoped3A = tpu.sem_alloc : memref<!tpu.dma_semaphore, #tpu.memory_space<semaphore_mem>>
      %dma_start3A_68 = arith.constant 0 : i32
      %dma_start3A_69 = tpu.memref_slice %arg4[%add3A_15, %dma_start3A_68] : memref<1280x125xi32, #tpu.memory_space<hbm>> -> memref<40x125xi32, #tpu.memory_space<hbm>>
      %dma_start3A_70 = arith.constant 0 : i32
      %dma_start3A_71 = tpu.memref_slice %arg4[%add3A_15, %dma_start3A_70] : memref<1280x125xi32, #tpu.memory_space<hbm>> -> memref<40x125xi32, #tpu.memory_space<hbm>>
      tpu.enqueue_dma source(%dma_start3A_71 : memref<40x125xi32, #tpu.memory_space<hbm>>) target(%arg8 : memref<40x125xi32, #tpu.memory_space<vmem>>) target_semaphore(%run_scoped3A : memref<!tpu.dma_semaphore, #tpu.memory_space<semaphore_mem>>)
      %dma_wait3A = arith.constant 0 : i32
      %dma_wait3A_72 = tpu.memref_slice %arg4[%add3A_15, %dma_wait3A] : memref<1280x125xi32, #tpu.memory_space<hbm>> -> memref<40x125xi32, #tpu.memory_space<hbm>>
      %dma_wait3A_73 = arith.constant 0 : i32
      %dma_wait3A_74 = tpu.memref_slice %arg4[%add3A_15, %dma_wait3A_73] : memref<1280x125xi32, #tpu.memory_space<hbm>> -> memref<40x125xi32, #tpu.memory_space<hbm>>
      tpu.wait_dma2 semaphore(%run_scoped3A : memref<!tpu.dma_semaphore, #tpu.memory_space<semaphore_mem>>) src(%dma_wait3A_74 : memref<40x125xi32, #tpu.memory_space<hbm>>) dst(%arg8 : memref<40x125xi32, #tpu.memory_space<vmem>>)
      tpu.yield
    }) : () -> ()
    %dma_start3A = arith.constant 0 : i32
    %dma_start3A_16 = arith.constant 0 : i32
    %dma_start3A_17 = arith.constant 0 : i32
    %dma_start3A_18 = tpu.memref_slice %arg7[%dma_start3A_16, %dma_start3A_17] : memref<40x125xi32, #tpu.memory_space<vmem>> -> memref<1x125xi32, #tpu.memory_space<vmem>>
    %dma_start3A_19 = tpu.memref_squeeze %dma_start3A_18 : memref<1x125xi32, #tpu.memory_space<vmem>> -> memref<125xi32, #tpu.memory_space<vmem>>
    %dma_start3A_20 = arith.constant 0 : i32
    %dma_start3A_21 = arith.constant 0 : i32
    %dma_start3A_22 = tpu.memref_slice %arg2[%dma_start3A, %dma_start3A_20, %dma_start3A_21] : memref<1x10000x64xf32, #tpu.memory_space<hbm>> -> memref<1x10000x64xf32, #tpu.memory_space<hbm>>
    %dma_start3A_23 = tpu.memref_squeeze %dma_start3A_22 : memref<1x10000x64xf32, #tpu.memory_space<hbm>> -> memref<10000x64xf32, #tpu.memory_space<hbm>>
    %dma_start3A_24 = arith.constant 0 : i32
    %dma_start3A_25 = arith.constant 0 : i32
    %dma_start3A_26 = tpu.memref_slice %dma_start3A_23[%dma_start3A_24, %dma_start3A_25] : memref<10000x64xf32, #tpu.memory_space<hbm>> -> memref<10000x64xf32, #tpu.memory_space<hbm>>
    tpu.enqueue_indirect_dma source(%dma_start3A_26 : memref<10000x64xf32, #tpu.memory_space<hbm>>) target(%arg9 : memref<125x64xf32, #tpu.memory_space<vmem>>) offsets(%dma_start3A_19 : memref<125xi32, #tpu.memory_space<vmem>>) semaphore(%arg13 : memref<!tpu.dma_semaphore, #tpu.memory_space<semaphore_mem>>)
    %dma_start3A_27 = arith.constant 0 : i32
    %dma_start3A_28 = arith.constant 1 : i32
    %dma_start3A_29 = arith.constant 0 : i32
    %dma_start3A_30 = tpu.memref_slice %arg7[%dma_start3A_28, %dma_start3A_29] : memref<40x125xi32, #tpu.memory_space<vmem>> -> memref<1x125xi32, #tpu.memory_space<vmem>>
    %dma_start3A_31 = tpu.memref_squeeze %dma_start3A_30 : memref<1x125xi32, #tpu.memory_space<vmem>> -> memref<125xi32, #tpu.memory_space<vmem>>
    %dma_start3A_32 = arith.constant 0 : i32
    %dma_start3A_33 = arith.constant 0 : i32
    %dma_start3A_34 = tpu.memref_slice %arg2[%dma_start3A_27, %dma_start3A_32, %dma_start3A_33] : memref<1x10000x64xf32, #tpu.memory_space<hbm>> -> memref<1x10000x64xf32, #tpu.memory_space<hbm>>
    %dma_start3A_35 = tpu.memref_squeeze %dma_start3A_34 : memref<1x10000x64xf32, #tpu.memory_space<hbm>> -> memref<10000x64xf32, #tpu.memory_space<hbm>>
    %dma_start3A_36 = arith.constant 0 : i32
    %dma_start3A_37 = arith.constant 0 : i32
    %dma_start3A_38 = tpu.memref_slice %dma_start3A_35[%dma_start3A_36, %dma_start3A_37] : memref<10000x64xf32, #tpu.memory_space<hbm>> -> memref<10000x64xf32, #tpu.memory_space<hbm>>
    tpu.enqueue_indirect_dma source(%dma_start3A_38 : memref<10000x64xf32, #tpu.memory_space<hbm>>) target(%arg10 : memref<125x64xf32, #tpu.memory_space<vmem>>) offsets(%dma_start3A_31 : memref<125xi32, #tpu.memory_space<vmem>>) semaphore(%arg14 : memref<!tpu.dma_semaphore, #tpu.memory_space<semaphore_mem>>)
    %dma_start3A_39 = arith.constant 0 : i32
    %dma_start3A_40 = arith.constant 2 : i32
    %dma_start3A_41 = arith.constant 0 : i32
    %dma_start3A_42 = tpu.memref_slice %arg7[%dma_start3A_40, %dma_start3A_41] : memref<40x125xi32, #tpu.memory_space<vmem>> -> memref<1x125xi32, #tpu.memory_space<vmem>>
    %dma_start3A_43 = tpu.memref_squeeze %dma_start3A_42 : memref<1x125xi32, #tpu.memory_space<vmem>> -> memref<125xi32, #tpu.memory_space<vmem>>
    %dma_start3A_44 = arith.constant 0 : i32
    %dma_start3A_45 = arith.constant 0 : i32
    %dma_start3A_46 = tpu.memref_slice %arg2[%dma_start3A_39, %dma_start3A_44, %dma_start3A_45] : memref<1x10000x64xf32, #tpu.memory_space<hbm>> -> memref<1x10000x64xf32, #tpu.memory_space<hbm>>
    %dma_start3A_47 = tpu.memref_squeeze %dma_start3A_46 : memref<1x10000x64xf32, #tpu.memory_space<hbm>> -> memref<10000x64xf32, #tpu.memory_space<hbm>>
    %dma_start3A_48 = arith.constant 0 : i32
    %dma_start3A_49 = arith.constant 0 : i32
    %dma_start3A_50 = tpu.memref_slice %dma_start3A_47[%dma_start3A_48, %dma_start3A_49] : memref<10000x64xf32, #tpu.memory_space<hbm>> -> memref<10000x64xf32, #tpu.memory_space<hbm>>
    tpu.enqueue_indirect_dma source(%dma_start3A_50 : memref<10000x64xf32, #tpu.memory_space<hbm>>) target(%arg11 : memref<125x64xf32, #tpu.memory_space<vmem>>) offsets(%dma_start3A_43 : memref<125xi32, #tpu.memory_space<vmem>>) semaphore(%arg15 : memref<!tpu.dma_semaphore, #tpu.memory_space<semaphore_mem>>)
    %scan3A_51 = arith.constant 0 : i32
    %scan3A_52 = arith.constant 10 : i32
    %scan3A_53 = arith.addi %scan3A_51, %scan3A_52 : i32
    %scan3A_54 = arith.constant 1 : i32
    scf.for %scan3A_68 = %scan3A_51 to %scan3A_53 step %scan3A_54  : i32 {
      %mul3A_69 = arith.constant 4 : i32
      %mul3A_70 = arith.muli %scan3A_68, %mul3A_69 : i32
      %add3A_71 = arith.constant 0 : i32
      %add3A_72 = arith.addi %add3A_71, %mul3A_70 : i32
      %add3A_73 = arith.constant 0 : i32
      %add3A_74 = arith.addi %add3A_72, %add3A_73 : i32
      %add3A_75 = arith.constant 4 : i32
      %add3A_76 = arith.addi %add3A_74, %add3A_75 : i32
      %sub3A = arith.constant 1 : i32
      %sub3A_77 = arith.subi %add3A_76, %sub3A : i32
      %dma_start3A_78 = arith.constant 0 : i32
      %dma_start3A_79 = arith.constant 0 : i32
      %dma_start3A_80 = tpu.memref_slice %arg7[%sub3A_77, %dma_start3A_79] : memref<40x125xi32, #tpu.memory_space<vmem>> -> memref<1x125xi32, #tpu.memory_space<vmem>>
      %dma_start3A_81 = tpu.memref_squeeze %dma_start3A_80 : memref<1x125xi32, #tpu.memory_space<vmem>> -> memref<125xi32, #tpu.memory_space<vmem>>
      %dma_start3A_82 = arith.constant 0 : i32
      %dma_start3A_83 = arith.constant 0 : i32
      %dma_start3A_84 = tpu.memref_slice %arg2[%dma_start3A_78, %dma_start3A_82, %dma_start3A_83] : memref<1x10000x64xf32, #tpu.memory_space<hbm>> -> memref<1x10000x64xf32, #tpu.memory_space<hbm>>
      %dma_start3A_85 = tpu.memref_squeeze %dma_start3A_84 : memref<1x10000x64xf32, #tpu.memory_space<hbm>> -> memref<10000x64xf32, #tpu.memory_space<hbm>>
      %dma_start3A_86 = arith.constant 0 : i32
      %dma_start3A_87 = arith.constant 0 : i32
      %dma_start3A_88 = tpu.memref_slice %dma_start3A_85[%dma_start3A_86, %dma_start3A_87] : memref<10000x64xf32, #tpu.memory_space<hbm>> -> memref<10000x64xf32, #tpu.memory_space<hbm>>
      tpu.enqueue_indirect_dma source(%dma_start3A_88 : memref<10000x64xf32, #tpu.memory_space<hbm>>) target(%arg12 : memref<125x64xf32, #tpu.memory_space<vmem>>) offsets(%dma_start3A_81 : memref<125xi32, #tpu.memory_space<vmem>>) semaphore(%arg16 : memref<!tpu.dma_semaphore, #tpu.memory_space<semaphore_mem>>)
      %add3A_89 = arith.constant 0 : i32
      %add3A_90 = arith.addi %add3A_72, %add3A_89 : i32
      %dma_wait3A = arith.constant 0 : i32
      %dma_wait3A_91 = arith.constant 0 : i32
      %dma_wait3A_92 = tpu.memref_slice %arg7[%add3A_90, %dma_wait3A_91] : memref<40x125xi32, #tpu.memory_space<vmem>> -> memref<1x125xi32, #tpu.memory_space<vmem>>
      %dma_wait3A_93 = tpu.memref_squeeze %dma_wait3A_92 : memref<1x125xi32, #tpu.memory_space<vmem>> -> memref<125xi32, #tpu.memory_space<vmem>>
      %dma_wait3A_94 = arith.constant 0 : i32
      %dma_wait3A_95 = arith.constant 0 : i32
      %dma_wait3A_96 = tpu.memref_slice %arg2[%dma_wait3A, %dma_wait3A_94, %dma_wait3A_95] : memref<1x10000x64xf32, #tpu.memory_space<hbm>> -> memref<1x10000x64xf32, #tpu.memory_space<hbm>>
      %dma_wait3A_97 = tpu.memref_squeeze %dma_wait3A_96 : memref<1x10000x64xf32, #tpu.memory_space<hbm>> -> memref<10000x64xf32, #tpu.memory_space<hbm>>
      %dma_wait3A_98 = arith.constant 0 : i32
      %dma_wait3A_99 = arith.constant 0 : i32
      %dma_wait3A_100 = tpu.memref_slice %dma_wait3A_97[%dma_wait3A_98, %dma_wait3A_99] : memref<10000x64xf32, #tpu.memory_space<hbm>> -> memref<10000x64xf32, #tpu.memory_space<hbm>>
      tpu.wait_indirect_dma semaphore(%arg13 : memref<!tpu.dma_semaphore, #tpu.memory_space<semaphore_mem>>) src(%dma_wait3A_100 : memref<10000x64xf32, #tpu.memory_space<hbm>>) dst(%arg9 : memref<125x64xf32, #tpu.memory_space<vmem>>)
      %add3A_101 = arith.constant 0 : i32
      %add3A_102 = arith.addi %add3A_72, %add3A_101 : i32
      "tpu.region"() ({
        %run_scoped3A = tpu.sem_alloc : memref<!tpu.dma_semaphore, #tpu.memory_space<semaphore_mem>>
        %dma_start3A_181 = arith.constant 0 : i32
        %dma_start3A_182 = tpu.memref_slice %arg8[%add3A_102, %dma_start3A_181] : memref<40x125xi32, #tpu.memory_space<vmem>> -> memref<1x125xi32, #tpu.memory_space<vmem>>
        %dma_start3A_183 = tpu.memref_squeeze %dma_start3A_182 : memref<1x125xi32, #tpu.memory_space<vmem>> -> memref<125xi32, #tpu.memory_space<vmem>>
        %dma_start3A_184 = arith.constant 0 : i32
        %dma_start3A_185 = arith.constant 0 : i32
        %dma_start3A_186 = tpu.memref_slice %arg6[%dma_start3A_184, %dma_start3A_185] : memref<10000x64xf32, #tpu.memory_space<vmem_shared>> -> memref<10000x64xf32, #tpu.memory_space<vmem_shared>>
        tpu.enqueue_indirect_dma source(%arg9 : memref<125x64xf32, #tpu.memory_space<vmem>>) target(%dma_start3A_186 : memref<10000x64xf32, #tpu.memory_space<vmem_shared>>) offsets(%dma_start3A_183 : memref<125xi32, #tpu.memory_space<vmem>>) semaphore(%run_scoped3A : memref<!tpu.dma_semaphore, #tpu.memory_space<semaphore_mem>>) {add = true}
        %dma_wait3A_187 = arith.constant 0 : i32
        %dma_wait3A_188 = tpu.memref_slice %arg8[%add3A_102, %dma_wait3A_187] : memref<40x125xi32, #tpu.memory_space<vmem>> -> memref<1x125xi32, #tpu.memory_space<vmem>>
        %dma_wait3A_189 = tpu.memref_squeeze %dma_wait3A_188 : memref<1x125xi32, #tpu.memory_space<vmem>> -> memref<125xi32, #tpu.memory_space<vmem>>
        %dma_wait3A_190 = arith.constant 0 : i32
        %dma_wait3A_191 = arith.constant 0 : i32
        %dma_wait3A_192 = tpu.memref_slice %arg6[%dma_wait3A_190, %dma_wait3A_191] : memref<10000x64xf32, #tpu.memory_space<vmem_shared>> -> memref<10000x64xf32, #tpu.memory_space<vmem_shared>>
        tpu.wait_indirect_dma semaphore(%run_scoped3A : memref<!tpu.dma_semaphore, #tpu.memory_space<semaphore_mem>>) src(%arg9 : memref<125x64xf32, #tpu.memory_space<vmem>>) dst(%dma_wait3A_192 : memref<10000x64xf32, #tpu.memory_space<vmem_shared>>)
        tpu.yield
      }) : () -> ()
      %add3A_103 = arith.constant 1 : i32
      %add3A_104 = arith.addi %add3A_72, %add3A_103 : i32
      %add3A_105 = arith.constant 4 : i32
      %add3A_106 = arith.addi %add3A_104, %add3A_105 : i32
      %sub3A_107 = arith.constant 1 : i32
      %sub3A_108 = arith.subi %add3A_106, %sub3A_107 : i32
      %lt3A_109 = arith.constant 40 : i32
      %lt3A_110 = arith.cmpi slt, %sub3A_108, %lt3A_109 : i32
      %convert_element_type3A_111 = arith.extui %lt3A_110 : i1 to i32
      %cond3A_112 = arith.constant 0 : i32
      %cond3A_113 = arith.cmpi ne, %convert_element_type3A_111, %cond3A_112 : i32
      scf.if %cond3A_113 {
        %dma_start3A_181 = arith.constant 0 : i32
        %dma_start3A_182 = arith.constant 0 : i32
        %dma_start3A_183 = tpu.memref_slice %arg7[%sub3A_108, %dma_start3A_182] : memref<40x125xi32, #tpu.memory_space<vmem>> -> memref<1x125xi32, #tpu.memory_space<vmem>>
        %dma_start3A_184 = tpu.memref_squeeze %dma_start3A_183 : memref<1x125xi32, #tpu.memory_space<vmem>> -> memref<125xi32, #tpu.memory_space<vmem>>
        %dma_start3A_185 = arith.constant 0 : i32
        %dma_start3A_186 = arith.constant 0 : i32
        %dma_start3A_187 = tpu.memref_slice %arg2[%dma_start3A_181, %dma_start3A_185, %dma_start3A_186] : memref<1x10000x64xf32, #tpu.memory_space<hbm>> -> memref<1x10000x64xf32, #tpu.memory_space<hbm>>
        %dma_start3A_188 = tpu.memref_squeeze %dma_start3A_187 : memref<1x10000x64xf32, #tpu.memory_space<hbm>> -> memref<10000x64xf32, #tpu.memory_space<hbm>>
        %dma_start3A_189 = arith.constant 0 : i32
        %dma_start3A_190 = arith.constant 0 : i32
        %dma_start3A_191 = tpu.memref_slice %dma_start3A_188[%dma_start3A_189, %dma_start3A_190] : memref<10000x64xf32, #tpu.memory_space<hbm>> -> memref<10000x64xf32, #tpu.memory_space<hbm>>
        tpu.enqueue_indirect_dma source(%dma_start3A_191 : memref<10000x64xf32, #tpu.memory_space<hbm>>) target(%arg9 : memref<125x64xf32, #tpu.memory_space<vmem>>) offsets(%dma_start3A_184 : memref<125xi32, #tpu.memory_space<vmem>>) semaphore(%arg13 : memref<!tpu.dma_semaphore, #tpu.memory_space<semaphore_mem>>)
      } else {
      }
      %add3A_114 = arith.constant 1 : i32
      %add3A_115 = arith.addi %add3A_72, %add3A_114 : i32
      %dma_wait3A_116 = arith.constant 0 : i32
      %dma_wait3A_117 = arith.constant 0 : i32
      %dma_wait3A_118 = tpu.memref_slice %arg7[%add3A_115, %dma_wait3A_117] : memref<40x125xi32, #tpu.memory_space<vmem>> -> memref<1x125xi32, #tpu.memory_space<vmem>>
      %dma_wait3A_119 = tpu.memref_squeeze %dma_wait3A_118 : memref<1x125xi32, #tpu.memory_space<vmem>> -> memref<125xi32, #tpu.memory_space<vmem>>
      %dma_wait3A_120 = arith.constant 0 : i32
      %dma_wait3A_121 = arith.constant 0 : i32
      %dma_wait3A_122 = tpu.memref_slice %arg2[%dma_wait3A_116, %dma_wait3A_120, %dma_wait3A_121] : memref<1x10000x64xf32, #tpu.memory_space<hbm>> -> memref<1x10000x64xf32, #tpu.memory_space<hbm>>
      %dma_wait3A_123 = tpu.memref_squeeze %dma_wait3A_122 : memref<1x10000x64xf32, #tpu.memory_space<hbm>> -> memref<10000x64xf32, #tpu.memory_space<hbm>>
      %dma_wait3A_124 = arith.constant 0 : i32
      %dma_wait3A_125 = arith.constant 0 : i32
      %dma_wait3A_126 = tpu.memref_slice %dma_wait3A_123[%dma_wait3A_124, %dma_wait3A_125] : memref<10000x64xf32, #tpu.memory_space<hbm>> -> memref<10000x64xf32, #tpu.memory_space<hbm>>
      tpu.wait_indirect_dma semaphore(%arg14 : memref<!tpu.dma_semaphore, #tpu.memory_space<semaphore_mem>>) src(%dma_wait3A_126 : memref<10000x64xf32, #tpu.memory_space<hbm>>) dst(%arg10 : memref<125x64xf32, #tpu.memory_space<vmem>>)
      %add3A_127 = arith.constant 1 : i32
      %add3A_128 = arith.addi %add3A_72, %add3A_127 : i32
      "tpu.region"() ({
        %run_scoped3A = tpu.sem_alloc : memref<!tpu.dma_semaphore, #tpu.memory_space<semaphore_mem>>
        %dma_start3A_181 = arith.constant 0 : i32
        %dma_start3A_182 = tpu.memref_slice %arg8[%add3A_128, %dma_start3A_181] : memref<40x125xi32, #tpu.memory_space<vmem>> -> memref<1x125xi32, #tpu.memory_space<vmem>>
        %dma_start3A_183 = tpu.memref_squeeze %dma_start3A_182 : memref<1x125xi32, #tpu.memory_space<vmem>> -> memref<125xi32, #tpu.memory_space<vmem>>
        %dma_start3A_184 = arith.constant 0 : i32
        %dma_start3A_185 = arith.constant 0 : i32
        %dma_start3A_186 = tpu.memref_slice %arg6[%dma_start3A_184, %dma_start3A_185] : memref<10000x64xf32, #tpu.memory_space<vmem_shared>> -> memref<10000x64xf32, #tpu.memory_space<vmem_shared>>
        tpu.enqueue_indirect_dma source(%arg10 : memref<125x64xf32, #tpu.memory_space<vmem>>) target(%dma_start3A_186 : memref<10000x64xf32, #tpu.memory_space<vmem_shared>>) offsets(%dma_start3A_183 : memref<125xi32, #tpu.memory_space<vmem>>) semaphore(%run_scoped3A : memref<!tpu.dma_semaphore, #tpu.memory_space<semaphore_mem>>) {add = true}
        %dma_wait3A_187 = arith.constant 0 : i32
        %dma_wait3A_188 = tpu.memref_slice %arg8[%add3A_128, %dma_wait3A_187] : memref<40x125xi32, #tpu.memory_space<vmem>> -> memref<1x125xi32, #tpu.memory_space<vmem>>
        %dma_wait3A_189 = tpu.memref_squeeze %dma_wait3A_188 : memref<1x125xi32, #tpu.memory_space<vmem>> -> memref<125xi32, #tpu.memory_space<vmem>>
        %dma_wait3A_190 = arith.constant 0 : i32
        %dma_wait3A_191 = arith.constant 0 : i32
        %dma_wait3A_192 = tpu.memref_slice %arg6[%dma_wait3A_190, %dma_wait3A_191] : memref<10000x64xf32, #tpu.memory_space<vmem_shared>> -> memref<10000x64xf32, #tpu.memory_space<vmem_shared>>
        tpu.wait_indirect_dma semaphore(%run_scoped3A : memref<!tpu.dma_semaphore, #tpu.memory_space<semaphore_mem>>) src(%arg10 : memref<125x64xf32, #tpu.memory_space<vmem>>) dst(%dma_wait3A_192 : memref<10000x64xf32, #tpu.memory_space<vmem_shared>>)
        tpu.yield
      }) : () -> ()
      %add3A_129 = arith.constant 2 : i32
      %add3A_130 = arith.addi %add3A_72, %add3A_129 : i32
      %add3A_131 = arith.constant 4 : i32
      %add3A_132 = arith.addi %add3A_130, %add3A_131 : i32
      %sub3A_133 = arith.constant 1 : i32
      %sub3A_134 = arith.subi %add3A_132, %sub3A_133 : i32
      %lt3A_135 = arith.constant 40 : i32
      %lt3A_136 = arith.cmpi slt, %sub3A_134, %lt3A_135 : i32
      %convert_element_type3A_137 = arith.extui %lt3A_136 : i1 to i32
      %cond3A_138 = arith.constant 0 : i32
      %cond3A_139 = arith.cmpi ne, %convert_element_type3A_137, %cond3A_138 : i32
      scf.if %cond3A_139 {
        %dma_start3A_181 = arith.constant 0 : i32
        %dma_start3A_182 = arith.constant 0 : i32
        %dma_start3A_183 = tpu.memref_slice %arg7[%sub3A_134, %dma_start3A_182] : memref<40x125xi32, #tpu.memory_space<vmem>> -> memref<1x125xi32, #tpu.memory_space<vmem>>
        %dma_start3A_184 = tpu.memref_squeeze %dma_start3A_183 : memref<1x125xi32, #tpu.memory_space<vmem>> -> memref<125xi32, #tpu.memory_space<vmem>>
        %dma_start3A_185 = arith.constant 0 : i32
        %dma_start3A_186 = arith.constant 0 : i32
        %dma_start3A_187 = tpu.memref_slice %arg2[%dma_start3A_181, %dma_start3A_185, %dma_start3A_186] : memref<1x10000x64xf32, #tpu.memory_space<hbm>> -> memref<1x10000x64xf32, #tpu.memory_space<hbm>>
        %dma_start3A_188 = tpu.memref_squeeze %dma_start3A_187 : memref<1x10000x64xf32, #tpu.memory_space<hbm>> -> memref<10000x64xf32, #tpu.memory_space<hbm>>
        %dma_start3A_189 = arith.constant 0 : i32
        %dma_start3A_190 = arith.constant 0 : i32
        %dma_start3A_191 = tpu.memref_slice %dma_start3A_188[%dma_start3A_189, %dma_start3A_190] : memref<10000x64xf32, #tpu.memory_space<hbm>> -> memref<10000x64xf32, #tpu.memory_space<hbm>>
        tpu.enqueue_indirect_dma source(%dma_start3A_191 : memref<10000x64xf32, #tpu.memory_space<hbm>>) target(%arg10 : memref<125x64xf32, #tpu.memory_space<vmem>>) offsets(%dma_start3A_184 : memref<125xi32, #tpu.memory_space<vmem>>) semaphore(%arg14 : memref<!tpu.dma_semaphore, #tpu.memory_space<semaphore_mem>>)
      } else {
      }
      %add3A_140 = arith.constant 2 : i32
      %add3A_141 = arith.addi %add3A_72, %add3A_140 : i32
      %dma_wait3A_142 = arith.constant 0 : i32
      %dma_wait3A_143 = arith.constant 0 : i32
      %dma_wait3A_144 = tpu.memref_slice %arg7[%add3A_141, %dma_wait3A_143] : memref<40x125xi32, #tpu.memory_space<vmem>> -> memref<1x125xi32, #tpu.memory_space<vmem>>
      %dma_wait3A_145 = tpu.memref_squeeze %dma_wait3A_144 : memref<1x125xi32, #tpu.memory_space<vmem>> -> memref<125xi32, #tpu.memory_space<vmem>>
      %dma_wait3A_146 = arith.constant 0 : i32
      %dma_wait3A_147 = arith.constant 0 : i32
      %dma_wait3A_148 = tpu.memref_slice %arg2[%dma_wait3A_142, %dma_wait3A_146, %dma_wait3A_147] : memref<1x10000x64xf32, #tpu.memory_space<hbm>> -> memref<1x10000x64xf32, #tpu.memory_space<hbm>>
      %dma_wait3A_149 = tpu.memref_squeeze %dma_wait3A_148 : memref<1x10000x64xf32, #tpu.memory_space<hbm>> -> memref<10000x64xf32, #tpu.memory_space<hbm>>
      %dma_wait3A_150 = arith.constant 0 : i32
      %dma_wait3A_151 = arith.constant 0 : i32
      %dma_wait3A_152 = tpu.memref_slice %dma_wait3A_149[%dma_wait3A_150, %dma_wait3A_151] : memref<10000x64xf32, #tpu.memory_space<hbm>> -> memref<10000x64xf32, #tpu.memory_space<hbm>>
      tpu.wait_indirect_dma semaphore(%arg15 : memref<!tpu.dma_semaphore, #tpu.memory_space<semaphore_mem>>) src(%dma_wait3A_152 : memref<10000x64xf32, #tpu.memory_space<hbm>>) dst(%arg11 : memref<125x64xf32, #tpu.memory_space<vmem>>)
      %add3A_153 = arith.constant 2 : i32
      %add3A_154 = arith.addi %add3A_72, %add3A_153 : i32
      "tpu.region"() ({
        %run_scoped3A = tpu.sem_alloc : memref<!tpu.dma_semaphore, #tpu.memory_space<semaphore_mem>>
        %dma_start3A_181 = arith.constant 0 : i32
        %dma_start3A_182 = tpu.memref_slice %arg8[%add3A_154, %dma_start3A_181] : memref<40x125xi32, #tpu.memory_space<vmem>> -> memref<1x125xi32, #tpu.memory_space<vmem>>
        %dma_start3A_183 = tpu.memref_squeeze %dma_start3A_182 : memref<1x125xi32, #tpu.memory_space<vmem>> -> memref<125xi32, #tpu.memory_space<vmem>>
        %dma_start3A_184 = arith.constant 0 : i32
        %dma_start3A_185 = arith.constant 0 : i32
        %dma_start3A_186 = tpu.memref_slice %arg6[%dma_start3A_184, %dma_start3A_185] : memref<10000x64xf32, #tpu.memory_space<vmem_shared>> -> memref<10000x64xf32, #tpu.memory_space<vmem_shared>>
        tpu.enqueue_indirect_dma source(%arg11 : memref<125x64xf32, #tpu.memory_space<vmem>>) target(%dma_start3A_186 : memref<10000x64xf32, #tpu.memory_space<vmem_shared>>) offsets(%dma_start3A_183 : memref<125xi32, #tpu.memory_space<vmem>>) semaphore(%run_scoped3A : memref<!tpu.dma_semaphore, #tpu.memory_space<semaphore_mem>>) {add = true}
        %dma_wait3A_187 = arith.constant 0 : i32
        %dma_wait3A_188 = tpu.memref_slice %arg8[%add3A_154, %dma_wait3A_187] : memref<40x125xi32, #tpu.memory_space<vmem>> -> memref<1x125xi32, #tpu.memory_space<vmem>>
        %dma_wait3A_189 = tpu.memref_squeeze %dma_wait3A_188 : memref<1x125xi32, #tpu.memory_space<vmem>> -> memref<125xi32, #tpu.memory_space<vmem>>
        %dma_wait3A_190 = arith.constant 0 : i32
        %dma_wait3A_191 = arith.constant 0 : i32
        %dma_wait3A_192 = tpu.memref_slice %arg6[%dma_wait3A_190, %dma_wait3A_191] : memref<10000x64xf32, #tpu.memory_space<vmem_shared>> -> memref<10000x64xf32, #tpu.memory_space<vmem_shared>>
        tpu.wait_indirect_dma semaphore(%run_scoped3A : memref<!tpu.dma_semaphore, #tpu.memory_space<semaphore_mem>>) src(%arg11 : memref<125x64xf32, #tpu.memory_space<vmem>>) dst(%dma_wait3A_192 : memref<10000x64xf32, #tpu.memory_space<vmem_shared>>)
        tpu.yield
      }) : () -> ()
      %add3A_155 = arith.constant 3 : i32
      %add3A_156 = arith.addi %add3A_72, %add3A_155 : i32
      %add3A_157 = arith.constant 4 : i32
      %add3A_158 = arith.addi %add3A_156, %add3A_157 : i32
      %sub3A_159 = arith.constant 1 : i32
      %sub3A_160 = arith.subi %add3A_158, %sub3A_159 : i32
      %lt3A_161 = arith.constant 40 : i32
      %lt3A_162 = arith.cmpi slt, %sub3A_160, %lt3A_161 : i32
      %convert_element_type3A_163 = arith.extui %lt3A_162 : i1 to i32
      %cond3A_164 = arith.constant 0 : i32
      %cond3A_165 = arith.cmpi ne, %convert_element_type3A_163, %cond3A_164 : i32
      scf.if %cond3A_165 {
        %dma_start3A_181 = arith.constant 0 : i32
        %dma_start3A_182 = arith.constant 0 : i32
        %dma_start3A_183 = tpu.memref_slice %arg7[%sub3A_160, %dma_start3A_182] : memref<40x125xi32, #tpu.memory_space<vmem>> -> memref<1x125xi32, #tpu.memory_space<vmem>>
        %dma_start3A_184 = tpu.memref_squeeze %dma_start3A_183 : memref<1x125xi32, #tpu.memory_space<vmem>> -> memref<125xi32, #tpu.memory_space<vmem>>
        %dma_start3A_185 = arith.constant 0 : i32
        %dma_start3A_186 = arith.constant 0 : i32
        %dma_start3A_187 = tpu.memref_slice %arg2[%dma_start3A_181, %dma_start3A_185, %dma_start3A_186] : memref<1x10000x64xf32, #tpu.memory_space<hbm>> -> memref<1x10000x64xf32, #tpu.memory_space<hbm>>
        %dma_start3A_188 = tpu.memref_squeeze %dma_start3A_187 : memref<1x10000x64xf32, #tpu.memory_space<hbm>> -> memref<10000x64xf32, #tpu.memory_space<hbm>>
        %dma_start3A_189 = arith.constant 0 : i32
        %dma_start3A_190 = arith.constant 0 : i32
        %dma_start3A_191 = tpu.memref_slice %dma_start3A_188[%dma_start3A_189, %dma_start3A_190] : memref<10000x64xf32, #tpu.memory_space<hbm>> -> memref<10000x64xf32, #tpu.memory_space<hbm>>
        tpu.enqueue_indirect_dma source(%dma_start3A_191 : memref<10000x64xf32, #tpu.memory_space<hbm>>) target(%arg11 : memref<125x64xf32, #tpu.memory_space<vmem>>) offsets(%dma_start3A_184 : memref<125xi32, #tpu.memory_space<vmem>>) semaphore(%arg15 : memref<!tpu.dma_semaphore, #tpu.memory_space<semaphore_mem>>)
      } else {
      }
      %add3A_166 = arith.constant 3 : i32
      %add3A_167 = arith.addi %add3A_72, %add3A_166 : i32
      %dma_wait3A_168 = arith.constant 0 : i32
      %dma_wait3A_169 = arith.constant 0 : i32
      %dma_wait3A_170 = tpu.memref_slice %arg7[%add3A_167, %dma_wait3A_169] : memref<40x125xi32, #tpu.memory_space<vmem>> -> memref<1x125xi32, #tpu.memory_space<vmem>>
      %dma_wait3A_171 = tpu.memref_squeeze %dma_wait3A_170 : memref<1x125xi32, #tpu.memory_space<vmem>> -> memref<125xi32, #tpu.memory_space<vmem>>
      %dma_wait3A_172 = arith.constant 0 : i32
      %dma_wait3A_173 = arith.constant 0 : i32
      %dma_wait3A_174 = tpu.memref_slice %arg2[%dma_wait3A_168, %dma_wait3A_172, %dma_wait3A_173] : memref<1x10000x64xf32, #tpu.memory_space<hbm>> -> memref<1x10000x64xf32, #tpu.memory_space<hbm>>
      %dma_wait3A_175 = tpu.memref_squeeze %dma_wait3A_174 : memref<1x10000x64xf32, #tpu.memory_space<hbm>> -> memref<10000x64xf32, #tpu.memory_space<hbm>>
      %dma_wait3A_176 = arith.constant 0 : i32
      %dma_wait3A_177 = arith.constant 0 : i32
      %dma_wait3A_178 = tpu.memref_slice %dma_wait3A_175[%dma_wait3A_176, %dma_wait3A_177] : memref<10000x64xf32, #tpu.memory_space<hbm>> -> memref<10000x64xf32, #tpu.memory_space<hbm>>
      tpu.wait_indirect_dma semaphore(%arg16 : memref<!tpu.dma_semaphore, #tpu.memory_space<semaphore_mem>>) src(%dma_wait3A_178 : memref<10000x64xf32, #tpu.memory_space<hbm>>) dst(%arg12 : memref<125x64xf32, #tpu.memory_space<vmem>>)
      %add3A_179 = arith.constant 3 : i32
      %add3A_180 = arith.addi %add3A_72, %add3A_179 : i32
      "tpu.region"() ({
        %run_scoped3A = tpu.sem_alloc : memref<!tpu.dma_semaphore, #tpu.memory_space<semaphore_mem>>
        %dma_start3A_181 = arith.constant 0 : i32
        %dma_start3A_182 = tpu.memref_slice %arg8[%add3A_180, %dma_start3A_181] : memref<40x125xi32, #tpu.memory_space<vmem>> -> memref<1x125xi32, #tpu.memory_space<vmem>>
        %dma_start3A_183 = tpu.memref_squeeze %dma_start3A_182 : memref<1x125xi32, #tpu.memory_space<vmem>> -> memref<125xi32, #tpu.memory_space<vmem>>
        %dma_start3A_184 = arith.constant 0 : i32
        %dma_start3A_185 = arith.constant 0 : i32
        %dma_start3A_186 = tpu.memref_slice %arg6[%dma_start3A_184, %dma_start3A_185] : memref<10000x64xf32, #tpu.memory_space<vmem_shared>> -> memref<10000x64xf32, #tpu.memory_space<vmem_shared>>
        tpu.enqueue_indirect_dma source(%arg12 : memref<125x64xf32, #tpu.memory_space<vmem>>) target(%dma_start3A_186 : memref<10000x64xf32, #tpu.memory_space<vmem_shared>>) offsets(%dma_start3A_183 : memref<125xi32, #tpu.memory_space<vmem>>) semaphore(%run_scoped3A : memref<!tpu.dma_semaphore, #tpu.memory_space<semaphore_mem>>) {add = true}
        %dma_wait3A_187 = arith.constant 0 : i32
        %dma_wait3A_188 = tpu.memref_slice %arg8[%add3A_180, %dma_wait3A_187] : memref<40x125xi32, #tpu.memory_space<vmem>> -> memref<1x125xi32, #tpu.memory_space<vmem>>
        %dma_wait3A_189 = tpu.memref_squeeze %dma_wait3A_188 : memref<1x125xi32, #tpu.memory_space<vmem>> -> memref<125xi32, #tpu.memory_space<vmem>>
        %dma_wait3A_190 = arith.constant 0 : i32
        %dma_wait3A_191 = arith.constant 0 : i32
        %dma_wait3A_192 = tpu.memref_slice %arg6[%dma_wait3A_190, %dma_wait3A_191] : memref<10000x64xf32, #tpu.memory_space<vmem_shared>> -> memref<10000x64xf32, #tpu.memory_space<vmem_shared>>
        tpu.wait_indirect_dma semaphore(%run_scoped3A : memref<!tpu.dma_semaphore, #tpu.memory_space<semaphore_mem>>) src(%arg12 : memref<125x64xf32, #tpu.memory_space<vmem>>) dst(%dma_wait3A_192 : memref<10000x64xf32, #tpu.memory_space<vmem_shared>>)
        tpu.yield
      }) : () -> ()
    }
    %scan3A_55 = arith.constant 10 : i32
    %scan3A_56 = arith.constant 1 : i32
    %barrier3A_57 = arith.constant 0 : index
    tpu.barrier barrier_id(%barrier3A_57)
    %lt3A_58 = arith.constant 14 : i32
    %lt3A_59 = arith.cmpi slt, %arg1, %lt3A_58 : i32
    %convert_element_type3A_60 = arith.extui %lt3A_59 : i1 to i32
    %cond3A_61 = arith.constant 0 : i32
    %cond3A_62 = arith.cmpi ne, %convert_element_type3A_60, %cond3A_61 : i32
    scf.if %cond3A_62 {
      %mul3A_68 = arith.constant 624 : i32
      %mul3A_69 = arith.muli %arg1, %mul3A_68 : i32
      "tpu.region"() ({
        %run_scoped3A = tpu.sem_alloc : memref<!tpu.dma_semaphore, #tpu.memory_space<semaphore_mem>>
        %dma_start3A_70 = arith.constant 0 : i32
        %dma_start3A_71 = tpu.memref_slice %arg5[%arg0, %mul3A_69, %dma_start3A_70] : memref<2x10000x64xf32, #tpu.memory_space<hbm>> -> memref<1x624x64xf32, #tpu.memory_space<hbm>>
        %dma_start3A_72 = tpu.memref_squeeze %dma_start3A_71 : memref<1x624x64xf32, #tpu.memory_space<hbm>> -> memref<624x64xf32, #tpu.memory_space<hbm>>
        %dma_start3A_73 = arith.constant 0 : i32
        %dma_start3A_74 = tpu.memref_slice %arg6[%mul3A_69, %dma_start3A_73] : memref<10000x64xf32, #tpu.memory_space<vmem_shared>> -> memref<624x64xf32, #tpu.memory_space<vmem_shared>>
        tpu.enqueue_dma source(%dma_start3A_74 : memref<624x64xf32, #tpu.memory_space<vmem_shared>>) target(%dma_start3A_72 : memref<624x64xf32, #tpu.memory_space<hbm>>) target_semaphore(%run_scoped3A : memref<!tpu.dma_semaphore, #tpu.memory_space<semaphore_mem>>)
        %dma_wait3A = arith.constant 0 : i32
        %dma_wait3A_75 = tpu.memref_slice %arg5[%arg0, %mul3A_69, %dma_wait3A] : memref<2x10000x64xf32, #tpu.memory_space<hbm>> -> memref<1x624x64xf32, #tpu.memory_space<hbm>>
        %dma_wait3A_76 = tpu.memref_squeeze %dma_wait3A_75 : memref<1x624x64xf32, #tpu.memory_space<hbm>> -> memref<624x64xf32, #tpu.memory_space<hbm>>
        %dma_wait3A_77 = arith.constant 0 : i32
        %dma_wait3A_78 = tpu.memref_slice %arg6[%mul3A_69, %dma_wait3A_77] : memref<10000x64xf32, #tpu.memory_space<vmem_shared>> -> memref<624x64xf32, #tpu.memory_space<vmem_shared>>
        tpu.wait_dma2 semaphore(%run_scoped3A : memref<!tpu.dma_semaphore, #tpu.memory_space<semaphore_mem>>) src(%dma_wait3A_78 : memref<624x64xf32, #tpu.memory_space<vmem_shared>>) dst(%dma_wait3A_76 : memref<624x64xf32, #tpu.memory_space<hbm>>)
        tpu.yield
      }) : () -> ()
    } else {
    }
    %ge3A_63 = arith.constant 14 : i32
    %ge3A_64 = arith.cmpi sge, %arg1, %ge3A_63 : i32
    %convert_element_type3A_65 = arith.extui %ge3A_64 : i1 to i32
    %cond3A_66 = arith.constant 0 : i32
    %cond3A_67 = arith.cmpi ne, %convert_element_type3A_65, %cond3A_66 : i32
    scf.if %cond3A_67 {
      %sub3A = arith.constant 14 : i32
      %sub3A_68 = arith.subi %arg1, %sub3A : i32
      %mul3A_69 = arith.constant 632 : i32
      %mul3A_70 = arith.muli %sub3A_68, %mul3A_69 : i32
      %add3A_71 = arith.constant 8736 : i32
      %add3A_72 = arith.addi %add3A_71, %mul3A_70 : i32
      "tpu.region"() ({
        %run_scoped3A = tpu.sem_alloc : memref<!tpu.dma_semaphore, #tpu.memory_space<semaphore_mem>>
        %dma_start3A_73 = arith.constant 0 : i32
        %dma_start3A_74 = tpu.memref_slice %arg5[%arg0, %add3A_72, %dma_start3A_73] : memref<2x10000x64xf32, #tpu.memory_space<hbm>> -> memref<1x632x64xf32, #tpu.memory_space<hbm>>
        %dma_start3A_75 = tpu.memref_squeeze %dma_start3A_74 : memref<1x632x64xf32, #tpu.memory_space<hbm>> -> memref<632x64xf32, #tpu.memory_space<hbm>>
        %dma_start3A_76 = arith.constant 0 : i32
        %dma_start3A_77 = tpu.memref_slice %arg6[%add3A_72, %dma_start3A_76] : memref<10000x64xf32, #tpu.memory_space<vmem_shared>> -> memref<632x64xf32, #tpu.memory_space<vmem_shared>>
        tpu.enqueue_dma source(%dma_start3A_77 : memref<632x64xf32, #tpu.memory_space<vmem_shared>>) target(%dma_start3A_75 : memref<632x64xf32, #tpu.memory_space<hbm>>) target_semaphore(%run_scoped3A : memref<!tpu.dma_semaphore, #tpu.memory_space<semaphore_mem>>)
        %dma_wait3A = arith.constant 0 : i32
        %dma_wait3A_78 = tpu.memref_slice %arg5[%arg0, %add3A_72, %dma_wait3A] : memref<2x10000x64xf32, #tpu.memory_space<hbm>> -> memref<1x632x64xf32, #tpu.memory_space<hbm>>
        %dma_wait3A_79 = tpu.memref_squeeze %dma_wait3A_78 : memref<1x632x64xf32, #tpu.memory_space<hbm>> -> memref<632x64xf32, #tpu.memory_space<hbm>>
        %dma_wait3A_80 = arith.constant 0 : i32
        %dma_wait3A_81 = tpu.memref_slice %arg6[%add3A_72, %dma_wait3A_80] : memref<10000x64xf32, #tpu.memory_space<vmem_shared>> -> memref<632x64xf32, #tpu.memory_space<vmem_shared>>
        tpu.wait_dma2 semaphore(%run_scoped3A : memref<!tpu.dma_semaphore, #tpu.memory_space<semaphore_mem>>) src(%dma_wait3A_81 : memref<632x64xf32, #tpu.memory_space<vmem_shared>>) dst(%dma_wait3A_79 : memref<632x64xf32, #tpu.memory_space<hbm>>)
        tpu.yield
      }) : () -> ()
    } else {
    }
    return
  }
}

#map = affine_map<(d0, d1) -> (0, 0, 0)>
#map1 = affine_map<(d0, d1) -> (0, 0)>
module attributes {stable_mosaic.version = 14 : i64} {
  func.func @agg_kernel(%arg0: i32, %arg1: i32, %arg2: memref<2x10000x128xf32, #tpu.memory_space<hbm>>, %arg3: memref<1280x125xi32, #tpu.memory_space<hbm>>, %arg4: memref<1280x125xi32, #tpu.memory_space<hbm>>, %arg5: memref<2x10000x128xf32, #tpu.memory_space<hbm>>, %arg6: memref<10000x128xf32, #tpu.memory_space<vmem_shared>>, %arg7: memref<40x125xi32, #tpu.memory_space<vmem>>, %arg8: memref<40x125xi32, #tpu.memory_space<vmem>>, %arg9: memref<125x128xf32, #tpu.memory_space<vmem>>, %arg10: memref<125x128xf32, #tpu.memory_space<vmem>>, %arg11: memref<!tpu.dma_semaphore, #tpu.memory_space<semaphore_mem>>, %arg12: memref<!tpu.dma_semaphore, #tpu.memory_space<semaphore_mem>>) attributes {dimension_semantics = [#tpu.dimension_semantics<core_parallel>, #tpu.dimension_semantics<subcore_parallel>], iteration_bounds = array<i64: 2, 16>, scalar_prefetch = 0 : i64, scratch_operands = 7 : i64, tpu.core_type = #tpu.core_type<sc_vector_subcore>, window_params = [{transform_indices = #map}, {transform_indices = #map1}, {transform_indices = #map1}, {transform_indices = #map}]} {
    %lt3A = arith.constant 14 : i32
    %lt3A_0 = arith.cmpi slt, %arg1, %lt3A : i32
    %convert_element_type3A = arith.extui %lt3A_0 : i1 to i32
    %cond3A = arith.constant 0 : i32
    %cond3A_1 = arith.cmpi ne, %convert_element_type3A, %cond3A : i32
    scf.if %cond3A_1 {
      %mul3A_22 = arith.constant 624 : i32
      %mul3A_23 = arith.muli %arg1, %mul3A_22 : i32
      "tpu.region"() ({
        %run_scoped3A = tpu.sem_alloc : memref<!tpu.dma_semaphore, #tpu.memory_space<semaphore_mem>>
        %dma_start3A = arith.constant 0 : i32
        %dma_start3A_24 = tpu.memref_slice %arg6[%mul3A_23, %dma_start3A] : memref<10000x128xf32, #tpu.memory_space<vmem_shared>> -> memref<624x128xf32, #tpu.memory_space<vmem_shared>>
        %dma_start3A_25 = arith.constant 0 : i32
        %dma_start3A_26 = tpu.memref_slice %arg2[%arg0, %mul3A_23, %dma_start3A_25] : memref<2x10000x128xf32, #tpu.memory_space<hbm>> -> memref<1x624x128xf32, #tpu.memory_space<hbm>>
        %dma_start3A_27 = tpu.memref_squeeze %dma_start3A_26 : memref<1x624x128xf32, #tpu.memory_space<hbm>> -> memref<624x128xf32, #tpu.memory_space<hbm>>
        tpu.enqueue_dma source(%dma_start3A_27 : memref<624x128xf32, #tpu.memory_space<hbm>>) target(%dma_start3A_24 : memref<624x128xf32, #tpu.memory_space<vmem_shared>>) target_semaphore(%run_scoped3A : memref<!tpu.dma_semaphore, #tpu.memory_space<semaphore_mem>>)
        %dma_wait3A = arith.constant 0 : i32
        %dma_wait3A_28 = tpu.memref_slice %arg6[%mul3A_23, %dma_wait3A] : memref<10000x128xf32, #tpu.memory_space<vmem_shared>> -> memref<624x128xf32, #tpu.memory_space<vmem_shared>>
        %dma_wait3A_29 = arith.constant 0 : i32
        %dma_wait3A_30 = tpu.memref_slice %arg2[%arg0, %mul3A_23, %dma_wait3A_29] : memref<2x10000x128xf32, #tpu.memory_space<hbm>> -> memref<1x624x128xf32, #tpu.memory_space<hbm>>
        %dma_wait3A_31 = tpu.memref_squeeze %dma_wait3A_30 : memref<1x624x128xf32, #tpu.memory_space<hbm>> -> memref<624x128xf32, #tpu.memory_space<hbm>>
        tpu.wait_dma2 semaphore(%run_scoped3A : memref<!tpu.dma_semaphore, #tpu.memory_space<semaphore_mem>>) src(%dma_wait3A_31 : memref<624x128xf32, #tpu.memory_space<hbm>>) dst(%dma_wait3A_28 : memref<624x128xf32, #tpu.memory_space<vmem_shared>>)
        tpu.yield
      }) : () -> ()
    } else {
    }
    %ge3A = arith.constant 14 : i32
    %ge3A_2 = arith.cmpi sge, %arg1, %ge3A : i32
    %convert_element_type3A_3 = arith.extui %ge3A_2 : i1 to i32
    %cond3A_4 = arith.constant 0 : i32
    %cond3A_5 = arith.cmpi ne, %convert_element_type3A_3, %cond3A_4 : i32
    scf.if %cond3A_5 {
      %sub3A = arith.constant 14 : i32
      %sub3A_22 = arith.subi %arg1, %sub3A : i32
      %mul3A_23 = arith.constant 632 : i32
      %mul3A_24 = arith.muli %sub3A_22, %mul3A_23 : i32
      %add3A = arith.constant 8736 : i32
      %add3A_25 = arith.addi %add3A, %mul3A_24 : i32
      "tpu.region"() ({
        %run_scoped3A = tpu.sem_alloc : memref<!tpu.dma_semaphore, #tpu.memory_space<semaphore_mem>>
        %dma_start3A = arith.constant 0 : i32
        %dma_start3A_26 = tpu.memref_slice %arg6[%add3A_25, %dma_start3A] : memref<10000x128xf32, #tpu.memory_space<vmem_shared>> -> memref<632x128xf32, #tpu.memory_space<vmem_shared>>
        %dma_start3A_27 = arith.constant 0 : i32
        %dma_start3A_28 = tpu.memref_slice %arg2[%arg0, %add3A_25, %dma_start3A_27] : memref<2x10000x128xf32, #tpu.memory_space<hbm>> -> memref<1x632x128xf32, #tpu.memory_space<hbm>>
        %dma_start3A_29 = tpu.memref_squeeze %dma_start3A_28 : memref<1x632x128xf32, #tpu.memory_space<hbm>> -> memref<632x128xf32, #tpu.memory_space<hbm>>
        tpu.enqueue_dma source(%dma_start3A_29 : memref<632x128xf32, #tpu.memory_space<hbm>>) target(%dma_start3A_26 : memref<632x128xf32, #tpu.memory_space<vmem_shared>>) target_semaphore(%run_scoped3A : memref<!tpu.dma_semaphore, #tpu.memory_space<semaphore_mem>>)
        %dma_wait3A = arith.constant 0 : i32
        %dma_wait3A_30 = tpu.memref_slice %arg6[%add3A_25, %dma_wait3A] : memref<10000x128xf32, #tpu.memory_space<vmem_shared>> -> memref<632x128xf32, #tpu.memory_space<vmem_shared>>
        %dma_wait3A_31 = arith.constant 0 : i32
        %dma_wait3A_32 = tpu.memref_slice %arg2[%arg0, %add3A_25, %dma_wait3A_31] : memref<2x10000x128xf32, #tpu.memory_space<hbm>> -> memref<1x632x128xf32, #tpu.memory_space<hbm>>
        %dma_wait3A_33 = tpu.memref_squeeze %dma_wait3A_32 : memref<1x632x128xf32, #tpu.memory_space<hbm>> -> memref<632x128xf32, #tpu.memory_space<hbm>>
        tpu.wait_dma2 semaphore(%run_scoped3A : memref<!tpu.dma_semaphore, #tpu.memory_space<semaphore_mem>>) src(%dma_wait3A_33 : memref<632x128xf32, #tpu.memory_space<hbm>>) dst(%dma_wait3A_30 : memref<632x128xf32, #tpu.memory_space<vmem_shared>>)
        tpu.yield
      }) : () -> ()
    } else {
    }
    %barrier3A = arith.constant 0 : index
    tpu.barrier barrier_id(%barrier3A)
    %mul3A = arith.constant 80 : i32
    %mul3A_6 = arith.muli %arg1, %mul3A : i32
    %scan3A = arith.constant 0 : i32
    %scan3A_7 = arith.constant 2 : i32
    %scan3A_8 = arith.addi %scan3A, %scan3A_7 : i32
    %scan3A_9 = arith.constant 1 : i32
    scf.for %scan3A_22 = %scan3A to %scan3A_8 step %scan3A_9  : i32 {
      %mul3A_23 = arith.constant 1 : i32
      %mul3A_24 = arith.muli %scan3A_22, %mul3A_23 : i32
      %add3A = arith.constant 0 : i32
      %add3A_25 = arith.addi %add3A, %mul3A_24 : i32
      %mul3A_26 = arith.constant 40 : i32
      %mul3A_27 = arith.muli %add3A_25, %mul3A_26 : i32
      %add3A_28 = arith.addi %mul3A_6, %mul3A_27 : i32
      "tpu.region"() ({
        %run_scoped3A = tpu.sem_alloc : memref<!tpu.dma_semaphore, #tpu.memory_space<semaphore_mem>>
        %dma_start3A_44 = arith.constant 0 : i32
        %dma_start3A_45 = tpu.memref_slice %arg3[%add3A_28, %dma_start3A_44] : memref<1280x125xi32, #tpu.memory_space<hbm>> -> memref<40x125xi32, #tpu.memory_space<hbm>>
        %dma_start3A_46 = arith.constant 0 : i32
        %dma_start3A_47 = tpu.memref_slice %arg3[%add3A_28, %dma_start3A_46] : memref<1280x125xi32, #tpu.memory_space<hbm>> -> memref<40x125xi32, #tpu.memory_space<hbm>>
        tpu.enqueue_dma source(%dma_start3A_47 : memref<40x125xi32, #tpu.memory_space<hbm>>) target(%arg7 : memref<40x125xi32, #tpu.memory_space<vmem>>) target_semaphore(%run_scoped3A : memref<!tpu.dma_semaphore, #tpu.memory_space<semaphore_mem>>)
        %dma_wait3A = arith.constant 0 : i32
        %dma_wait3A_48 = tpu.memref_slice %arg3[%add3A_28, %dma_wait3A] : memref<1280x125xi32, #tpu.memory_space<hbm>> -> memref<40x125xi32, #tpu.memory_space<hbm>>
        %dma_wait3A_49 = arith.constant 0 : i32
        %dma_wait3A_50 = tpu.memref_slice %arg3[%add3A_28, %dma_wait3A_49] : memref<1280x125xi32, #tpu.memory_space<hbm>> -> memref<40x125xi32, #tpu.memory_space<hbm>>
        tpu.wait_dma2 semaphore(%run_scoped3A : memref<!tpu.dma_semaphore, #tpu.memory_space<semaphore_mem>>) src(%dma_wait3A_50 : memref<40x125xi32, #tpu.memory_space<hbm>>) dst(%arg7 : memref<40x125xi32, #tpu.memory_space<vmem>>)
        tpu.yield
      }) : () -> ()
      "tpu.region"() ({
        %run_scoped3A = tpu.sem_alloc : memref<!tpu.dma_semaphore, #tpu.memory_space<semaphore_mem>>
        %dma_start3A_44 = arith.constant 0 : i32
        %dma_start3A_45 = tpu.memref_slice %arg4[%add3A_28, %dma_start3A_44] : memref<1280x125xi32, #tpu.memory_space<hbm>> -> memref<40x125xi32, #tpu.memory_space<hbm>>
        %dma_start3A_46 = arith.constant 0 : i32
        %dma_start3A_47 = tpu.memref_slice %arg4[%add3A_28, %dma_start3A_46] : memref<1280x125xi32, #tpu.memory_space<hbm>> -> memref<40x125xi32, #tpu.memory_space<hbm>>
        tpu.enqueue_dma source(%dma_start3A_47 : memref<40x125xi32, #tpu.memory_space<hbm>>) target(%arg8 : memref<40x125xi32, #tpu.memory_space<vmem>>) target_semaphore(%run_scoped3A : memref<!tpu.dma_semaphore, #tpu.memory_space<semaphore_mem>>)
        %dma_wait3A = arith.constant 0 : i32
        %dma_wait3A_48 = tpu.memref_slice %arg4[%add3A_28, %dma_wait3A] : memref<1280x125xi32, #tpu.memory_space<hbm>> -> memref<40x125xi32, #tpu.memory_space<hbm>>
        %dma_wait3A_49 = arith.constant 0 : i32
        %dma_wait3A_50 = tpu.memref_slice %arg4[%add3A_28, %dma_wait3A_49] : memref<1280x125xi32, #tpu.memory_space<hbm>> -> memref<40x125xi32, #tpu.memory_space<hbm>>
        tpu.wait_dma2 semaphore(%run_scoped3A : memref<!tpu.dma_semaphore, #tpu.memory_space<semaphore_mem>>) src(%dma_wait3A_50 : memref<40x125xi32, #tpu.memory_space<hbm>>) dst(%arg8 : memref<40x125xi32, #tpu.memory_space<vmem>>)
        tpu.yield
      }) : () -> ()
      %dma_start3A = arith.constant 0 : i32
      %dma_start3A_29 = arith.constant 0 : i32
      %dma_start3A_30 = tpu.memref_slice %arg7[%dma_start3A, %dma_start3A_29] : memref<40x125xi32, #tpu.memory_space<vmem>> -> memref<1x125xi32, #tpu.memory_space<vmem>>
      %dma_start3A_31 = tpu.memref_squeeze %dma_start3A_30 : memref<1x125xi32, #tpu.memory_space<vmem>> -> memref<125xi32, #tpu.memory_space<vmem>>
      %dma_start3A_32 = arith.constant 0 : i32
      %dma_start3A_33 = arith.constant 0 : i32
      %dma_start3A_34 = tpu.memref_slice %arg2[%arg0, %dma_start3A_32, %dma_start3A_33] : memref<2x10000x128xf32, #tpu.memory_space<hbm>> -> memref<1x10000x128xf32, #tpu.memory_space<hbm>>
      %dma_start3A_35 = tpu.memref_squeeze %dma_start3A_34 : memref<1x10000x128xf32, #tpu.memory_space<hbm>> -> memref<10000x128xf32, #tpu.memory_space<hbm>>
      %dma_start3A_36 = arith.constant 0 : i32
      %dma_start3A_37 = arith.constant 0 : i32
      %dma_start3A_38 = tpu.memref_slice %dma_start3A_35[%dma_start3A_36, %dma_start3A_37] : memref<10000x128xf32, #tpu.memory_space<hbm>> -> memref<10000x128xf32, #tpu.memory_space<hbm>>
      tpu.enqueue_indirect_dma source(%dma_start3A_38 : memref<10000x128xf32, #tpu.memory_space<hbm>>) target(%arg9 : memref<125x128xf32, #tpu.memory_space<vmem>>) offsets(%dma_start3A_31 : memref<125xi32, #tpu.memory_space<vmem>>) semaphore(%arg11 : memref<!tpu.dma_semaphore, #tpu.memory_space<semaphore_mem>>)
      %scan3A_39 = arith.constant 0 : i32
      %scan3A_40 = arith.constant 20 : i32
      %scan3A_41 = arith.addi %scan3A_39, %scan3A_40 : i32
      %scan3A_42 = arith.constant 1 : i32
      scf.for %scan3A_44 = %scan3A_39 to %scan3A_41 step %scan3A_42  : i32 {
        %mul3A_45 = arith.constant 2 : i32
        %mul3A_46 = arith.muli %scan3A_44, %mul3A_45 : i32
        %add3A_47 = arith.constant 0 : i32
        %add3A_48 = arith.addi %add3A_47, %mul3A_46 : i32
        %add3A_49 = arith.constant 0 : i32
        %add3A_50 = arith.addi %add3A_48, %add3A_49 : i32
        %add3A_51 = arith.constant 2 : i32
        %add3A_52 = arith.addi %add3A_50, %add3A_51 : i32
        %sub3A = arith.constant 1 : i32
        %sub3A_53 = arith.subi %add3A_52, %sub3A : i32
        %dma_start3A_54 = arith.constant 0 : i32
        %dma_start3A_55 = tpu.memref_slice %arg7[%sub3A_53, %dma_start3A_54] : memref<40x125xi32, #tpu.memory_space<vmem>> -> memref<1x125xi32, #tpu.memory_space<vmem>>
        %dma_start3A_56 = tpu.memref_squeeze %dma_start3A_55 : memref<1x125xi32, #tpu.memory_space<vmem>> -> memref<125xi32, #tpu.memory_space<vmem>>
        %dma_start3A_57 = arith.constant 0 : i32
        %dma_start3A_58 = arith.constant 0 : i32
        %dma_start3A_59 = tpu.memref_slice %arg2[%arg0, %dma_start3A_57, %dma_start3A_58] : memref<2x10000x128xf32, #tpu.memory_space<hbm>> -> memref<1x10000x128xf32, #tpu.memory_space<hbm>>
        %dma_start3A_60 = tpu.memref_squeeze %dma_start3A_59 : memref<1x10000x128xf32, #tpu.memory_space<hbm>> -> memref<10000x128xf32, #tpu.memory_space<hbm>>
        %dma_start3A_61 = arith.constant 0 : i32
        %dma_start3A_62 = arith.constant 0 : i32
        %dma_start3A_63 = tpu.memref_slice %dma_start3A_60[%dma_start3A_61, %dma_start3A_62] : memref<10000x128xf32, #tpu.memory_space<hbm>> -> memref<10000x128xf32, #tpu.memory_space<hbm>>
        tpu.enqueue_indirect_dma source(%dma_start3A_63 : memref<10000x128xf32, #tpu.memory_space<hbm>>) target(%arg10 : memref<125x128xf32, #tpu.memory_space<vmem>>) offsets(%dma_start3A_56 : memref<125xi32, #tpu.memory_space<vmem>>) semaphore(%arg12 : memref<!tpu.dma_semaphore, #tpu.memory_space<semaphore_mem>>)
        %add3A_64 = arith.constant 0 : i32
        %add3A_65 = arith.addi %add3A_48, %add3A_64 : i32
        %dma_wait3A = arith.constant 0 : i32
        %dma_wait3A_66 = tpu.memref_slice %arg7[%add3A_65, %dma_wait3A] : memref<40x125xi32, #tpu.memory_space<vmem>> -> memref<1x125xi32, #tpu.memory_space<vmem>>
        %dma_wait3A_67 = tpu.memref_squeeze %dma_wait3A_66 : memref<1x125xi32, #tpu.memory_space<vmem>> -> memref<125xi32, #tpu.memory_space<vmem>>
        %dma_wait3A_68 = arith.constant 0 : i32
        %dma_wait3A_69 = arith.constant 0 : i32
        %dma_wait3A_70 = tpu.memref_slice %arg2[%arg0, %dma_wait3A_68, %dma_wait3A_69] : memref<2x10000x128xf32, #tpu.memory_space<hbm>> -> memref<1x10000x128xf32, #tpu.memory_space<hbm>>
        %dma_wait3A_71 = tpu.memref_squeeze %dma_wait3A_70 : memref<1x10000x128xf32, #tpu.memory_space<hbm>> -> memref<10000x128xf32, #tpu.memory_space<hbm>>
        %dma_wait3A_72 = arith.constant 0 : i32
        %dma_wait3A_73 = arith.constant 0 : i32
        %dma_wait3A_74 = tpu.memref_slice %dma_wait3A_71[%dma_wait3A_72, %dma_wait3A_73] : memref<10000x128xf32, #tpu.memory_space<hbm>> -> memref<10000x128xf32, #tpu.memory_space<hbm>>
        tpu.wait_indirect_dma semaphore(%arg11 : memref<!tpu.dma_semaphore, #tpu.memory_space<semaphore_mem>>) src(%dma_wait3A_74 : memref<10000x128xf32, #tpu.memory_space<hbm>>) dst(%arg9 : memref<125x128xf32, #tpu.memory_space<vmem>>)
        %add3A_75 = arith.constant 0 : i32
        %add3A_76 = arith.addi %add3A_48, %add3A_75 : i32
        "tpu.region"() ({
          %run_scoped3A = tpu.sem_alloc : memref<!tpu.dma_semaphore, #tpu.memory_space<semaphore_mem>>
          %dma_start3A_102 = arith.constant 0 : i32
          %dma_start3A_103 = tpu.memref_slice %arg8[%add3A_76, %dma_start3A_102] : memref<40x125xi32, #tpu.memory_space<vmem>> -> memref<1x125xi32, #tpu.memory_space<vmem>>
          %dma_start3A_104 = tpu.memref_squeeze %dma_start3A_103 : memref<1x125xi32, #tpu.memory_space<vmem>> -> memref<125xi32, #tpu.memory_space<vmem>>
          %dma_start3A_105 = arith.constant 0 : i32
          %dma_start3A_106 = arith.constant 0 : i32
          %dma_start3A_107 = tpu.memref_slice %arg6[%dma_start3A_105, %dma_start3A_106] : memref<10000x128xf32, #tpu.memory_space<vmem_shared>> -> memref<10000x128xf32, #tpu.memory_space<vmem_shared>>
          tpu.enqueue_indirect_dma source(%arg9 : memref<125x128xf32, #tpu.memory_space<vmem>>) target(%dma_start3A_107 : memref<10000x128xf32, #tpu.memory_space<vmem_shared>>) offsets(%dma_start3A_104 : memref<125xi32, #tpu.memory_space<vmem>>) semaphore(%run_scoped3A : memref<!tpu.dma_semaphore, #tpu.memory_space<semaphore_mem>>) {add = true}
          %dma_wait3A_108 = arith.constant 0 : i32
          %dma_wait3A_109 = tpu.memref_slice %arg8[%add3A_76, %dma_wait3A_108] : memref<40x125xi32, #tpu.memory_space<vmem>> -> memref<1x125xi32, #tpu.memory_space<vmem>>
          %dma_wait3A_110 = tpu.memref_squeeze %dma_wait3A_109 : memref<1x125xi32, #tpu.memory_space<vmem>> -> memref<125xi32, #tpu.memory_space<vmem>>
          %dma_wait3A_111 = arith.constant 0 : i32
          %dma_wait3A_112 = arith.constant 0 : i32
          %dma_wait3A_113 = tpu.memref_slice %arg6[%dma_wait3A_111, %dma_wait3A_112] : memref<10000x128xf32, #tpu.memory_space<vmem_shared>> -> memref<10000x128xf32, #tpu.memory_space<vmem_shared>>
          tpu.wait_indirect_dma semaphore(%run_scoped3A : memref<!tpu.dma_semaphore, #tpu.memory_space<semaphore_mem>>) src(%arg9 : memref<125x128xf32, #tpu.memory_space<vmem>>) dst(%dma_wait3A_113 : memref<10000x128xf32, #tpu.memory_space<vmem_shared>>)
          tpu.yield
        }) : () -> ()
        %add3A_77 = arith.constant 1 : i32
        %add3A_78 = arith.addi %add3A_48, %add3A_77 : i32
        %add3A_79 = arith.constant 2 : i32
        %add3A_80 = arith.addi %add3A_78, %add3A_79 : i32
        %sub3A_81 = arith.constant 1 : i32
        %sub3A_82 = arith.subi %add3A_80, %sub3A_81 : i32
        %lt3A_83 = arith.constant 40 : i32
        %lt3A_84 = arith.cmpi slt, %sub3A_82, %lt3A_83 : i32
        %convert_element_type3A_85 = arith.extui %lt3A_84 : i1 to i32
        %cond3A_86 = arith.constant 0 : i32
        %cond3A_87 = arith.cmpi ne, %convert_element_type3A_85, %cond3A_86 : i32
        scf.if %cond3A_87 {
          %dma_start3A_102 = arith.constant 0 : i32
          %dma_start3A_103 = tpu.memref_slice %arg7[%sub3A_82, %dma_start3A_102] : memref<40x125xi32, #tpu.memory_space<vmem>> -> memref<1x125xi32, #tpu.memory_space<vmem>>
          %dma_start3A_104 = tpu.memref_squeeze %dma_start3A_103 : memref<1x125xi32, #tpu.memory_space<vmem>> -> memref<125xi32, #tpu.memory_space<vmem>>
          %dma_start3A_105 = arith.constant 0 : i32
          %dma_start3A_106 = arith.constant 0 : i32
          %dma_start3A_107 = tpu.memref_slice %arg2[%arg0, %dma_start3A_105, %dma_start3A_106] : memref<2x10000x128xf32, #tpu.memory_space<hbm>> -> memref<1x10000x128xf32, #tpu.memory_space<hbm>>
          %dma_start3A_108 = tpu.memref_squeeze %dma_start3A_107 : memref<1x10000x128xf32, #tpu.memory_space<hbm>> -> memref<10000x128xf32, #tpu.memory_space<hbm>>
          %dma_start3A_109 = arith.constant 0 : i32
          %dma_start3A_110 = arith.constant 0 : i32
          %dma_start3A_111 = tpu.memref_slice %dma_start3A_108[%dma_start3A_109, %dma_start3A_110] : memref<10000x128xf32, #tpu.memory_space<hbm>> -> memref<10000x128xf32, #tpu.memory_space<hbm>>
          tpu.enqueue_indirect_dma source(%dma_start3A_111 : memref<10000x128xf32, #tpu.memory_space<hbm>>) target(%arg9 : memref<125x128xf32, #tpu.memory_space<vmem>>) offsets(%dma_start3A_104 : memref<125xi32, #tpu.memory_space<vmem>>) semaphore(%arg11 : memref<!tpu.dma_semaphore, #tpu.memory_space<semaphore_mem>>)
        } else {
        }
        %add3A_88 = arith.constant 1 : i32
        %add3A_89 = arith.addi %add3A_48, %add3A_88 : i32
        %dma_wait3A_90 = arith.constant 0 : i32
        %dma_wait3A_91 = tpu.memref_slice %arg7[%add3A_89, %dma_wait3A_90] : memref<40x125xi32, #tpu.memory_space<vmem>> -> memref<1x125xi32, #tpu.memory_space<vmem>>
        %dma_wait3A_92 = tpu.memref_squeeze %dma_wait3A_91 : memref<1x125xi32, #tpu.memory_space<vmem>> -> memref<125xi32, #tpu.memory_space<vmem>>
        %dma_wait3A_93 = arith.constant 0 : i32
        %dma_wait3A_94 = arith.constant 0 : i32
        %dma_wait3A_95 = tpu.memref_slice %arg2[%arg0, %dma_wait3A_93, %dma_wait3A_94] : memref<2x10000x128xf32, #tpu.memory_space<hbm>> -> memref<1x10000x128xf32, #tpu.memory_space<hbm>>
        %dma_wait3A_96 = tpu.memref_squeeze %dma_wait3A_95 : memref<1x10000x128xf32, #tpu.memory_space<hbm>> -> memref<10000x128xf32, #tpu.memory_space<hbm>>
        %dma_wait3A_97 = arith.constant 0 : i32
        %dma_wait3A_98 = arith.constant 0 : i32
        %dma_wait3A_99 = tpu.memref_slice %dma_wait3A_96[%dma_wait3A_97, %dma_wait3A_98] : memref<10000x128xf32, #tpu.memory_space<hbm>> -> memref<10000x128xf32, #tpu.memory_space<hbm>>
        tpu.wait_indirect_dma semaphore(%arg12 : memref<!tpu.dma_semaphore, #tpu.memory_space<semaphore_mem>>) src(%dma_wait3A_99 : memref<10000x128xf32, #tpu.memory_space<hbm>>) dst(%arg10 : memref<125x128xf32, #tpu.memory_space<vmem>>)
        %add3A_100 = arith.constant 1 : i32
        %add3A_101 = arith.addi %add3A_48, %add3A_100 : i32
        "tpu.region"() ({
          %run_scoped3A = tpu.sem_alloc : memref<!tpu.dma_semaphore, #tpu.memory_space<semaphore_mem>>
          %dma_start3A_102 = arith.constant 0 : i32
          %dma_start3A_103 = tpu.memref_slice %arg8[%add3A_101, %dma_start3A_102] : memref<40x125xi32, #tpu.memory_space<vmem>> -> memref<1x125xi32, #tpu.memory_space<vmem>>
          %dma_start3A_104 = tpu.memref_squeeze %dma_start3A_103 : memref<1x125xi32, #tpu.memory_space<vmem>> -> memref<125xi32, #tpu.memory_space<vmem>>
          %dma_start3A_105 = arith.constant 0 : i32
          %dma_start3A_106 = arith.constant 0 : i32
          %dma_start3A_107 = tpu.memref_slice %arg6[%dma_start3A_105, %dma_start3A_106] : memref<10000x128xf32, #tpu.memory_space<vmem_shared>> -> memref<10000x128xf32, #tpu.memory_space<vmem_shared>>
          tpu.enqueue_indirect_dma source(%arg10 : memref<125x128xf32, #tpu.memory_space<vmem>>) target(%dma_start3A_107 : memref<10000x128xf32, #tpu.memory_space<vmem_shared>>) offsets(%dma_start3A_104 : memref<125xi32, #tpu.memory_space<vmem>>) semaphore(%run_scoped3A : memref<!tpu.dma_semaphore, #tpu.memory_space<semaphore_mem>>) {add = true}
          %dma_wait3A_108 = arith.constant 0 : i32
          %dma_wait3A_109 = tpu.memref_slice %arg8[%add3A_101, %dma_wait3A_108] : memref<40x125xi32, #tpu.memory_space<vmem>> -> memref<1x125xi32, #tpu.memory_space<vmem>>
          %dma_wait3A_110 = tpu.memref_squeeze %dma_wait3A_109 : memref<1x125xi32, #tpu.memory_space<vmem>> -> memref<125xi32, #tpu.memory_space<vmem>>
          %dma_wait3A_111 = arith.constant 0 : i32
          %dma_wait3A_112 = arith.constant 0 : i32
          %dma_wait3A_113 = tpu.memref_slice %arg6[%dma_wait3A_111, %dma_wait3A_112] : memref<10000x128xf32, #tpu.memory_space<vmem_shared>> -> memref<10000x128xf32, #tpu.memory_space<vmem_shared>>
          tpu.wait_indirect_dma semaphore(%run_scoped3A : memref<!tpu.dma_semaphore, #tpu.memory_space<semaphore_mem>>) src(%arg10 : memref<125x128xf32, #tpu.memory_space<vmem>>) dst(%dma_wait3A_113 : memref<10000x128xf32, #tpu.memory_space<vmem_shared>>)
          tpu.yield
        }) : () -> ()
      }
      %scan3A_43 = arith.constant 20 : i32
    }
    %scan3A_10 = arith.constant 2 : i32
    %barrier3A_11 = arith.constant 0 : index
    tpu.barrier barrier_id(%barrier3A_11)
    %lt3A_12 = arith.constant 14 : i32
    %lt3A_13 = arith.cmpi slt, %arg1, %lt3A_12 : i32
    %convert_element_type3A_14 = arith.extui %lt3A_13 : i1 to i32
    %cond3A_15 = arith.constant 0 : i32
    %cond3A_16 = arith.cmpi ne, %convert_element_type3A_14, %cond3A_15 : i32
    scf.if %cond3A_16 {
      %mul3A_22 = arith.constant 624 : i32
      %mul3A_23 = arith.muli %arg1, %mul3A_22 : i32
      "tpu.region"() ({
        %run_scoped3A = tpu.sem_alloc : memref<!tpu.dma_semaphore, #tpu.memory_space<semaphore_mem>>
        %dma_start3A = arith.constant 0 : i32
        %dma_start3A_24 = tpu.memref_slice %arg5[%arg0, %mul3A_23, %dma_start3A] : memref<2x10000x128xf32, #tpu.memory_space<hbm>> -> memref<1x624x128xf32, #tpu.memory_space<hbm>>
        %dma_start3A_25 = tpu.memref_squeeze %dma_start3A_24 : memref<1x624x128xf32, #tpu.memory_space<hbm>> -> memref<624x128xf32, #tpu.memory_space<hbm>>
        %dma_start3A_26 = arith.constant 0 : i32
        %dma_start3A_27 = tpu.memref_slice %arg6[%mul3A_23, %dma_start3A_26] : memref<10000x128xf32, #tpu.memory_space<vmem_shared>> -> memref<624x128xf32, #tpu.memory_space<vmem_shared>>
        tpu.enqueue_dma source(%dma_start3A_27 : memref<624x128xf32, #tpu.memory_space<vmem_shared>>) target(%dma_start3A_25 : memref<624x128xf32, #tpu.memory_space<hbm>>) target_semaphore(%run_scoped3A : memref<!tpu.dma_semaphore, #tpu.memory_space<semaphore_mem>>)
        %dma_wait3A = arith.constant 0 : i32
        %dma_wait3A_28 = tpu.memref_slice %arg5[%arg0, %mul3A_23, %dma_wait3A] : memref<2x10000x128xf32, #tpu.memory_space<hbm>> -> memref<1x624x128xf32, #tpu.memory_space<hbm>>
        %dma_wait3A_29 = tpu.memref_squeeze %dma_wait3A_28 : memref<1x624x128xf32, #tpu.memory_space<hbm>> -> memref<624x128xf32, #tpu.memory_space<hbm>>
        %dma_wait3A_30 = arith.constant 0 : i32
        %dma_wait3A_31 = tpu.memref_slice %arg6[%mul3A_23, %dma_wait3A_30] : memref<10000x128xf32, #tpu.memory_space<vmem_shared>> -> memref<624x128xf32, #tpu.memory_space<vmem_shared>>
        tpu.wait_dma2 semaphore(%run_scoped3A : memref<!tpu.dma_semaphore, #tpu.memory_space<semaphore_mem>>) src(%dma_wait3A_31 : memref<624x128xf32, #tpu.memory_space<vmem_shared>>) dst(%dma_wait3A_29 : memref<624x128xf32, #tpu.memory_space<hbm>>)
        tpu.yield
      }) : () -> ()
    } else {
    }
    %ge3A_17 = arith.constant 14 : i32
    %ge3A_18 = arith.cmpi sge, %arg1, %ge3A_17 : i32
    %convert_element_type3A_19 = arith.extui %ge3A_18 : i1 to i32
    %cond3A_20 = arith.constant 0 : i32
    %cond3A_21 = arith.cmpi ne, %convert_element_type3A_19, %cond3A_20 : i32
    scf.if %cond3A_21 {
      %sub3A = arith.constant 14 : i32
      %sub3A_22 = arith.subi %arg1, %sub3A : i32
      %mul3A_23 = arith.constant 632 : i32
      %mul3A_24 = arith.muli %sub3A_22, %mul3A_23 : i32
      %add3A = arith.constant 8736 : i32
      %add3A_25 = arith.addi %add3A, %mul3A_24 : i32
      "tpu.region"() ({
        %run_scoped3A = tpu.sem_alloc : memref<!tpu.dma_semaphore, #tpu.memory_space<semaphore_mem>>
        %dma_start3A = arith.constant 0 : i32
        %dma_start3A_26 = tpu.memref_slice %arg5[%arg0, %add3A_25, %dma_start3A] : memref<2x10000x128xf32, #tpu.memory_space<hbm>> -> memref<1x632x128xf32, #tpu.memory_space<hbm>>
        %dma_start3A_27 = tpu.memref_squeeze %dma_start3A_26 : memref<1x632x128xf32, #tpu.memory_space<hbm>> -> memref<632x128xf32, #tpu.memory_space<hbm>>
        %dma_start3A_28 = arith.constant 0 : i32
        %dma_start3A_29 = tpu.memref_slice %arg6[%add3A_25, %dma_start3A_28] : memref<10000x128xf32, #tpu.memory_space<vmem_shared>> -> memref<632x128xf32, #tpu.memory_space<vmem_shared>>
        tpu.enqueue_dma source(%dma_start3A_29 : memref<632x128xf32, #tpu.memory_space<vmem_shared>>) target(%dma_start3A_27 : memref<632x128xf32, #tpu.memory_space<hbm>>) target_semaphore(%run_scoped3A : memref<!tpu.dma_semaphore, #tpu.memory_space<semaphore_mem>>)
        %dma_wait3A = arith.constant 0 : i32
        %dma_wait3A_30 = tpu.memref_slice %arg5[%arg0, %add3A_25, %dma_wait3A] : memref<2x10000x128xf32, #tpu.memory_space<hbm>> -> memref<1x632x128xf32, #tpu.memory_space<hbm>>
        %dma_wait3A_31 = tpu.memref_squeeze %dma_wait3A_30 : memref<1x632x128xf32, #tpu.memory_space<hbm>> -> memref<632x128xf32, #tpu.memory_space<hbm>>
        %dma_wait3A_32 = arith.constant 0 : i32
        %dma_wait3A_33 = tpu.memref_slice %arg6[%add3A_25, %dma_wait3A_32] : memref<10000x128xf32, #tpu.memory_space<vmem_shared>> -> memref<632x128xf32, #tpu.memory_space<vmem_shared>>
        tpu.wait_dma2 semaphore(%run_scoped3A : memref<!tpu.dma_semaphore, #tpu.memory_space<semaphore_mem>>) src(%dma_wait3A_33 : memref<632x128xf32, #tpu.memory_space<vmem_shared>>) dst(%dma_wait3A_31 : memref<632x128xf32, #tpu.memory_space<hbm>>)
        tpu.yield
      }) : () -> ()
    } else {
    }
    return
  }
}

module attributes {stable_mosaic.version = 14 : i64} {
  func.func @body(%arg0: i32, %arg1: memref<2000x256xf32, #tpu.memory_space<vmem>>, %arg2: memref<2x2000x16xf32, #tpu.memory_space<vmem>>, %arg3: memref<2x2000x128xf32, #tpu.memory_space<vmem>>, %arg4: memref<2000x16xf32, #tpu.memory_space<vmem>>) attributes {dimension_semantics = [#tpu.dimension_semantics<arbitrary>], iteration_bounds = array<i64: 5>, scalar_prefetch = 0 : i64, scratch_operands = 0 : i64, tpu.core_type = #tpu.core_type<tc>, window_params = [{transform_indices = @transform_0, window_bounds = array<i64: 2000, 256>}, {transform_indices = @transform_1, window_bounds = array<i64: 2, 2000, 16>}, {transform_indices = @transform_2, window_bounds = array<i64: 2, 2000, 128>}, {transform_indices = @transform_3, window_bounds = array<i64: 2000, 16>}]} {
    %get3A = arith.constant 0 : index
    %get3A_0 = arith.constant 0 : index
    %get3A_1 = arith.constant 0 : index
    %get3A_2 = vector.load %arg2[%get3A, %get3A_0, %get3A_1] : memref<2x2000x16xf32, #tpu.memory_space<vmem>>, vector<1x2000x16xf32>
    %get3A_3 = vector.shape_cast %get3A_2 : vector<1x2000x16xf32> to vector<2000x16xf32>
    %get3A_4 = arith.constant 1 : index
    %get3A_5 = arith.constant 0 : index
    %get3A_6 = arith.constant 0 : index
    %get3A_7 = vector.load %arg2[%get3A_4, %get3A_5, %get3A_6] : memref<2x2000x16xf32, #tpu.memory_space<vmem>>, vector<1x2000x16xf32>
    %get3A_8 = vector.shape_cast %get3A_7 : vector<1x2000x16xf32> to vector<2000x16xf32>
    %add3A = arith.addf %get3A_3, %get3A_8 : vector<2000x16xf32>
    %sub3A = arith.constant 1.000000e+00 : f32
    %sub3A_9 = vector.broadcast %sub3A : f32 to vector<2000x16xf32>
    %sub3A_10 = arith.subf %add3A, %sub3A_9 : vector<2000x16xf32>
    %rsqrt3A = math.rsqrt %sub3A_10 : vector<2000x16xf32>
    %swap3A = arith.constant 0 : index
    %swap3A_11 = arith.constant 0 : index
    %swap3A_12 = vector.load %arg4[%swap3A, %swap3A_11] : memref<2000x16xf32, #tpu.memory_space<vmem>>, vector<2000x16xf32>
    tpu.vector_store %arg4[%swap3A, %swap3A_11], %rsqrt3A {strides = array<i32>} : memref<2000x16xf32, #tpu.memory_space<vmem>>, vector<2000x16xf32>,
    %get3A_13 = arith.constant 0 : index
    %get3A_14 = arith.constant 0 : index
    %get3A_15 = vector.load %arg1[%get3A_13, %get3A_14] : memref<2000x256xf32, #tpu.memory_space<vmem>>, vector<2000x256xf32>
    %max3A = arith.constant 0.000000e+00 : f32
    %max3A_16 = vector.broadcast %max3A : f32 to vector<2000x256xf32>
    %max3A_17 = arith.maximumf %get3A_15, %max3A_16 : vector<2000x256xf32>
    %slice3A = vector.extract_strided_slice %rsqrt3A {offsets = [0, 0], sizes = [2000, 1], strides = [1, 1]} : vector<2000x16xf32> to vector<2000x1xf32>
    %mul3A = vector.broadcast %slice3A : vector<2000x1xf32> to vector<2000x256xf32>
    %mul3A_18 = arith.mulf %max3A_17, %mul3A : vector<2000x256xf32>
    %slice3A_19 = vector.extract_strided_slice %mul3A_18 {offsets = [0, 0], sizes = [2000, 128], strides = [1, 1]} : vector<2000x256xf32> to vector<2000x128xf32>
    %swap3A_20 = arith.constant 0 : index
    %swap3A_21 = arith.constant 0 : index
    %swap3A_22 = arith.constant 0 : index
    %swap3A_23 = vector.load %arg3[%swap3A_20, %swap3A_21, %swap3A_22] : memref<2x2000x128xf32, #tpu.memory_space<vmem>>, vector<1x2000x128xf32>
    %swap3A_24 = vector.shape_cast %swap3A_23 : vector<1x2000x128xf32> to vector<2000x128xf32>
    %swap3A_25 = vector.shape_cast %slice3A_19 : vector<2000x128xf32> to vector<1x2000x128xf32>
    tpu.vector_store %arg3[%swap3A_20, %swap3A_21, %swap3A_22], %swap3A_25 {strides = array<i32>} : memref<2x2000x128xf32, #tpu.memory_space<vmem>>, vector<1x2000x128xf32>,
    %slice3A_26 = vector.extract_strided_slice %mul3A_18 {offsets = [0, 128], sizes = [2000, 128], strides = [1, 1]} : vector<2000x256xf32> to vector<2000x128xf32>
    %swap3A_27 = arith.constant 1 : index
    %swap3A_28 = arith.constant 0 : index
    %swap3A_29 = arith.constant 0 : index
    %swap3A_30 = vector.load %arg3[%swap3A_27, %swap3A_28, %swap3A_29] : memref<2x2000x128xf32, #tpu.memory_space<vmem>>, vector<1x2000x128xf32>
    %swap3A_31 = vector.shape_cast %swap3A_30 : vector<1x2000x128xf32> to vector<2000x128xf32>
    %swap3A_32 = vector.shape_cast %slice3A_26 : vector<2000x128xf32> to vector<1x2000x128xf32>
    tpu.vector_store %arg3[%swap3A_27, %swap3A_28, %swap3A_29], %swap3A_32 {strides = array<i32>} : memref<2x2000x128xf32, #tpu.memory_space<vmem>>, vector<1x2000x128xf32>,
    return
  }
  func.func @transform_0(%arg0: i32) -> (i32, i32) {
    %c0_i32 = arith.constant 0 : i32
    %c0_i32_0 = arith.constant 0 : i32
    return %arg0, %c0_i32 : i32, i32
  }
  func.func @transform_1(%arg0: i32) -> (i32, i32, i32) {
    %c0_i32 = arith.constant 0 : i32
    %c0_i32_0 = arith.constant 0 : i32
    %c0_i32_1 = arith.constant 0 : i32
    return %c0_i32, %arg0, %c0_i32_0 : i32, i32, i32
  }
  func.func @transform_2(%arg0: i32) -> (i32, i32, i32) {
    %c0_i32 = arith.constant 0 : i32
    %c0_i32_0 = arith.constant 0 : i32
    %c0_i32_1 = arith.constant 0 : i32
    return %c0_i32, %arg0, %c0_i32_0 : i32, i32, i32
  }
  func.func @transform_3(%arg0: i32) -> (i32, i32) {
    %c0_i32 = arith.constant 0 : i32
    %c0_i32_0 = arith.constant 0 : i32
    return %arg0, %c0_i32 : i32, i32
  }
}

module attributes {stable_mosaic.version = 14 : i64} {
  func.func @body(%arg0: i32, %arg1: memref<2x2000x128xf32, #tpu.memory_space<vmem>>, %arg2: memref<2000x16xf32, #tpu.memory_space<vmem>>, %arg3: memref<256x512xf32, #tpu.memory_space<vmem>>, %arg4: memref<1x512xf32, #tpu.memory_space<vmem>>, %arg5: memref<512x64xf32, #tpu.memory_space<vmem>>, %arg6: memref<1x2000x64xf32, #tpu.memory_space<vmem>>) attributes {dimension_semantics = [#tpu.dimension_semantics<arbitrary>], iteration_bounds = array<i64: 5>, scalar_prefetch = 0 : i64, scratch_operands = 0 : i64, tpu.core_type = #tpu.core_type<tc>, window_params = [{transform_indices = @transform_0, window_bounds = array<i64: 2, 2000, 128>}, {transform_indices = @transform_1, window_bounds = array<i64: 2000, 16>}, {pipeline_mode = #tpu.pipeline_mode<synchronous>, transform_indices = @transform_2, window_bounds = array<i64: 256, 512>}, {pipeline_mode = #tpu.pipeline_mode<synchronous>, transform_indices = @transform_3, window_bounds = array<i64: 1, 512>}, {pipeline_mode = #tpu.pipeline_mode<synchronous>, transform_indices = @transform_4, window_bounds = array<i64: 512, 64>}, {transform_indices = @transform_5, window_bounds = array<i64: 1, 2000, 64>}]} {
    %get3A = arith.constant 0 : index
    %get3A_0 = arith.constant 0 : index
    %get3A_1 = vector.load %arg2[%get3A, %get3A_0] : memref<2000x16xf32, #tpu.memory_space<vmem>>, vector<2000x1xf32>
    %get3A_2 = arith.constant 0 : index
    %get3A_3 = arith.constant 0 : index
    %get3A_4 = arith.constant 0 : index
    %get3A_5 = vector.load %arg1[%get3A_2, %get3A_3, %get3A_4] : memref<2x2000x128xf32, #tpu.memory_space<vmem>>, vector<1x2000x128xf32>
    %get3A_6 = vector.shape_cast %get3A_5 : vector<1x2000x128xf32> to vector<2000x128xf32>
    %get3A_7 = arith.constant 1 : index
    %get3A_8 = arith.constant 0 : index
    %get3A_9 = arith.constant 0 : index
    %get3A_10 = vector.load %arg1[%get3A_7, %get3A_8, %get3A_9] : memref<2x2000x128xf32, #tpu.memory_space<vmem>>, vector<1x2000x128xf32>
    %get3A_11 = vector.shape_cast %get3A_10 : vector<1x2000x128xf32> to vector<2000x128xf32>
    %concatenate3A = tpu.concatenate %get3A_6, %get3A_11 in 1 : vector<2000x128xf32>, vector<2000x128xf32> -> vector<2000x256xf32>
    %mul3A = vector.broadcast %get3A_1 : vector<2000x1xf32> to vector<2000x256xf32>
    %mul3A_12 = arith.mulf %concatenate3A, %mul3A : vector<2000x256xf32>
    %get3A_13 = arith.constant 0 : index
    %get3A_14 = arith.constant 0 : index
    %get3A_15 = vector.load %arg3[%get3A_13, %get3A_14] : memref<256x512xf32, #tpu.memory_space<vmem>>, vector<256x512xf32>
    %dot_general3A = arith.constant dense<0.000000e+00> : vector<2000x512xf32>
    %dot_general3A_16 = tpu.matmul %mul3A_12, %get3A_15, %dot_general3A {dimension_numbers = #tpu.dot_dimension_numbers<[1], [0], [0], [1], [0, 0, 1, 1], [], []>, transpose_lhs_hint = false} : vector<2000x256xf32>, vector<256x512xf32>, vector<2000x512xf32> -> vector<2000x512xf32>
    %get3A_17 = arith.constant 0 : index
    %get3A_18 = arith.constant 0 : index
    %get3A_19 = vector.load %arg4[%get3A_17, %get3A_18] : memref<1x512xf32, #tpu.memory_space<vmem>>, vector<1x512xf32>
    %add3A = vector.broadcast %get3A_19 : vector<1x512xf32> to vector<2000x512xf32>
    %add3A_20 = arith.addf %dot_general3A_16, %add3A : vector<2000x512xf32>
    %max3A = arith.constant 0.000000e+00 : f32
    %max3A_21 = vector.broadcast %max3A : f32 to vector<2000x512xf32>
    %max3A_22 = arith.maximumf %add3A_20, %max3A_21 : vector<2000x512xf32>
    %get3A_23 = arith.constant 0 : index
    %get3A_24 = arith.constant 0 : index
    %get3A_25 = vector.load %arg5[%get3A_23, %get3A_24] : memref<512x64xf32, #tpu.memory_space<vmem>>, vector<512x64xf32>
    %dot_general3A_26 = arith.constant dense<0.000000e+00> : vector<2000x64xf32>
    %dot_general3A_27 = tpu.matmul %max3A_22, %get3A_25, %dot_general3A_26 {dimension_numbers = #tpu.dot_dimension_numbers<[1], [0], [0], [1], [0, 0, 1, 1], [], []>, transpose_lhs_hint = false} : vector<2000x512xf32>, vector<512x64xf32>, vector<2000x64xf32> -> vector<2000x64xf32>
    %mul3A_28 = vector.broadcast %get3A_1 : vector<2000x1xf32> to vector<2000x64xf32>
    %mul3A_29 = arith.mulf %dot_general3A_27, %mul3A_28 : vector<2000x64xf32>
    %swap3A = arith.constant 0 : index
    %swap3A_30 = arith.constant 0 : index
    %swap3A_31 = arith.constant 0 : index
    %swap3A_32 = vector.load %arg6[%swap3A, %swap3A_30, %swap3A_31] : memref<1x2000x64xf32, #tpu.memory_space<vmem>>, vector<1x2000x64xf32>
    %swap3A_33 = vector.shape_cast %swap3A_32 : vector<1x2000x64xf32> to vector<2000x64xf32>
    %swap3A_34 = vector.shape_cast %mul3A_29 : vector<2000x64xf32> to vector<1x2000x64xf32>
    tpu.vector_store %arg6[%swap3A, %swap3A_30, %swap3A_31], %swap3A_34 {strides = array<i32>} : memref<1x2000x64xf32, #tpu.memory_space<vmem>>, vector<1x2000x64xf32>,
    return
  }
  func.func @transform_0(%arg0: i32) -> (i32, i32, i32) {
    %c0_i32 = arith.constant 0 : i32
    %c0_i32_0 = arith.constant 0 : i32
    %c0_i32_1 = arith.constant 0 : i32
    return %c0_i32, %arg0, %c0_i32_0 : i32, i32, i32
  }
  func.func @transform_1(%arg0: i32) -> (i32, i32) {
    %c0_i32 = arith.constant 0 : i32
    %c0_i32_0 = arith.constant 0 : i32
    return %arg0, %c0_i32 : i32, i32
  }
  func.func @transform_2(%arg0: i32) -> (i32, i32) {
    %c0_i32 = arith.constant 0 : i32
    %c0_i32_0 = arith.constant 0 : i32
    %c0_i32_1 = arith.constant 0 : i32
    return %c0_i32, %c0_i32_0 : i32, i32
  }
  func.func @transform_3(%arg0: i32) -> (i32, i32) {
    %c0_i32 = arith.constant 0 : i32
    %c0_i32_0 = arith.constant 0 : i32
    %c0_i32_1 = arith.constant 0 : i32
    return %c0_i32, %c0_i32_0 : i32, i32
  }
  func.func @transform_4(%arg0: i32) -> (i32, i32) {
    %c0_i32 = arith.constant 0 : i32
    %c0_i32_0 = arith.constant 0 : i32
    %c0_i32_1 = arith.constant 0 : i32
    return %c0_i32, %c0_i32_0 : i32, i32
  }
  func.func @transform_5(%arg0: i32) -> (i32, i32, i32) {
    %c0_i32 = arith.constant 0 : i32
    %c0_i32_0 = arith.constant 0 : i32
    %c0_i32_1 = arith.constant 0 : i32
    return %c0_i32, %arg0, %c0_i32_0 : i32, i32, i32
  }
}

module attributes {stable_mosaic.version = 14 : i64} {
  func.func @body(%arg0: i32, %arg1: memref<2x2000x64xf32, #tpu.memory_space<vmem>>, %arg2: memref<1x2000x64xf32, #tpu.memory_space<vmem>>, %arg3: memref<2000x16xf32, #tpu.memory_space<vmem>>, %arg4: memref<1x64xf32, #tpu.memory_space<vmem>>, %arg5: memref<2000x64xf32, #tpu.memory_space<vmem>>) attributes {dimension_semantics = [#tpu.dimension_semantics<arbitrary>], iteration_bounds = array<i64: 5>, scalar_prefetch = 0 : i64, scratch_operands = 0 : i64, tpu.core_type = #tpu.core_type<tc>, window_params = [{transform_indices = @transform_0, window_bounds = array<i64: 2, 2000, 64>}, {transform_indices = @transform_1, window_bounds = array<i64: 1, 2000, 64>}, {transform_indices = @transform_2, window_bounds = array<i64: 2000, 16>}, {pipeline_mode = #tpu.pipeline_mode<synchronous>, transform_indices = @transform_3, window_bounds = array<i64: 1, 64>}, {transform_indices = @transform_4, window_bounds = array<i64: 2000, 64>}]} {
    %get3A = arith.constant 0 : index
    %get3A_0 = arith.constant 0 : index
    %get3A_1 = vector.load %arg3[%get3A, %get3A_0] : memref<2000x16xf32, #tpu.memory_space<vmem>>, vector<2000x1xf32>
    %get3A_2 = arith.constant 0 : index
    %get3A_3 = arith.constant 0 : index
    %get3A_4 = arith.constant 0 : index
    %get3A_5 = vector.load %arg1[%get3A_2, %get3A_3, %get3A_4] : memref<2x2000x64xf32, #tpu.memory_space<vmem>>, vector<1x2000x64xf32>
    %get3A_6 = vector.shape_cast %get3A_5 : vector<1x2000x64xf32> to vector<2000x64xf32>
    %get3A_7 = arith.constant 1 : index
    %get3A_8 = arith.constant 0 : index
    %get3A_9 = arith.constant 0 : index
    %get3A_10 = vector.load %arg1[%get3A_7, %get3A_8, %get3A_9] : memref<2x2000x64xf32, #tpu.memory_space<vmem>>, vector<1x2000x64xf32>
    %get3A_11 = vector.shape_cast %get3A_10 : vector<1x2000x64xf32> to vector<2000x64xf32>
    %add3A = arith.addf %get3A_6, %get3A_11 : vector<2000x64xf32>
    %get3A_12 = arith.constant 0 : index
    %get3A_13 = arith.constant 0 : index
    %get3A_14 = arith.constant 0 : index
    %get3A_15 = vector.load %arg2[%get3A_12, %get3A_13, %get3A_14] : memref<1x2000x64xf32, #tpu.memory_space<vmem>>, vector<1x2000x64xf32>
    %get3A_16 = vector.shape_cast %get3A_15 : vector<1x2000x64xf32> to vector<2000x64xf32>
    %sub3A = arith.subf %add3A, %get3A_16 : vector<2000x64xf32>
    %mul3A = vector.broadcast %get3A_1 : vector<2000x1xf32> to vector<2000x64xf32>
    %mul3A_17 = arith.mulf %sub3A, %mul3A : vector<2000x64xf32>
    %get3A_18 = arith.constant 0 : index
    %get3A_19 = arith.constant 0 : index
    %get3A_20 = vector.load %arg4[%get3A_18, %get3A_19] : memref<1x64xf32, #tpu.memory_space<vmem>>, vector<1x64xf32>
    %add3A_21 = vector.broadcast %get3A_20 : vector<1x64xf32> to vector<2000x64xf32>
    %add3A_22 = arith.addf %mul3A_17, %add3A_21 : vector<2000x64xf32>
    %swap3A = arith.constant 0 : index
    %swap3A_23 = arith.constant 0 : index
    %swap3A_24 = vector.load %arg5[%swap3A, %swap3A_23] : memref<2000x64xf32, #tpu.memory_space<vmem>>, vector<2000x64xf32>
    tpu.vector_store %arg5[%swap3A, %swap3A_23], %add3A_22 {strides = array<i32>} : memref<2000x64xf32, #tpu.memory_space<vmem>>, vector<2000x64xf32>,
    return
  }
  func.func @transform_0(%arg0: i32) -> (i32, i32, i32) {
    %c0_i32 = arith.constant 0 : i32
    %c0_i32_0 = arith.constant 0 : i32
    %c0_i32_1 = arith.constant 0 : i32
    return %c0_i32, %arg0, %c0_i32_0 : i32, i32, i32
  }
  func.func @transform_1(%arg0: i32) -> (i32, i32, i32) {
    %c0_i32 = arith.constant 0 : i32
    %c0_i32_0 = arith.constant 0 : i32
    %c0_i32_1 = arith.constant 0 : i32
    return %c0_i32, %arg0, %c0_i32_0 : i32, i32, i32
  }
  func.func @transform_2(%arg0: i32) -> (i32, i32) {
    %c0_i32 = arith.constant 0 : i32
    %c0_i32_0 = arith.constant 0 : i32
    return %arg0, %c0_i32 : i32, i32
  }
  func.func @transform_3(%arg0: i32) -> (i32, i32) {
    %c0_i32 = arith.constant 0 : i32
    %c0_i32_0 = arith.constant 0 : i32
    %c0_i32_1 = arith.constant 0 : i32
    return %c0_i32, %c0_i32_0 : i32, i32
  }
  func.func @transform_4(%arg0: i32) -> (i32, i32) {
    %c0_i32 = arith.constant 0 : i32
    %c0_i32_0 = arith.constant 0 : i32
    return %arg0, %c0_i32 : i32, i32
  }
}

</mosaic_0001>

<sc_bundles>
// kernel: kernel.11.cloned.1.call-start
scs
__scs_entry_jumppad:
0x0: {  	(pc) =	sbr.rel $0x88, $3  }
0x1: {  	(tag) =	ssettag $0x0;
	lr =	simm.s32 $0x1  }
0x2: {  	[smem:$0x3F9B] =	sst lr;
	_ =	strace $0xD0000000  }
0x3: {  	_ = 	snop  }
0x4: {  	_ = 	snop  }
0x5: {  	_ = 	snop  }
0x6: {  	_ = 	snop  }
0x7: {  	_ = 	snop  }
__scs_overlays_trampoline_lowered:
0x8: {  	[smem:$0x3FAA] =	sst s0  }
0x9: {  	[smem:$0x3FAB] =	sst s1  }
0xa: {  	[smem:$0x3FAC] =	sst s2  }
0xb: {  	[smem:$0x3FAD] =	sst s3  }
0xc: {  	[smem:$0x3FAE] =	sst s4  }
0xd: {  	[smem:$0x3FAF] =	sst s5  }
0xe: {  	[smem:$0x3FB0] =	sst s6  }
0xf: {  	[smem:$0x3FB1] =	sst s7  }
0x10: {  	[smem:$0x3FB2] =	sst s8  }
0x11: {  	[smem:$0x3FB3] =	sst s9;
	s0 =	simm.s32 @!p0 $0x0  }
0x12: {  	s1 =	sld [smem:$0x3F99];
	s0 =	simm.s32 @p0 $0x1  }
0x13: {  	[smem:$0x3FB4] =	sst s0;
	s0 =	simm.s32 @!p1 $0x0  }
0x14: {  	s2 =	sld [smem:$0x3F98];
	s0 =	simm.s32 @p1 $0x1  }
0x15: {  	[smem:$0x3FB5] =	sst s0;
	s0 =	simm.s32 @!p2 $0x0  }
0x16: {  	s3 =	sld [smem:$0x3FDB];
	s0 =	simm.s32 @p2 $0x1  }
0x17: {  	s4 =	simm.s32 $0x1BF5;
	[smem:$0x3FB7] =	sst s0  }
0x18: {  	s0 =	sld [smem:$0x3F9A];
	_ =	swait.ge [sflag:s4], $0x0  }
0x19: {  	s7 =	sld [smem:$0x3F9B]  }
0x1a: {  	s8 =	sadd.s32 $0xFFFFE003, lr  }
0x1b: {  	s9 =	sadd.s32 $0xFFFFFEF7, lr;
	s5 =	simm.s32 $0xFFFFFFFF;
	p2 =	slt.u32 s8, $0xFFFFF086  }
0x1c: {  	p1 =	slt.u32 s9, $0xF7A;
	s5 =	simm.s32 @!p2 $0x0  }
0x1d: {  	s5 =	simm.s32 @p1 $0x1;
	p0 =	seq.s32 s7, s2  }
0x1e: {  	s7 =	smul.u32 @!p0 $0xF7A, s2;
	p2 =	seq.s32 @!p0 s5, $0x0  }
0x1f: {  	s9 =	smul.u32 $0xF7A, s1;
	s8 =	simm.s32 @!p0 $0x1BF5;
	p2 =	por !p2, p0  }
0x20: {  	[sflag:s8] =	ssyncset.s32 @!p0 $0xFFFFF086;
	s6 =	sadd.s32 @!p0 s3, s7;
	s7 =	simm.s32 @!p0 $0x108  }
0x21: {  	s3 =	sadd.s32 s3, s9;
	s6 =	sadd.s32 @!p0 $0x88, s6;
	s7 =	simm.s32 @p2 $0x1082  }
0x22: {  	[simem:s7], [sflag:s8] =	dma.local @!p0 [hbm:s6], $0xF7A  }
0x23: {  	s9 =	sor.u32 $0xD0000000, s2;
	s6 =	simm.s32 $0x108;
	_ =	swait.ge @!p0 [sflag:s8], $0x0  }
0x24: {  	s3 =	sadd.s32 $0x88, s3;
	s6 =	simm.s32 @!p1 $0x1082;
	[sflag:s4] =	ssyncset.s32 $0xFFFFF086  }
0x25: {  	[simem:s6], [sflag:s4] =	dma.local [hbm:s3], $0xF7A  }
0x26: {  	[smem:$0x3F9B] =	sst s1;
	(tag) =	ssettag s2;
	_ =	strace s9  }
0x27: {  	s1 =	sld [smem:$0x3FAB]  }
0x28: {  	s2 =	sld [smem:$0x3FAC]  }
0x29: {  	s4 =	sld [smem:$0x3FAE]  }
0x2a: {  	p0 =	seq.s32 s5, $0x0;
	s5 =	sld [smem:$0x3FAF]  }
0x2b: {  	s6 =	sld [smem:$0x3FB0]  }
0x2c: {  	s7 =	sld [smem:$0x3FB1]  }
0x2d: {  	s3 =	simm.s32 $0x108;
	s8 =	sld [smem:$0x3FB2]  }
0x2e: {  	s3 =	simm.s32 @!p0 $0x1082;
	s9 =	sld [smem:$0x3FB3]  }
0x2f: {  	lr =	sadd.s32 s0, s3;
	s0 =	sld [smem:$0x3FAA]  }
0x30: {  	s3 =	sld [smem:$0x3FAD]  }
0x31: {  	[smem:$0x3FB6] =	sst s10  }
0x32: {  	s10 =	sld [smem:$0x3FB4];
	_ =	sdelay $0x3  }
0x33: {  	p0 =	seq.s32 s10, $0x1;
	s10 =	sld [smem:$0x3FB6];
	_ =	sdelay $0x3  }
0x34: {  	[smem:$0x3FB6] =	sst s10  }
0x35: {  	s10 =	sld [smem:$0x3FB5];
	_ =	sdelay $0x3  }
0x36: {  	p1 =	seq.s32 s10, $0x1;
	s10 =	sld [smem:$0x3FB6];
	_ =	sdelay $0x3  }
0x37: {  	[smem:$0x3FB6] =	sst s10  }
0x38: {  	s10 =	sld [smem:$0x3FB7]  }
0x39: {  	_ = 	snop;
	(pc) =	sbr.ind lr, $3  }
0x3a: {  	_ = 	snop  }
0x3b: {  	_ = 	snop  }
0x3c: {  	p2 =	seq.s32 s10, $0x1;
	s10 =	sld [smem:$0x3FB6]  }
0x3d: {  	_ =	shalt  }
0x3e: {  	_ =	shalt  }
0x3f: {  	_ =	shalt  }
0x40: {  	_ =	shalt  }
0x41: {  	_ =	shalt  }
0x42: {  	_ =	shalt  }
0x43: {  	_ =	shalt  }
0x44: {  	_ =	shalt  }
0x45: {  	_ =	shalt  }
0x46: {  	_ =	shalt  }
0x47: {  	_ =	shalt  }
0x48: {  	_ =	shalt  }
0x49: {  	_ =	shalt  }
0x4a: {  	_ =	shalt  }
0x4b: {  	_ =	shalt  }
0x4c: {  	_ =	shalt  }
0x4d: {  	_ =	shalt  }
0x4e: {  	_ =	shalt  }
0x4f: {  	_ =	shalt  }
0x50: {  	_ =	shalt  }
0x51: {  	_ =	shalt  }
0x52: {  	_ =	shalt  }
0x53: {  	_ =	shalt  }
0x54: {  	_ =	shalt  }
0x55: {  	_ =	shalt  }
0x56: {  	_ =	shalt  }
0x57: {  	_ =	shalt  }
0x58: {  	_ =	shalt  }
0x59: {  	_ =	shalt  }
0x5a: {  	_ =	shalt  }
0x5b: {  	_ =	shalt  }
0x5c: {  	_ =	shalt  }
0x5d: {  	_ =	shalt  }
0x5e: {  	_ =	shalt  }
0x5f: {  	_ =	shalt  }
0x60: {  	_ =	shalt  }
0x61: {  	_ =	shalt  }
0x62: {  	_ =	shalt  }
0x63: {  	_ =	shalt  }
0x64: {  	_ =	shalt  }
0x65: {  	_ =	shalt  }
0x66: {  	_ =	shalt  }
0x67: {  	_ =	shalt  }
0x68: {  	_ =	shalt  }
0x69: {  	_ =	shalt  }
0x6a: {  	_ =	shalt  }
0x6b: {  	_ =	shalt  }
0x6c: {  	_ =	shalt  }
0x6d: {  	_ =	shalt  }
0x6e: {  	_ =	shalt  }
0x6f: {  	_ =	shalt  }
0x70: {  	_ =	shalt  }
0x71: {  	_ =	shalt  }
0x72: {  	_ =	shalt  }
0x73: {  	_ =	shalt  }
0x74: {  	_ =	shalt  }
0x75: {  	_ =	shalt  }
0x76: {  	_ =	shalt  }
0x77: {  	_ =	shalt  }
0x78: {  	_ =	shalt  }
0x79: {  	_ =	shalt  }
0x7a: {  	_ =	shalt  }
0x7b: {  	_ =	shalt  }
0x7c: {  	_ =	shalt  }
0x7d: {  	_ =	shalt  }
0x7e: {  	_ =	shalt  }
0x7f: {  	_ =	shalt  }
0x80: {  	_ =	shalt  }
0x81: {  	_ =	shalt  }
0x82: {  	_ =	shalt  }
0x83: {  	_ =	shalt  }
0x84: {  	_ =	shalt  }
0x85: {  	_ =	shalt  }
0x86: {  	_ =	shalt  }
0x87: {  	_ =	shalt  }
.Lfunc_end0:
.L_simem_size_0:
called_computation.1_lowered:
.L_overlay_start_0:
0x88: {  	s2 =	sld [smem:$0x3FD9]  }
0x89: {  	s3 =	sld [smem:$0x3FFE];
	_ =	sdelay $0x1  }
0x8a: {  	s1 =	srdreg.scid  }
0x8b: {  	s0 =	sand.u32 $0x1, s1  }
0x8c: {  	s16 =	sshll.u32 s0, $0xA;
	s2 =	sadd.s32 s3, s2  }
0x8d: {  	s2 =	sadd.s32 s2, s16  }
0x8e: {  	[smem:$0x3FC2] =	sst s2  }
0x8f: {  	_ = 	snop  }
0x90: {  	(tm) =	ssettm $0x1  }
0x91: {  	s17 =	sld [smem:$0x3FFB];
	_ =	sdelay $0x3  }
0x92: {  	_ =	strace s17  }
0x93: {  	s2 =	sld [smem:$0x3FFC];
	_ =	sdelay $0x3  }
0x94: {  	_ =	strace s2  }
0x95: {  	s2 =	sld [smem:$0x3FFD];
	_ =	sdelay $0x3  }
0x96: {  	_ =	strace s2  }
0x97: {  	_ =	strace $0x8FFFFFFF  }
0x98: {  	s18 =	sld [smem:$0x3FDB];
	_ =	sdelay $0x1  }
0x99: {  	s19 =	simm.s32 $_scs_section_size  }
0x9a: {  	s4 =	simm.s32 $_size__tile_overlayer_lowered;
	s5 =	simm.s32 $_tile_overlayer_lowered  }
0x9b: {  	s22 =	simm.s32 $0x1BFF;
	s21 =	sshll.u32 s5, $0x1;
	s2 =	sadd.s32 s19, s18  }
0x9c: {  	s6 =	simm.s32 $0x0;
	s20 =	sshll.u32 s4, $0x1;
	s4 =	sadd.s32 s21, s2  }
0x9d: {  	[timem:s6], [sflag:s22] =	dma.local [hbm:s4], s20  }
0x9e: {  	_ =	swait.ge [sflag:s22], s20  }
0x9f: {  	s3 =	ssub.s32 $0x0, s20;
	[sflag:s22] =	ssyncset.done $0x0  }
0xa0: {  	[sflag:s22] =	ssyncadd.s32 s3;
	_ =	sdelay $0x1  }
0xa1: {  	s23 =	simm.s32 $0x1B8B  }
0xa2: {  	_ =	swait.ge [sflag:s23], $0x1  }
0xa3: {  	[sflag:s23] =	ssyncset.done $0x0  }
0xa4: {  	s25 =	simm.s32 $0x1B8E;
	s24 =	sld [smem:$0x3FFE];
	[sflag:s23] =	ssyncadd.s32 $0xFFFFFFFF  }
0xa5: {  	s26 =	simm.s32 $execute0_lowered;
	[smem:$0x3FD2] =	sst s25  }
0xa6: {  	s4 =	sshll.u32 s26, $0x1;
	_ =	strace $0x80000049;
	[dreg:$0x1] =	wrdreg $0xFFFFFFFF  }
0xa7: {  	s28 =	simm.s32 $_size_execute0_lowered;
	s2 =	sadd.s32 s2, s4;
	[dreg:$0x0] =	wrdreg $0x0  }
0xa8: {  	s4 =	sshll.u32 s28, $0x1;
	[dreg:$0x2] =	wrdreg s2  }
0xa9: {  	[dreg:$0x3] =	wrdreg s4  }
0xaa: {  	[dreg:$0x4] =	wrdreg $0xC0  }
0xab: {  	_ =	task [dreg:s6], $0x5FFFF  }
0xac: {  	[dreg:$0x1] =	wrdreg $0xFFFFFFFF  }
0xad: {  	[dreg:$0x0] =	wrdreg $0x60  }
0xae: {  	[dreg:$0x2] =	wrdreg s24  }
0xaf: {  	[dreg:$0x3] =	wrdreg $0x0  }
0xb0: {  	[dreg:$0x4] =	wrdreg $0x9  }
0xb1: {  	_ =	task.clear_ibuf [dreg:s6], $0x5FFFF;
	_ =	strace $0x90000049  }
0xb2: {  	s29 =	simm.s32 $0x9;
	_ =	strace $0x8000004B  }
0xb3: {  	_ =	swait.ge [sflag:s29], $0x1  }
0xb4: {  	[sflag:s29] =	ssyncadd.s32 $0xFFFFFFFF  }
0xb5: {  	_ =	strace $0x9000004B  }
0xb6: {  	_ =	sfence  }
0xb7: {  	s30 =	sld [smem:$0x0];
	_ =	sdelay $0x2  }
0xb8: {  	s31 =	sshll.u32 s1, $0xD;
	s1 =	sshrl.u32 s1, $0x2  }
0xb9: {  	s3 =	sand.u32 $0x4000, s31;
	s1 =	sadd.s32 s1, s30  }
0xba: {  	s0 =	sor.u32 s3, s0;
	s1 =	sshll.u32 s1, $0x11  }
0xbb: {  	s0 =	sor.u32 s1, s0  }
0xbc: {  	s0 =	sadd.s32 $0x8F2B, s0  }
0xbd: {  	[sflag:s0] =	ssyncadd.remote.s32 $0x1  }
0xbe: {  	_ =	sfence.sel $0xFFFF  }
0xbf: {  	[dreg:$0x0] =	wrdreg $0xFFFFFFFF;
	(pc) =	sbr.abs _section_cstart, $3  }
0xc0: {  	[dreg:$0x1] =	wrdreg $0xFFFFFFFF  }
0xc1: {  	_ =	task.clear_ibuf [dreg:s6], $0x2FFFF;
	_ =	strace $0x9FFFFFFF  }
0xc2: {  	(tm) =	ssettm $0x7FFFFFFF  }
0xc3: {  	_ =	shalt  }
tec
execute0_lowered:
.L_overlay_start_1:
0x0: {  	(tag) =	ssettag $0x1  }
0x1: {  	s0 =	rddreg [dreg:$0x0]  }
0x2: {  	s1 =	rddreg [dreg:$0x1]  }
0x3: {  	s3 =	simm.s32 $0x0;
	s2 =	srdreg.scid;
	s17 =	stileid.u32  }
0x4: {  	s18 =	simm.s32 $0x3;
	s19 =	simm.s32 $0x14C80;
	s20 =	simm.s32 $0x7D  }
0x5: {  	s21 =	simm.s32 $0x16080;
	s22 =	simm.s32 $0x19F00;
	s23 =	simm.s32 $0x1  }
0x6: {  	s28 =	simm.s32 $0x16000;
	s29 =	simm.s32 $0x0;
	[smem:$0x7FF] =	sst s3  }
0x7: {  	s2 =	sand.u32 $0x1, s2;
	s8 =	sadd.s32 $0xB800, s0;
	s4 =	smul.u32 $0x13800, s17  }
0x8: {  	s14 =	sadd.s32 $0x6800, s0;
	s6 =	smul.u32 $0x13C00, s17;
	s15 =	sadd.s32 $0x1200, s0  }
0x9: {  	s0 =	sadd.s32 $0x59A00, s0;
	s16 =	smul.u32 $0x500, s17;
	p0 =	sgt.u32 s17, $0xD  }
0xa: {  	s24 =	smul.u32 $0x138800, s2;
	_ =	strace $0x8000004A;
	s5 =	ssub.s32 $0x2, s2  }
0xb: {  	s2 =	smul.u32 $0x27100, s2;
	s7 =	sshrl.u32 s5, $0x1;
	s6 =	sadd.s32 $0xFFFFC800, s6  }
0xc: {  	s12 =	sadd.s32 s14, s16;
	s13 =	sadd.s32 s15, s16;
	s31 =	sadd.s32 $0x280, s16  }
0xd: {  	s11 =	ssub.s32 s5, s7;
	s25 =	sadd.s32 s4, s24;
	s4 =	sadd.s32 s4, s1  }
0xe: {  	s3 =	sadd.s32 s24, s6;
	s30 =	sadd.s32 s6, s1;
	s14 =	sadd.s32 s14, s31  }
0xf: {  	s15 =	sadd.s32 s15, s31;
	s24 =	simm.s32 $0x2;
	[dreg:$0x3] =	wrdreg s4  }
0x10: {  	s9 =	sshrl.u32 s25, $0x3;
	s3 =	sshrl.u32 s3, $0x3;
	[dreg:$0x5] =	wrdreg s30  }
0x11: {  	s11 =	smax.u32 s11, $0x1;
	s25 =	simm.s32 $0x14C00;
	s26 =	sadd.s32 s8, s9  }
0x12: {  	s7 =	sadd.s32 s8, s3;
	s8 =	sadd.s32 s8, s2;
	s9 =	sadd.s32 s0, s9  }
0x13: {  	s10 =	sadd.s32 s0, s3;
	s2 =	sshll.u32 @p0 s17, $0x6;
	s17 =	simm.s32 $0x13880  }
0x14: {  	[dreg:$0x4] =	wrdreg s26;
	s16 =	sor.u32 @p0 $0x1C03, s2;
	s26 =	simm.s32 $0x15F80  }
.LBB2_1:
0x15: {  	s0 =	rddreg [dreg:$0x5]  }
0x16: {  	s30 =	sshrl.u32 @p0 s0, $0x3;
	s0 =	simm.s32 @p0 $0x3  }
0x17: {  	[spmem:s30], [sflag:s16] =	dma.local @p0 [hbm:s7], $0x2780  }
0x18: {  	_ =	swait.ge @p0 [sflag:s0], $0x2780  }
0x19: {  	s2 =	stileid.u32;
	[sflag:s0] =	ssyncset.done @p0 $0x0  }
0x1a: {  	s2 =	sshll.u32 @!p0 s2, $0x6;
	[sflag:s0] =	ssyncadd.s32 @p0 $0xFFFFD880;
	s0 =	rddreg [dreg:$0x3]  }
0x1b: {  	s31 =	sor.u32 @!p0 $0x1C03, s2;
	s2 =	rddreg [dreg:$0x4];
	s0 =	sshrl.u32 @!p0 s0, $0x3  }
0x1c: {  	[spmem:s0], [sflag:s31] =	dma.local @!p0 [hbm:s2], $0x2700  }
0x1d: {  	s2 =	simm.s32 @!p0 $0x3  }
0x1e: {  	_ =	swait.ge @!p0 [sflag:s2], $0x2700  }
0x1f: {  	[sflag:s2] =	ssyncset.done @!p0 $0x0  }
0x20: {  	[sflag:s2] =	ssyncadd.s32 @!p0 $0xFFFFD900  }
0x21: {  	s6 =	simm.s32 $0x0;
	[bflag:$0x0] =	sbarrier.arrive $0xFFFF  }
0x22: {  	[tilespmem:s17], [sflag:$0x3] =	stream.linear.gather [hbm4b:s12+s6], $0x1400, $0x38;
	[tilespmem:$0x1DD80] =	vst v63  }
0x23: {  	_ =	swait.ge [sflag:s18], $0x1400  }
0x24: {  	[sflag:s18] =	ssyncset.done $0x0  }
0x25: {  	[sflag:s18] =	ssyncadd.s32 $0xFFFFEC00  }
0x26: {  	[tilespmem:s19], [sflag:$0x3] =	stream.linear.gather [hbm4b:s13+s6], $0x1400, $0x38;
	[tilespmem:$0x1DD80] =	vst v63  }
0x27: {  	_ =	swait.ge [sflag:s18], $0x1400  }
0x28: {  	[sflag:s18] =	ssyncset.done $0x0  }
0x29: {  	[sflag:s18] =	ssyncadd.s32 $0xFFFFEC00  }
0x2a: {  	[tilespmem:s21], [sflag:$0x1] =	stream.indirect.gather [hbm4b:s8+s20], $0x80, s17, s20, $0xb8;
	[tilespmem:$0x1DD80] =	vst v63  }
0x2b: {  	s3 =	simm.s32 $0x13900  }
0x2c: {  	[tilespmem:s22], [sflag:$0x2] =	stream.indirect.gather [hbm4b:s8+s20], $0x80, s3, s20, $0xb8;
	[tilespmem:$0x1DD80] =	vst v63  }
0x2d: {  	_ =	swait.ge [sflag:s23], $0x3E80  }
0x2e: {  	[sflag:s23] =	ssyncset.done $0x0  }
0x2f: {  	s4 =	simm.s32 $0x14C80;
	[sflag:s23] =	ssyncadd.s32 $0xFFFFC180  }
0x30: {  	[spmem:s1] =	stream.indirect.scatter.add.f32 [tilespmem:s21], [sflag:$0x3], $0x80, s4, s20, $0xb8;
	[tilespmem:$0x1DD80] =	vst v63  }
0x31: {  	_ =	swait.ge [sflag:s18], $0x3E80  }
0x32: {  	[sflag:s18] =	ssyncset.done $0x0  }
0x33: {  	s5 =	simm.s32 $0x13980;
	[sflag:s18] =	ssyncadd.s32 $0xFFFFC180  }
0x34: {  	[tilespmem:s21], [sflag:$0x1] =	stream.indirect.gather [hbm4b:s8+s20], $0x80, s5, s20, $0xb8;
	[tilespmem:$0x1DD80] =	vst v63  }
0x35: {  	_ =	swait.ge [sflag:s24], $0x3E80  }
0x36: {  	[sflag:s24] =	ssyncset.done $0x0  }
0x37: {  	s6 =	simm.s32 $0x14D00;
	[sflag:s24] =	ssyncadd.s32 $0xFFFFC180  }
0x38: {  	[spmem:s1] =	stream.indirect.scatter.add.f32 [tilespmem:s22], [sflag:$0x3], $0x80, s6, s20, $0xb8;
	[tilespmem:$0x1DD80] =	vst v63  }
0x39: {  	_ =	swait.ge [sflag:s18], $0x3E80  }
0x3a: {  	s2 =	simm.s32 $0x100;
	s3 =	simm.s32 $0x800;
	[sflag:s18] =	ssyncset.done $0x0  }
.LBB2_2:
0x3b: {  	s4 =	sadd.s32 $0x13900, s2  }
0x3c: {  	[sflag:s18] =	ssyncadd.s32 $0xFFFFC180;
	s5 =	smov.u32 s3;
	s6 =	sadd.s32 $0x400, s3  }
0x3d: {  	[tilespmem:s22], [sflag:$0x2] =	stream.indirect.gather [hbm4b:s8+s20], $0x80, s4, s20, $0xb8;
	[tilespmem:$0x1DD80] =	vst v63  }
0x3e: {  	p1 =	sne.s32 s3, $0x4800;
	_ =	swait.ge [sflag:s23], $0x3E80  }
0x3f: {  	[sflag:s23] =	ssyncset.done $0x0  }
0x40: {  	s3 =	sadd.s32 $0x14C80, s2;
	[sflag:s23] =	ssyncadd.s32 $0xFFFFC180  }
0x41: {  	[spmem:s1] =	stream.indirect.scatter.add.f32 [tilespmem:s21], [sflag:$0x3], $0x80, s3, s20, $0xb8;
	[tilespmem:$0x1DD80] =	vst v63  }
0x42: {  	_ =	swait.ge [sflag:s18], $0x3E80  }
0x43: {  	[sflag:s18] =	ssyncset.done $0x0  }
0x44: {  	s3 =	sadd.s32 $0x13980, s2;
	[sflag:s18] =	ssyncadd.s32 $0xFFFFC180  }
0x45: {  	[tilespmem:s21], [sflag:$0x1] =	stream.indirect.gather [hbm4b:s8+s20], $0x80, s3, s20, $0xb8;
	[tilespmem:$0x1DD80] =	vst v63  }
0x46: {  	_ =	swait.ge [sflag:s24], $0x3E80  }
.Ltmp0:
0x47: {  	[sflag:s24] =	ssyncset.done $0x0;
	(pc) =	sbr.rel @p1 .LBB2_2-.Ltmp0, $4  }
0x48: {  	s2 =	sadd.s32 $0x14D00, s2;
	[sflag:s24] =	ssyncadd.s32 $0xFFFFC180  }
0x49: {  	[spmem:s1] =	stream.indirect.scatter.add.f32 [tilespmem:s22], [sflag:$0x3], $0x80, s2, s20, $0xb8;
	[tilespmem:$0x1DD80] =	vst v63  }
0x4a: {  	_ =	swait.ge [sflag:s18], $0x3E80  }
0x4b: {  	s3 =	smov.u32 s6;
	s2 =	sshra.s32 s5, $0x2;
	[sflag:s18] =	ssyncset.done $0x0  }
0x4c: {  	s3 =	sadd.s32 $0x13900, s2;
	[sflag:s18] =	ssyncadd.s32 $0xFFFFC180  }
0x4d: {  	[tilespmem:s22], [sflag:$0x2] =	stream.indirect.gather [hbm4b:s8+s20], $0x80, s3, s20, $0xb8;
	[tilespmem:$0x1DD80] =	vst v63  }
0x4e: {  	_ =	swait.ge [sflag:s23], $0x3E80  }
0x4f: {  	[sflag:s23] =	ssyncset.done $0x0  }
0x50: {  	s6 =	sadd.s32 $0x14C80, s2;
	[sflag:s23] =	ssyncadd.s32 $0xFFFFC180  }
0x51: {  	[spmem:s1] =	stream.indirect.scatter.add.f32 [tilespmem:s21], [sflag:$0x3], $0x80, s6, s20, $0xb8;
	[tilespmem:$0x1DD80] =	vst v63  }
0x52: {  	_ =	swait.ge [sflag:s18], $0x3E80  }
0x53: {  	[sflag:s18] =	ssyncset.done $0x0  }
0x54: {  	s4 =	sadd.s32 $0x13980, s2;
	[sflag:s18] =	ssyncadd.s32 $0xFFFFC180  }
0x55: {  	[tilespmem:s21], [sflag:$0x1] =	stream.indirect.gather [hbm4b:s8+s20], $0x80, s4, s20, $0xb8;
	[tilespmem:$0x1DD80] =	vst v63  }
0x56: {  	_ =	swait.ge [sflag:s24], $0x3E80  }
0x57: {  	[sflag:s24] =	ssyncset.done $0x0  }
0x58: {  	s5 =	sadd.s32 $0x14D00, s2;
	[sflag:s24] =	ssyncadd.s32 $0xFFFFC180  }
0x59: {  	[spmem:s1] =	stream.indirect.scatter.add.f32 [tilespmem:s22], [sflag:$0x3], $0x80, s5, s20, $0xb8;
	[tilespmem:$0x1DD80] =	vst v63  }
0x5a: {  	_ =	swait.ge [sflag:s18], $0x3E80  }
0x5b: {  	[sflag:s18] =	ssyncset.done $0x0  }
0x5c: {  	[sflag:s18] =	ssyncadd.s32 $0xFFFFC180  }
0x5d: {  	[tilespmem:s22], [sflag:$0x2] =	stream.indirect.gather [hbm4b:s8+s20], $0x80, s25, s20, $0xb8;
	[tilespmem:$0x1DD80] =	vst v63  }
0x5e: {  	_ =	swait.ge [sflag:s23], $0x3E80  }
0x5f: {  	[sflag:s23] =	ssyncset.done $0x0  }
0x60: {  	[sflag:s23] =	ssyncadd.s32 $0xFFFFC180  }
0x61: {  	[spmem:s1] =	stream.indirect.scatter.add.f32 [tilespmem:s21], [sflag:$0x3], $0x80, s26, s20, $0xb8;
	[tilespmem:$0x1DD80] =	vst v63  }
0x62: {  	_ =	swait.ge [sflag:s18], $0x3E80  }
0x63: {  	[sflag:s18] =	ssyncset.done $0x0  }
0x64: {  	[sflag:s18] =	ssyncadd.s32 $0xFFFFC180  }
0x65: {  	_ =	swait.ge [sflag:s24], $0x3E80  }
0x66: {  	[sflag:s24] =	ssyncset.done $0x0  }
0x67: {  	[sflag:s24] =	ssyncadd.s32 $0xFFFFC180  }
0x68: {  	[spmem:s1] =	stream.indirect.scatter.add.f32 [tilespmem:s22], [sflag:$0x3], $0x80, s28, s20, $0xb8;
	[tilespmem:$0x1DD80] =	vst v63  }
0x69: {  	_ =	swait.ge [sflag:s18], $0x3E80  }
0x6a: {  	[sflag:s18] =	ssyncset.done $0x0  }
0x6b: {  	s6 =	simm.s32 $0x0;
	[sflag:s18] =	ssyncadd.s32 $0xFFFFC180  }
0x6c: {  	[tilespmem:s17], [sflag:$0x3] =	stream.linear.gather [hbm4b:s14+s6], $0x1400, $0x38;
	[tilespmem:$0x1DD80] =	vst v63  }
0x6d: {  	_ =	swait.ge [sflag:s18], $0x1400  }
0x6e: {  	[sflag:s18] =	ssyncset.done $0x0  }
0x6f: {  	[sflag:s18] =	ssyncadd.s32 $0xFFFFEC00  }
0x70: {  	[tilespmem:s19], [sflag:$0x3] =	stream.linear.gather [hbm4b:s15+s6], $0x1400, $0x38;
	[tilespmem:$0x1DD80] =	vst v63  }
0x71: {  	_ =	swait.ge [sflag:s18], $0x1400  }
0x72: {  	[sflag:s18] =	ssyncset.done $0x0  }
0x73: {  	[sflag:s18] =	ssyncadd.s32 $0xFFFFEC00  }
0x74: {  	[tilespmem:s21], [sflag:$0x1] =	stream.indirect.gather [hbm4b:s8+s20], $0x80, s17, s20, $0xb8;
	[tilespmem:$0x1DD80] =	vst v63  }
0x75: {  	s3 =	simm.s32 $0x13900  }
0x76: {  	[tilespmem:s22], [sflag:$0x2] =	stream.indirect.gather [hbm4b:s8+s20], $0x80, s3, s20, $0xb8;
	[tilespmem:$0x1DD80] =	vst v63  }
0x77: {  	_ =	swait.ge [sflag:s23], $0x3E80  }
0x78: {  	[sflag:s23] =	ssyncset.done $0x0  }
0x79: {  	s4 =	simm.s32 $0x14C80;
	[sflag:s23] =	ssyncadd.s32 $0xFFFFC180  }
0x7a: {  	[spmem:s1] =	stream.indirect.scatter.add.f32 [tilespmem:s21], [sflag:$0x3], $0x80, s4, s20, $0xb8;
	[tilespmem:$0x1DD80] =	vst v63  }
0x7b: {  	_ =	swait.ge [sflag:s18], $0x3E80  }
0x7c: {  	[sflag:s18] =	ssyncset.done $0x0  }
0x7d: {  	s5 =	simm.s32 $0x13980;
	[sflag:s18] =	ssyncadd.s32 $0xFFFFC180  }
0x7e: {  	[tilespmem:s21], [sflag:$0x1] =	stream.indirect.gather [hbm4b:s8+s20], $0x80, s5, s20, $0xb8;
	[tilespmem:$0x1DD80] =	vst v63  }
0x7f: {  	_ =	swait.ge [sflag:s24], $0x3E80  }
0x80: {  	[sflag:s24] =	ssyncset.done $0x0  }
0x81: {  	s6 =	simm.s32 $0x14D00;
	[sflag:s24] =	ssyncadd.s32 $0xFFFFC180  }
0x82: {  	[spmem:s1] =	stream.indirect.scatter.add.f32 [tilespmem:s22], [sflag:$0x3], $0x80, s6, s20, $0xb8;
	[tilespmem:$0x1DD80] =	vst v63  }
0x83: {  	_ =	swait.ge [sflag:s18], $0x3E80  }
0x84: {  	s2 =	simm.s32 $0x100;
	s3 =	simm.s32 $0x800;
	[sflag:s18] =	ssyncset.done $0x0  }
.LBB2_4:
0x85: {  	s4 =	sadd.s32 $0x13900, s2  }
0x86: {  	[sflag:s18] =	ssyncadd.s32 $0xFFFFC180;
	s5 =	smov.u32 s3;
	s6 =	sadd.s32 $0x400, s3  }
0x87: {  	[tilespmem:s22], [sflag:$0x2] =	stream.indirect.gather [hbm4b:s8+s20], $0x80, s4, s20, $0xb8;
	[tilespmem:$0x1DD80] =	vst v63  }
0x88: {  	p1 =	sne.s32 s3, $0x4800;
	_ =	swait.ge [sflag:s23], $0x3E80  }
0x89: {  	[sflag:s23] =	ssyncset.done $0x0  }
0x8a: {  	s3 =	sadd.s32 $0x14C80, s2;
	[sflag:s23] =	ssyncadd.s32 $0xFFFFC180  }
0x8b: {  	[spmem:s1] =	stream.indirect.scatter.add.f32 [tilespmem:s21], [sflag:$0x3], $0x80, s3, s20, $0xb8;
	[tilespmem:$0x1DD80] =	vst v63  }
0x8c: {  	_ =	swait.ge [sflag:s18], $0x3E80  }
0x8d: {  	[sflag:s18] =	ssyncset.done $0x0  }
0x8e: {  	s3 =	sadd.s32 $0x13980, s2;
	[sflag:s18] =	ssyncadd.s32 $0xFFFFC180  }
0x8f: {  	[tilespmem:s21], [sflag:$0x1] =	stream.indirect.gather [hbm4b:s8+s20], $0x80, s3, s20, $0xb8;
	[tilespmem:$0x1DD80] =	vst v63  }
0x90: {  	_ =	swait.ge [sflag:s24], $0x3E80  }
.Ltmp1:
0x91: {  	[sflag:s24] =	ssyncset.done $0x0;
	(pc) =	sbr.rel @p1 .LBB2_4-.Ltmp1, $4  }
0x92: {  	s2 =	sadd.s32 $0x14D00, s2;
	[sflag:s24] =	ssyncadd.s32 $0xFFFFC180  }
0x93: {  	[spmem:s1] =	stream.indirect.scatter.add.f32 [tilespmem:s22], [sflag:$0x3], $0x80, s2, s20, $0xb8;
	[tilespmem:$0x1DD80] =	vst v63  }
0x94: {  	_ =	swait.ge [sflag:s18], $0x3E80  }
0x95: {  	s3 =	smov.u32 s6;
	s2 =	sshra.s32 s5, $0x2;
	[sflag:s18] =	ssyncset.done $0x0  }
0x96: {  	s3 =	sadd.s32 $0x13900, s2;
	[sflag:s18] =	ssyncadd.s32 $0xFFFFC180  }
0x97: {  	[tilespmem:s22], [sflag:$0x2] =	stream.indirect.gather [hbm4b:s8+s20], $0x80, s3, s20, $0xb8;
	[tilespmem:$0x1DD80] =	vst v63  }
0x98: {  	_ =	swait.ge [sflag:s23], $0x3E80  }
0x99: {  	[sflag:s23] =	ssyncset.done $0x0  }
0x9a: {  	s4 =	sadd.s32 $0x14C80, s2;
	[sflag:s23] =	ssyncadd.s32 $0xFFFFC180  }
0x9b: {  	[spmem:s1] =	stream.indirect.scatter.add.f32 [tilespmem:s21], [sflag:$0x3], $0x80, s4, s20, $0xb8;
	[tilespmem:$0x1DD80] =	vst v63  }
0x9c: {  	_ =	swait.ge [sflag:s18], $0x3E80  }
0x9d: {  	[sflag:s18] =	ssyncset.done $0x0  }
0x9e: {  	s5 =	sadd.s32 $0x13980, s2;
	[sflag:s18] =	ssyncadd.s32 $0xFFFFC180  }
0x9f: {  	[tilespmem:s21], [sflag:$0x1] =	stream.indirect.gather [hbm4b:s8+s20], $0x80, s5, s20, $0xb8;
	[tilespmem:$0x1DD80] =	vst v63  }
0xa0: {  	_ =	swait.ge [sflag:s24], $0x3E80  }
0xa1: {  	[sflag:s24] =	ssyncset.done $0x0  }
0xa2: {  	s6 =	sadd.s32 $0x14D00, s2;
	[sflag:s24] =	ssyncadd.s32 $0xFFFFC180  }
0xa3: {  	[spmem:s1] =	stream.indirect.scatter.add.f32 [tilespmem:s22], [sflag:$0x3], $0x80, s6, s20, $0xb8;
	[tilespmem:$0x1DD80] =	vst v63  }
0xa4: {  	_ =	swait.ge [sflag:s18], $0x3E80  }
0xa5: {  	[sflag:s18] =	ssyncset.done $0x0  }
0xa6: {  	[sflag:s18] =	ssyncadd.s32 $0xFFFFC180  }
0xa7: {  	[tilespmem:s22], [sflag:$0x2] =	stream.indirect.gather [hbm4b:s8+s20], $0x80, s25, s20, $0xb8;
	[tilespmem:$0x1DD80] =	vst v63  }
0xa8: {  	_ =	swait.ge [sflag:s23], $0x3E80  }
0xa9: {  	[sflag:s23] =	ssyncset.done $0x0  }
0xaa: {  	[sflag:s23] =	ssyncadd.s32 $0xFFFFC180  }
0xab: {  	[spmem:s1] =	stream.indirect.scatter.add.f32 [tilespmem:s21], [sflag:$0x3], $0x80, s26, s20, $0xb8;
	[tilespmem:$0x1DD80] =	vst v63  }
0xac: {  	_ =	swait.ge [sflag:s18], $0x3E80  }
0xad: {  	[sflag:s18] =	ssyncset.done $0x0  }
0xae: {  	[sflag:s18] =	ssyncadd.s32 $0xFFFFC180  }
0xaf: {  	_ =	swait.ge [sflag:s24], $0x3E80  }
0xb0: {  	[sflag:s24] =	ssyncset.done $0x0  }
0xb1: {  	[sflag:s24] =	ssyncadd.s32 $0xFFFFC180  }
0xb2: {  	[spmem:s1] =	stream.indirect.scatter.add.f32 [tilespmem:s22], [sflag:$0x3], $0x80, s28, s20, $0xb8;
	[tilespmem:$0x1DD80] =	vst v63  }
0xb3: {  	_ =	swait.ge [sflag:s18], $0x3E80  }
0xb4: {  	[sflag:s18] =	ssyncset.done $0x0  }
0xb5: {  	[sflag:s18] =	ssyncadd.s32 $0xFFFFC180  }
0xb6: {  	s2 =	simm.s32 @p0 $0x3;
	[bflag:$0x0] =	sbarrier.arrive $0xFFFF  }
0xb7: {  	[hbm:s10], [sflag:s16] =	dma.local @p0 [spmem:s30], $0x2780  }
0xb8: {  	_ =	swait.ge @p0 [sflag:s2], $0x2780  }
0xb9: {  	s29 =	sadd.s32 $0x1, s29;
	[sflag:s2] =	ssyncset.done @p0 $0x0  }
0xba: {  	p1 =	sne.s32 s29, s11;
	[sflag:s2] =	ssyncadd.s32 @p0 $0xFFFFD880  }
0xbb: {  	[hbm:s9], [sflag:s31] =	dma.local @!p0 [spmem:s0], $0x2700  }
.Ltmp2:
0xbc: {  	_ = 	snop;
	(pc) =	sbr.rel @p1 .LBB2_1-.Ltmp2, $4  }
0xbd: {  	s0 =	simm.s32 @!p0 $0x3  }
0xbe: {  	_ =	swait.ge @!p0 [sflag:s0], $0x2700  }
0xbf: {  	[sflag:s0] =	ssyncset.done @!p0 $0x0  }
0xc0: {  	[sflag:s0] =	ssyncadd.s32 @!p0 $0xFFFFD900  }
0xc1: {  	_ =	sfence.sel $0x180000  }
0xc2: {  	[bflag:$0x0] =	sbarrier.arrive $0xFFFF  }
0xc3: {  	_ =	strace $0x9000004A  }
0xc4: {  	s0 =	stileid.u32;
	[bflag:$0x2] =	sbarrier.arrive $0xFFFF  }
0xc5: {  	p0 =	sne.s32 s0, $0x0;
	s0 =	rddreg [dreg:$0x2]  }
0xc6: {  	s0 =	sadd.s32 @!p0 $0x100000, s0  }
0xc7: {  	[sflag:s0] =	ssyncadd.tile.s32 @!p0 $0x1;
	_ =	shalt  }
.Lfunc_end2:
_tile_overlayer_lowered:
.L_overlay_start_2:
0xc8: {  	(tag) =	ssettag $0x2  }
0xc9: {  	s0 =	rddreg [dreg:$0x0];
	s2 =	stileid.u32  }
0xca: {  	s1 =	rddreg [dreg:$0x1];
	p0 =	sne.s32 s2, $0x0  }
0xcb: {  	s3 =	rddreg [dreg:$0x2];
	[bflag:$0x3] =	sbarrier.arrive $0xFFFF;
	s2 =	simm.s32 @!p0 $0x1C03  }
0xcc: {  	[timem:s3], [sflag:s2] =	dma.local @!p0 [hbm:s0], s1  }
0xcd: {  	s0 =	simm.s32 @!p0 $0x3  }
0xce: {  	_ =	swait.ge @!p0 [sflag:s0], s1  }
0xcf: {  	s1 =	ssub.s32 @!p0 $0x0, s1;
	[sflag:s0] =	ssyncset.done @!p0 $0x0  }
0xd0: {  	[sflag:s0] =	ssyncadd.s32 @!p0 s1  }
0xd1: {  	[bflag:$0x3] =	sbarrier.arrive $0xFFFF  }
0xd2: {  	_ =	shalt  }

// kernel: kernel.14.cloned.1.call-start
scs
__scs_entry_jumppad:
0x0: {  	(pc) =	sbr.rel $0x88, $3  }
0x1: {  	(tag) =	ssettag $0x0;
	lr =	simm.s32 $0x1  }
0x2: {  	[smem:$0x3F9B] =	sst lr;
	_ =	strace $0xD0000000  }
0x3: {  	_ = 	snop  }
0x4: {  	_ = 	snop  }
0x5: {  	_ = 	snop  }
0x6: {  	_ = 	snop  }
0x7: {  	_ = 	snop  }
__scs_overlays_trampoline_lowered:
0x8: {  	[smem:$0x3FAA] =	sst s0  }
0x9: {  	[smem:$0x3FAB] =	sst s1  }
0xa: {  	[smem:$0x3FAC] =	sst s2  }
0xb: {  	[smem:$0x3FAD] =	sst s3  }
0xc: {  	[smem:$0x3FAE] =	sst s4  }
0xd: {  	[smem:$0x3FAF] =	sst s5  }
0xe: {  	[smem:$0x3FB0] =	sst s6  }
0xf: {  	[smem:$0x3FB1] =	sst s7  }
0x10: {  	[smem:$0x3FB2] =	sst s8  }
0x11: {  	[smem:$0x3FB3] =	sst s9;
	s0 =	simm.s32 @!p0 $0x0  }
0x12: {  	s1 =	sld [smem:$0x3F99];
	s0 =	simm.s32 @p0 $0x1  }
0x13: {  	[smem:$0x3FB4] =	sst s0;
	s0 =	simm.s32 @!p1 $0x0  }
0x14: {  	s2 =	sld [smem:$0x3F98];
	s0 =	simm.s32 @p1 $0x1  }
0x15: {  	[smem:$0x3FB5] =	sst s0;
	s0 =	simm.s32 @!p2 $0x0  }
0x16: {  	s3 =	sld [smem:$0x3FDB];
	s0 =	simm.s32 @p2 $0x1  }
0x17: {  	s4 =	simm.s32 $0x1BF5;
	[smem:$0x3FB7] =	sst s0  }
0x18: {  	s0 =	sld [smem:$0x3F9A];
	_ =	swait.ge [sflag:s4], $0x0  }
0x19: {  	s7 =	sld [smem:$0x3F9B]  }
0x1a: {  	s8 =	sadd.s32 $0xFFFFE003, lr  }
0x1b: {  	s9 =	sadd.s32 $0xFFFFFEF7, lr;
	s5 =	simm.s32 $0xFFFFFFFF;
	p2 =	slt.u32 s8, $0xFFFFF086  }
0x1c: {  	p1 =	slt.u32 s9, $0xF7A;
	s5 =	simm.s32 @!p2 $0x0  }
0x1d: {  	s5 =	simm.s32 @p1 $0x1;
	p0 =	seq.s32 s7, s2  }
0x1e: {  	s7 =	smul.u32 @!p0 $0xF7A, s2;
	p2 =	seq.s32 @!p0 s5, $0x0  }
0x1f: {  	s9 =	smul.u32 $0xF7A, s1;
	s8 =	simm.s32 @!p0 $0x1BF5;
	p2 =	por !p2, p0  }
0x20: {  	[sflag:s8] =	ssyncset.s32 @!p0 $0xFFFFF086;
	s6 =	sadd.s32 @!p0 s3, s7;
	s7 =	simm.s32 @!p0 $0x108  }
0x21: {  	s3 =	sadd.s32 s3, s9;
	s6 =	sadd.s32 @!p0 $0x88, s6;
	s7 =	simm.s32 @p2 $0x1082  }
0x22: {  	[simem:s7], [sflag:s8] =	dma.local @!p0 [hbm:s6], $0xF7A  }
0x23: {  	s9 =	sor.u32 $0xD0000000, s2;
	s6 =	simm.s32 $0x108;
	_ =	swait.ge @!p0 [sflag:s8], $0x0  }
0x24: {  	s3 =	sadd.s32 $0x88, s3;
	s6 =	simm.s32 @!p1 $0x1082;
	[sflag:s4] =	ssyncset.s32 $0xFFFFF086  }
0x25: {  	[simem:s6], [sflag:s4] =	dma.local [hbm:s3], $0xF7A  }
0x26: {  	[smem:$0x3F9B] =	sst s1;
	(tag) =	ssettag s2;
	_ =	strace s9  }
0x27: {  	s1 =	sld [smem:$0x3FAB]  }
0x28: {  	s2 =	sld [smem:$0x3FAC]  }
0x29: {  	s4 =	sld [smem:$0x3FAE]  }
0x2a: {  	p0 =	seq.s32 s5, $0x0;
	s5 =	sld [smem:$0x3FAF]  }
0x2b: {  	s6 =	sld [smem:$0x3FB0]  }
0x2c: {  	s7 =	sld [smem:$0x3FB1]  }
0x2d: {  	s3 =	simm.s32 $0x108;
	s8 =	sld [smem:$0x3FB2]  }
0x2e: {  	s3 =	simm.s32 @!p0 $0x1082;
	s9 =	sld [smem:$0x3FB3]  }
0x2f: {  	lr =	sadd.s32 s0, s3;
	s0 =	sld [smem:$0x3FAA]  }
0x30: {  	s3 =	sld [smem:$0x3FAD]  }
0x31: {  	[smem:$0x3FB6] =	sst s10  }
0x32: {  	s10 =	sld [smem:$0x3FB4];
	_ =	sdelay $0x3  }
0x33: {  	p0 =	seq.s32 s10, $0x1;
	s10 =	sld [smem:$0x3FB6];
	_ =	sdelay $0x3  }
0x34: {  	[smem:$0x3FB6] =	sst s10  }
0x35: {  	s10 =	sld [smem:$0x3FB5];
	_ =	sdelay $0x3  }
0x36: {  	p1 =	seq.s32 s10, $0x1;
	s10 =	sld [smem:$0x3FB6];
	_ =	sdelay $0x3  }
0x37: {  	[smem:$0x3FB6] =	sst s10  }
0x38: {  	s10 =	sld [smem:$0x3FB7]  }
0x39: {  	_ = 	snop;
	(pc) =	sbr.ind lr, $3  }
0x3a: {  	_ = 	snop  }
0x3b: {  	_ = 	snop  }
0x3c: {  	p2 =	seq.s32 s10, $0x1;
	s10 =	sld [smem:$0x3FB6]  }
0x3d: {  	_ =	shalt  }
0x3e: {  	_ =	shalt  }
0x3f: {  	_ =	shalt  }
0x40: {  	_ =	shalt  }
0x41: {  	_ =	shalt  }
0x42: {  	_ =	shalt  }
0x43: {  	_ =	shalt  }
0x44: {  	_ =	shalt  }
0x45: {  	_ =	shalt  }
0x46: {  	_ =	shalt  }
0x47: {  	_ =	shalt  }
0x48: {  	_ =	shalt  }
0x49: {  	_ =	shalt  }
0x4a: {  	_ =	shalt  }
0x4b: {  	_ =	shalt  }
0x4c: {  	_ =	shalt  }
0x4d: {  	_ =	shalt  }
0x4e: {  	_ =	shalt  }
0x4f: {  	_ =	shalt  }
0x50: {  	_ =	shalt  }
0x51: {  	_ =	shalt  }
0x52: {  	_ =	shalt  }
0x53: {  	_ =	shalt  }
0x54: {  	_ =	shalt  }
0x55: {  	_ =	shalt  }
0x56: {  	_ =	shalt  }
0x57: {  	_ =	shalt  }
0x58: {  	_ =	shalt  }
0x59: {  	_ =	shalt  }
0x5a: {  	_ =	shalt  }
0x5b: {  	_ =	shalt  }
0x5c: {  	_ =	shalt  }
0x5d: {  	_ =	shalt  }
0x5e: {  	_ =	shalt  }
0x5f: {  	_ =	shalt  }
0x60: {  	_ =	shalt  }
0x61: {  	_ =	shalt  }
0x62: {  	_ =	shalt  }
0x63: {  	_ =	shalt  }
0x64: {  	_ =	shalt  }
0x65: {  	_ =	shalt  }
0x66: {  	_ =	shalt  }
0x67: {  	_ =	shalt  }
0x68: {  	_ =	shalt  }
0x69: {  	_ =	shalt  }
0x6a: {  	_ =	shalt  }
0x6b: {  	_ =	shalt  }
0x6c: {  	_ =	shalt  }
0x6d: {  	_ =	shalt  }
0x6e: {  	_ =	shalt  }
0x6f: {  	_ =	shalt  }
0x70: {  	_ =	shalt  }
0x71: {  	_ =	shalt  }
0x72: {  	_ =	shalt  }
0x73: {  	_ =	shalt  }
0x74: {  	_ =	shalt  }
0x75: {  	_ =	shalt  }
0x76: {  	_ =	shalt  }
0x77: {  	_ =	shalt  }
0x78: {  	_ =	shalt  }
0x79: {  	_ =	shalt  }
0x7a: {  	_ =	shalt  }
0x7b: {  	_ =	shalt  }
0x7c: {  	_ =	shalt  }
0x7d: {  	_ =	shalt  }
0x7e: {  	_ =	shalt  }
0x7f: {  	_ =	shalt  }
0x80: {  	_ =	shalt  }
0x81: {  	_ =	shalt  }
0x82: {  	_ =	shalt  }
0x83: {  	_ =	shalt  }
0x84: {  	_ =	shalt  }
0x85: {  	_ =	shalt  }
0x86: {  	_ =	shalt  }
0x87: {  	_ =	shalt  }
.Lfunc_end0:
.L_simem_size_0:
called_computation.2_lowered:
.L_overlay_start_0:
0x88: {  	s2 =	sld [smem:$0x3FD9]  }
0x89: {  	s3 =	sld [smem:$0x3FFE];
	_ =	sdelay $0x1  }
0x8a: {  	s1 =	srdreg.scid  }
0x8b: {  	s0 =	sand.u32 $0x1, s1  }
0x8c: {  	s17 =	sshll.u32 s0, $0xA;
	s2 =	sadd.s32 s3, s2  }
0x8d: {  	s2 =	sadd.s32 s2, s17  }
0x8e: {  	[smem:$0x3FC2] =	sst s2  }
0x8f: {  	_ = 	snop  }
0x90: {  	s2 =	sld [smem:$0x3FD0];
	(tm) =	ssettm $0x1  }
0x91: {  	s18 =	sld [smem:$0x3FFB];
	_ =	sdelay $0x3  }
0x92: {  	_ =	strace s18  }
0x93: {  	s3 =	sld [smem:$0x3FFC];
	_ =	sdelay $0x3  }
0x94: {  	_ =	strace s3  }
0x95: {  	s3 =	sld [smem:$0x3FFD];
	_ =	sdelay $0x3  }
0x96: {  	_ =	strace s3  }
0x97: {  	_ =	strace $0x8FFFFFFF  }
0x98: {  	s19 =	sld [smem:$0x3FDB];
	_ =	sdelay $0x1  }
0x99: {  	s4 =	simm.s32 $_scs_section_size  }
0x9a: {  	s5 =	simm.s32 $_size__tile_overlayer_lowered;
	s6 =	simm.s32 $_tile_overlayer_lowered  }
0x9b: {  	s22 =	simm.s32 $0x1BFF;
	s21 =	sshll.u32 s6, $0x1;
	s3 =	sadd.s32 s4, s19  }
0x9c: {  	s7 =	simm.s32 $0x0;
	s20 =	sshll.u32 s5, $0x1;
	s5 =	sadd.s32 s21, s3  }
0x9d: {  	[timem:s7], [sflag:s22] =	dma.local [hbm:s5], s20  }
0x9e: {  	_ =	swait.ge [sflag:s22], s20  }
0x9f: {  	s4 =	ssub.s32 $0x0, s20;
	[sflag:s22] =	ssyncset.done $0x0  }
0xa0: {  	[sflag:s22] =	ssyncadd.s32 s4;
	_ =	sdelay $0x1  }
0xa1: {  	s23 =	simm.s32 $0x1B8B  }
0xa2: {  	_ =	swait.ge [sflag:s23], $0x1  }
0xa3: {  	[sflag:s23] =	ssyncset.done $0x0  }
0xa4: {  	s25 =	simm.s32 $0x1B8E;
	s24 =	sld [smem:$0x3FFE];
	[sflag:s23] =	ssyncadd.s32 $0xFFFFFFFF  }
0xa5: {  	s26 =	simm.s32 $execute0_lowered;
	[smem:$0x3FD2] =	sst s25  }
0xa6: {  	s5 =	sshll.u32 s26, $0x1;
	_ =	strace $0x8000004C;
	[dreg:$0x1] =	wrdreg $0xFFFFFFFF  }
0xa7: {  	s28 =	simm.s32 $_size_execute0_lowered;
	s3 =	sadd.s32 s3, s5;
	[dreg:$0x0] =	wrdreg $0x0  }
0xa8: {  	s5 =	sshll.u32 s28, $0x1;
	[dreg:$0x2] =	wrdreg s3  }
0xa9: {  	[dreg:$0x3] =	wrdreg s5  }
0xaa: {  	[dreg:$0x4] =	wrdreg $0xC0  }
0xab: {  	_ =	task [dreg:s7], $0x5FFFF  }
0xac: {  	[dreg:$0x1] =	wrdreg $0xFFFFFFFF  }
0xad: {  	[dreg:$0x0] =	wrdreg $0x60  }
0xae: {  	[dreg:$0x2] =	wrdreg s2  }
0xaf: {  	[dreg:$0x3] =	wrdreg s24  }
0xb0: {  	[dreg:$0x4] =	wrdreg $0x0  }
0xb1: {  	[dreg:$0x5] =	wrdreg $0x9  }
0xb2: {  	_ =	task.clear_ibuf [dreg:s7], $0x6FFFF;
	_ =	strace $0x9000004C  }
0xb3: {  	s29 =	simm.s32 $0x9;
	_ =	strace $0x8000004E  }
0xb4: {  	_ =	swait.ge [sflag:s29], $0x1  }
0xb5: {  	[sflag:s29] =	ssyncadd.s32 $0xFFFFFFFF  }
0xb6: {  	_ =	strace $0x9000004E  }
0xb7: {  	_ =	sfence  }
0xb8: {  	s30 =	sld [smem:$0x0];
	_ =	sdelay $0x2  }
0xb9: {  	s31 =	sshll.u32 s1, $0xD;
	s1 =	sshrl.u32 s1, $0x2  }
0xba: {  	s3 =	sand.u32 $0x4000, s31;
	s1 =	sadd.s32 s1, s30  }
0xbb: {  	s0 =	sor.u32 s3, s0;
	s1 =	sshll.u32 s1, $0x11  }
0xbc: {  	s0 =	sor.u32 s1, s0  }
0xbd: {  	s0 =	sadd.s32 $0x8F2B, s0  }
0xbe: {  	[sflag:s0] =	ssyncadd.remote.s32 $0x1  }
0xbf: {  	_ =	sfence.sel $0xFFFF  }
0xc0: {  	[dreg:$0x0] =	wrdreg $0xFFFFFFFF;
	(pc) =	sbr.abs _section_cstart, $3  }
0xc1: {  	[dreg:$0x1] =	wrdreg $0xFFFFFFFF  }
0xc2: {  	_ =	task.clear_ibuf [dreg:s7], $0x2FFFF;
	_ =	strace $0x9FFFFFFF  }
0xc3: {  	(tm) =	ssettm $0x7FFFFFFF  }
tec
execute0_lowered:
.L_overlay_start_1:
0x0: {  	(tag) =	ssettag $0x1  }
0x1: {  	s0 =	srdreg.scid;
	s1 =	rddreg [dreg:$0x0]  }
0x2: {  	s2 =	rddreg [dreg:$0x1];
	s14 =	stileid.u32  }
0x3: {  	s3 =	rddreg [dreg:$0x2];
	s16 =	simm.s32 $0x9C40;
	s17 =	simm.s32 $0x5  }
0x4: {  	s19 =	simm.s32 $0x7D;
	s20 =	simm.s32 $0xC440;
	s22 =	simm.s32 $0xE380  }
0x5: {  	s28 =	simm.s32 $0x2;
	s29 =	simm.s32 $0x3;
	s30 =	simm.s32 $0x4  }
0x6: {  	s23 =	simm.s32 $0x0;
	s0 =	sand.u32 $0x1, s0;
	s8 =	smul.u32 $0x9C00, s14  }
0x7: {  	s7 =	smul.u32 $0x9E00, s14;
	p0 =	sgt.u32 s14, $0xD;
	s4 =	sshll.u32 s0, $0x4  }
0x8: {  	s6 =	ssub.s32 $0x2, s0;
	s0 =	smul.u32 $0x9C400, s0;
	s5 =	sor.u32 s14, s4  }
0x9: {  	s4 =	simm.s32 $0x0;
	s24 =	sshrl.u32 s6, $0x1;
	s15 =	sadd.s32 s8, s3  }
0xa: {  	s10 =	sadd.s32 $0xFFFFE400, s7;
	s25 =	sshrl.u32 s8, $0x3;
	s5 =	smul.u32 $0x280, s5  }
0xb: {  	[smem:$0x7FF] =	sst s4;
	s11 =	ssub.s32 s6, s24;
	s26 =	sshrl.u32 s10, $0x3  }
0xc: {  	s13 =	sadd.s32 s10, s3;
	s12 =	sadd.s32 s8, s0;
	s0 =	sadd.s32 s0, s10  }
0xd: {  	s15 =	sshrl.u32 @!p0 s15, $0x3;
	s24 =	simm.s32 $0x102C0;
	_ =	strace $0x8000004D  }
0xe: {  	s6 =	sadd.s32 s1, s26;
	s31 =	sshrl.u32 s12, $0x3;
	s0 =	sshrl.u32 s0, $0x3  }
0xf: {  	s11 =	smax.u32 s11, $0x1;
	s13 =	sshrl.u32 @p0 s13, $0x3;
	s26 =	simm.s32 $0x1  }
0x10: {  	s9 =	sadd.s32 s5, s2;
	s2 =	sadd.s32 $0xB800, s2;
	s5 =	sadd.s32 s1, s25  }
0x11: {  	s7 =	sadd.s32 $0x6800, s9;
	s8 =	sadd.s32 $0x1200, s9;
	s9 =	sadd.s32 s2, s31  }
0x12: {  	s10 =	sadd.s32 s2, s0;
	s0 =	sshll.u32 @p0 s14, $0x6;
	s2 =	sshll.u32 @!p0 s14, $0x6  }
0x13: {  	s25 =	simm.s32 $0x12200;
	s12 =	sor.u32 @p0 $0x1C05, s0;
	s14 =	sor.u32 @!p0 $0x1C05, s2  }
.LBB2_1:
0x14: {  	[spmem:s13], [sflag:s12] =	dma.local @p0 [hbm:s6], $0x13C0  }
0x15: {  	s0 =	simm.s32 @p0 $0x5  }
0x16: {  	_ =	swait.ge @p0 [sflag:s0], $0x13C0  }
0x17: {  	[sflag:s0] =	ssyncset.done @p0 $0x0  }
0x18: {  	[sflag:s0] =	ssyncadd.s32 @p0 $0xFFFFEC40;
	s0 =	simm.s32 @!p0 $0x5  }
0x19: {  	[spmem:s15], [sflag:s14] =	dma.local @!p0 [hbm:s5], $0x1380  }
0x1a: {  	_ =	swait.ge @!p0 [sflag:s0], $0x1380  }
0x1b: {  	[sflag:s0] =	ssyncset.done @!p0 $0x0  }
0x1c: {  	[sflag:s0] =	ssyncadd.s32 @!p0 $0xFFFFEC80  }
0x1d: {  	[bflag:$0x0] =	sbarrier.arrive $0xFFFF  }
0x1e: {  	[tilespmem:s16], [sflag:$0x5] =	stream.linear.gather [hbm4b:s7+s4], $0x1400, $0x38;
	[tilespmem:$0x14140] =	vst v63  }
0x1f: {  	_ =	swait.ge [sflag:s17], $0x1400  }
0x20: {  	[sflag:s17] =	ssyncset.done $0x0  }
0x21: {  	s18 =	simm.s32 $0xB040;
	[sflag:s17] =	ssyncadd.s32 $0xFFFFEC00  }
0x22: {  	[tilespmem:s18], [sflag:$0x5] =	stream.linear.gather [hbm4b:s8+s4], $0x1400, $0x38;
	[tilespmem:$0x14140] =	vst v63  }
0x23: {  	_ =	swait.ge [sflag:s17], $0x1400  }
0x24: {  	[sflag:s17] =	ssyncset.done $0x0  }
0x25: {  	[sflag:s17] =	ssyncadd.s32 $0xFFFFEC00  }
0x26: {  	[tilespmem:s20], [sflag:$0x1] =	stream.indirect.gather [hbm4b:s1+s19], $0x40, s16, s19, $0xb8;
	[tilespmem:$0x14140] =	vst v63  }
0x27: {  	s21 =	simm.s32 $0x9CC0  }
0x28: {  	[tilespmem:s22], [sflag:$0x2] =	stream.indirect.gather [hbm4b:s1+s19], $0x40, s21, s19, $0xb8;
	[tilespmem:$0x14140] =	vst v63  }
0x29: {  	s2 =	simm.s32 $0x9D40  }
0x2a: {  	[tilespmem:s24], [sflag:$0x3] =	stream.indirect.gather [hbm4b:s1+s19], $0x40, s2, s19, $0xb8;
	[tilespmem:$0x14140] =	vst v63  }
0x2b: {  	s18 =	simm.s32 $0x9DC0  }
0x2c: {  	[tilespmem:s25], [sflag:$0x4] =	stream.indirect.gather [hbm4b:s1+s19], $0x40, s18, s19, $0xb8;
	[tilespmem:$0x14140] =	vst v63  }
0x2d: {  	_ =	swait.ge [sflag:s26], $0x1F40  }
0x2e: {  	[sflag:s26] =	ssyncset.done $0x0  }
0x2f: {  	s21 =	simm.s32 $0xB040;
	[sflag:s26] =	ssyncadd.s32 $0xFFFFE0C0  }
0x30: {  	[spmem:s3] =	stream.indirect.scatter.add.f32 [tilespmem:s20], [sflag:$0x5], $0x40, s21, s19, $0xb8;
	[tilespmem:$0x14140] =	vst v63  }
0x31: {  	_ =	swait.ge [sflag:s17], $0x1F40  }
0x32: {  	[sflag:s17] =	ssyncset.done $0x0  }
0x33: {  	s2 =	simm.s32 $0x9E40;
	[sflag:s17] =	ssyncadd.s32 $0xFFFFE0C0  }
0x34: {  	[tilespmem:s20], [sflag:$0x1] =	stream.indirect.gather [hbm4b:s1+s19], $0x40, s2, s19, $0xb8;
	[tilespmem:$0x14140] =	vst v63  }
0x35: {  	_ =	swait.ge [sflag:s28], $0x1F40  }
0x36: {  	[sflag:s28] =	ssyncset.done $0x0  }
0x37: {  	s18 =	simm.s32 $0xB0C0;
	[sflag:s28] =	ssyncadd.s32 $0xFFFFE0C0  }
0x38: {  	[spmem:s3] =	stream.indirect.scatter.add.f32 [tilespmem:s22], [sflag:$0x5], $0x40, s18, s19, $0xb8;
	[tilespmem:$0x14140] =	vst v63  }
0x39: {  	_ =	swait.ge [sflag:s17], $0x1F40  }
0x3a: {  	[sflag:s17] =	ssyncset.done $0x0  }
0x3b: {  	s21 =	simm.s32 $0x9EC0;
	[sflag:s17] =	ssyncadd.s32 $0xFFFFE0C0  }
0x3c: {  	[tilespmem:s22], [sflag:$0x2] =	stream.indirect.gather [hbm4b:s1+s19], $0x40, s21, s19, $0xb8;
	[tilespmem:$0x14140] =	vst v63  }
0x3d: {  	_ =	swait.ge [sflag:s29], $0x1F40  }
0x3e: {  	[sflag:s29] =	ssyncset.done $0x0  }
0x3f: {  	s2 =	simm.s32 $0xB140;
	[sflag:s29] =	ssyncadd.s32 $0xFFFFE0C0  }
0x40: {  	[spmem:s3] =	stream.indirect.scatter.add.f32 [tilespmem:s24], [sflag:$0x5], $0x40, s2, s19, $0xb8;
	[tilespmem:$0x14140] =	vst v63  }
0x41: {  	_ =	swait.ge [sflag:s17], $0x1F40  }
0x42: {  	[sflag:s17] =	ssyncset.done $0x0  }
0x43: {  	s18 =	simm.s32 $0x9F40;
	[sflag:s17] =	ssyncadd.s32 $0xFFFFE0C0  }
0x44: {  	[tilespmem:s24], [sflag:$0x3] =	stream.indirect.gather [hbm4b:s1+s19], $0x40, s18, s19, $0xb8;
	[tilespmem:$0x14140] =	vst v63  }
0x45: {  	_ =	swait.ge [sflag:s30], $0x1F40  }
0x46: {  	[sflag:s30] =	ssyncset.done $0x0  }
0x47: {  	s21 =	simm.s32 $0xB1C0;
	[sflag:s30] =	ssyncadd.s32 $0xFFFFE0C0  }
0x48: {  	[spmem:s3] =	stream.indirect.scatter.add.f32 [tilespmem:s25], [sflag:$0x5], $0x40, s21, s19, $0xb8;
	[tilespmem:$0x14140] =	vst v63  }
0x49: {  	_ =	swait.ge [sflag:s17], $0x1F40  }
0x4a: {  	s31 =	simm.s32 $0x200;
	s2 =	simm.s32 $0x1000;
	[sflag:s17] =	ssyncset.done $0x0  }
.LBB2_2:
0x4b: {  	s21 =	sadd.s32 $0x9DC0, s31  }
0x4c: {  	[sflag:s17] =	ssyncadd.s32 $0xFFFFE0C0;
	s0 =	smov.u32 s2;
	s18 =	sadd.s32 $0x800, s2  }
0x4d: {  	[tilespmem:s25], [sflag:$0x4] =	stream.indirect.gather [hbm4b:s1+s19], $0x40, s21, s19, $0xb8;
	[tilespmem:$0x14140] =	vst v63  }
0x4e: {  	p1 =	sne.s32 s2, $0x4000;
	_ =	swait.ge [sflag:s26], $0x1F40  }
0x4f: {  	[sflag:s26] =	ssyncset.done $0x0  }
0x50: {  	s2 =	sadd.s32 $0xB040, s31;
	[sflag:s26] =	ssyncadd.s32 $0xFFFFE0C0  }
0x51: {  	[spmem:s3] =	stream.indirect.scatter.add.f32 [tilespmem:s20], [sflag:$0x5], $0x40, s2, s19, $0xb8;
	[tilespmem:$0x14140] =	vst v63  }
0x52: {  	_ =	swait.ge [sflag:s17], $0x1F40  }
0x53: {  	[sflag:s17] =	ssyncset.done $0x0  }
0x54: {  	s2 =	sadd.s32 $0x9E40, s31;
	[sflag:s17] =	ssyncadd.s32 $0xFFFFE0C0  }
0x55: {  	[tilespmem:s20], [sflag:$0x1] =	stream.indirect.gather [hbm4b:s1+s19], $0x40, s2, s19, $0xb8;
	[tilespmem:$0x14140] =	vst v63  }
0x56: {  	_ =	swait.ge [sflag:s28], $0x1F40  }
0x57: {  	[sflag:s28] =	ssyncset.done $0x0  }
0x58: {  	s2 =	sadd.s32 $0xB0C0, s31;
	[sflag:s28] =	ssyncadd.s32 $0xFFFFE0C0  }
0x59: {  	[spmem:s3] =	stream.indirect.scatter.add.f32 [tilespmem:s22], [sflag:$0x5], $0x40, s2, s19, $0xb8;
	[tilespmem:$0x14140] =	vst v63  }
0x5a: {  	_ =	swait.ge [sflag:s17], $0x1F40  }
0x5b: {  	[sflag:s17] =	ssyncset.done $0x0  }
0x5c: {  	s2 =	sadd.s32 $0x9EC0, s31;
	[sflag:s17] =	ssyncadd.s32 $0xFFFFE0C0  }
0x5d: {  	[tilespmem:s22], [sflag:$0x2] =	stream.indirect.gather [hbm4b:s1+s19], $0x40, s2, s19, $0xb8;
	[tilespmem:$0x14140] =	vst v63  }
0x5e: {  	_ =	swait.ge [sflag:s29], $0x1F40  }
0x5f: {  	[sflag:s29] =	ssyncset.done $0x0  }
0x60: {  	s2 =	sadd.s32 $0xB140, s31;
	[sflag:s29] =	ssyncadd.s32 $0xFFFFE0C0  }
0x61: {  	[spmem:s3] =	stream.indirect.scatter.add.f32 [tilespmem:s24], [sflag:$0x5], $0x40, s2, s19, $0xb8;
	[tilespmem:$0x14140] =	vst v63  }
0x62: {  	_ =	swait.ge [sflag:s17], $0x1F40  }
0x63: {  	[sflag:s17] =	ssyncset.done $0x0  }
0x64: {  	s2 =	sadd.s32 $0x9F40, s31;
	[sflag:s17] =	ssyncadd.s32 $0xFFFFE0C0  }
0x65: {  	[tilespmem:s24], [sflag:$0x3] =	stream.indirect.gather [hbm4b:s1+s19], $0x40, s2, s19, $0xb8;
	[tilespmem:$0x14140] =	vst v63  }
0x66: {  	_ =	swait.ge [sflag:s30], $0x1F40  }
.Ltmp0:
0x67: {  	[sflag:s30] =	ssyncset.done $0x0;
	(pc) =	sbr.rel @p1 .LBB2_2-.Ltmp0, $4  }
0x68: {  	s2 =	sadd.s32 $0xB1C0, s31;
	[sflag:s30] =	ssyncadd.s32 $0xFFFFE0C0  }
0x69: {  	[spmem:s3] =	stream.indirect.scatter.add.f32 [tilespmem:s25], [sflag:$0x5], $0x40, s2, s19, $0xb8;
	[tilespmem:$0x14140] =	vst v63  }
0x6a: {  	_ =	swait.ge [sflag:s17], $0x1F40  }
0x6b: {  	s31 =	sshra.s32 s0, $0x2;
	s2 =	smov.u32 s18;
	[sflag:s17] =	ssyncset.done $0x0  }
0x6c: {  	s0 =	sadd.s32 $0x9DC0, s31;
	[sflag:s17] =	ssyncadd.s32 $0xFFFFE0C0  }
0x6d: {  	[tilespmem:s25], [sflag:$0x4] =	stream.indirect.gather [hbm4b:s1+s19], $0x40, s0, s19, $0xb8;
	[tilespmem:$0x14140] =	vst v63  }
0x6e: {  	_ =	swait.ge [sflag:s26], $0x1F40  }
0x6f: {  	[sflag:s26] =	ssyncset.done $0x0  }
0x70: {  	s21 =	sadd.s32 $0xB040, s31;
	[sflag:s26] =	ssyncadd.s32 $0xFFFFE0C0  }
0x71: {  	[spmem:s3] =	stream.indirect.scatter.add.f32 [tilespmem:s20], [sflag:$0x5], $0x40, s21, s19, $0xb8;
	[tilespmem:$0x14140] =	vst v63  }
0x72: {  	_ =	swait.ge [sflag:s17], $0x1F40  }
0x73: {  	[sflag:s17] =	ssyncset.done $0x0  }
0x74: {  	s2 =	sadd.s32 $0x9E40, s31;
	[sflag:s17] =	ssyncadd.s32 $0xFFFFE0C0  }
0x75: {  	[tilespmem:s20], [sflag:$0x1] =	stream.indirect.gather [hbm4b:s1+s19], $0x40, s2, s19, $0xb8;
	[tilespmem:$0x14140] =	vst v63  }
0x76: {  	_ =	swait.ge [sflag:s28], $0x1F40  }
0x77: {  	[sflag:s28] =	ssyncset.done $0x0  }
0x78: {  	s18 =	sadd.s32 $0xB0C0, s31;
	[sflag:s28] =	ssyncadd.s32 $0xFFFFE0C0  }
0x79: {  	[spmem:s3] =	stream.indirect.scatter.add.f32 [tilespmem:s22], [sflag:$0x5], $0x40, s18, s19, $0xb8;
	[tilespmem:$0x14140] =	vst v63  }
0x7a: {  	_ =	swait.ge [sflag:s17], $0x1F40  }
0x7b: {  	[sflag:s17] =	ssyncset.done $0x0  }
0x7c: {  	s21 =	sadd.s32 $0x9EC0, s31;
	[sflag:s17] =	ssyncadd.s32 $0xFFFFE0C0  }
0x7d: {  	[tilespmem:s22], [sflag:$0x2] =	stream.indirect.gather [hbm4b:s1+s19], $0x40, s21, s19, $0xb8;
	[tilespmem:$0x14140] =	vst v63  }
0x7e: {  	_ =	swait.ge [sflag:s29], $0x1F40  }
0x7f: {  	[sflag:s29] =	ssyncset.done $0x0  }
0x80: {  	s2 =	sadd.s32 $0xB140, s31;
	[sflag:s29] =	ssyncadd.s32 $0xFFFFE0C0  }
0x81: {  	[spmem:s3] =	stream.indirect.scatter.add.f32 [tilespmem:s24], [sflag:$0x5], $0x40, s2, s19, $0xb8;
	[tilespmem:$0x14140] =	vst v63  }
0x82: {  	_ =	swait.ge [sflag:s17], $0x1F40  }
0x83: {  	[sflag:s17] =	ssyncset.done $0x0  }
0x84: {  	s18 =	sadd.s32 $0x9F40, s31;
	[sflag:s17] =	ssyncadd.s32 $0xFFFFE0C0  }
0x85: {  	[tilespmem:s24], [sflag:$0x3] =	stream.indirect.gather [hbm4b:s1+s19], $0x40, s18, s19, $0xb8;
	[tilespmem:$0x14140] =	vst v63  }
0x86: {  	_ =	swait.ge [sflag:s30], $0x1F40  }
0x87: {  	[sflag:s30] =	ssyncset.done $0x0  }
0x88: {  	s21 =	sadd.s32 $0xB1C0, s31;
	[sflag:s30] =	ssyncadd.s32 $0xFFFFE0C0  }
0x89: {  	[spmem:s3] =	stream.indirect.scatter.add.f32 [tilespmem:s25], [sflag:$0x5], $0x40, s21, s19, $0xb8;
	[tilespmem:$0x14140] =	vst v63  }
0x8a: {  	_ =	swait.ge [sflag:s17], $0x1F40  }
0x8b: {  	[sflag:s17] =	ssyncset.done $0x0  }
0x8c: {  	s31 =	simm.s32 $0xAFC0;
	[sflag:s17] =	ssyncadd.s32 $0xFFFFE0C0  }
0x8d: {  	[tilespmem:s25], [sflag:$0x4] =	stream.indirect.gather [hbm4b:s1+s19], $0x40, s31, s19, $0xb8;
	[tilespmem:$0x14140] =	vst v63  }
0x8e: {  	_ =	swait.ge [sflag:s26], $0x1F40  }
0x8f: {  	[sflag:s26] =	ssyncset.done $0x0  }
0x90: {  	s2 =	simm.s32 $0xC240;
	[sflag:s26] =	ssyncadd.s32 $0xFFFFE0C0  }
0x91: {  	[spmem:s3] =	stream.indirect.scatter.add.f32 [tilespmem:s20], [sflag:$0x5], $0x40, s2, s19, $0xb8;
	[tilespmem:$0x14140] =	vst v63  }
0x92: {  	_ =	swait.ge [sflag:s17], $0x1F40  }
0x93: {  	[sflag:s17] =	ssyncset.done $0x0  }
0x94: {  	[sflag:s17] =	ssyncadd.s32 $0xFFFFE0C0  }
0x95: {  	_ =	swait.ge [sflag:s28], $0x1F40  }
0x96: {  	[sflag:s28] =	ssyncset.done $0x0  }
0x97: {  	s18 =	simm.s32 $0xC2C0;
	[sflag:s28] =	ssyncadd.s32 $0xFFFFE0C0  }
0x98: {  	[spmem:s3] =	stream.indirect.scatter.add.f32 [tilespmem:s22], [sflag:$0x5], $0x40, s18, s19, $0xb8;
	[tilespmem:$0x14140] =	vst v63  }
0x99: {  	_ =	swait.ge [sflag:s17], $0x1F40  }
0x9a: {  	[sflag:s17] =	ssyncset.done $0x0  }
0x9b: {  	[sflag:s17] =	ssyncadd.s32 $0xFFFFE0C0  }
0x9c: {  	_ =	swait.ge [sflag:s29], $0x1F40  }
0x9d: {  	[sflag:s29] =	ssyncset.done $0x0  }
0x9e: {  	s21 =	simm.s32 $0xC340;
	[sflag:s29] =	ssyncadd.s32 $0xFFFFE0C0  }
0x9f: {  	[spmem:s3] =	stream.indirect.scatter.add.f32 [tilespmem:s24], [sflag:$0x5], $0x40, s21, s19, $0xb8;
	[tilespmem:$0x14140] =	vst v63  }
0xa0: {  	_ =	swait.ge [sflag:s17], $0x1F40  }
0xa1: {  	[sflag:s17] =	ssyncset.done $0x0  }
0xa2: {  	[sflag:s17] =	ssyncadd.s32 $0xFFFFE0C0  }
0xa3: {  	_ =	swait.ge [sflag:s30], $0x1F40  }
0xa4: {  	[sflag:s30] =	ssyncset.done $0x0  }
0xa5: {  	s31 =	simm.s32 $0xC3C0;
	[sflag:s30] =	ssyncadd.s32 $0xFFFFE0C0  }
0xa6: {  	[spmem:s3] =	stream.indirect.scatter.add.f32 [tilespmem:s25], [sflag:$0x5], $0x40, s31, s19, $0xb8;
	[tilespmem:$0x14140] =	vst v63  }
0xa7: {  	_ =	swait.ge [sflag:s17], $0x1F40  }
0xa8: {  	[sflag:s17] =	ssyncset.done $0x0  }
0xa9: {  	[sflag:s17] =	ssyncadd.s32 $0xFFFFE0C0  }
0xaa: {  	s0 =	simm.s32 @p0 $0x5;
	[bflag:$0x0] =	sbarrier.arrive $0xFFFF  }
0xab: {  	[hbm:s10], [sflag:s12] =	dma.local @p0 [spmem:s13], $0x13C0  }
0xac: {  	s23 =	sadd.s32 $0x1, s23;
	_ =	swait.ge @p0 [sflag:s0], $0x13C0  }
0xad: {  	p1 =	sne.s32 s23, s11;
	[sflag:s0] =	ssyncset.done @p0 $0x0  }
.Ltmp1:
0xae: {  	[sflag:s0] =	ssyncadd.s32 @p0 $0xFFFFEC40;
	s0 =	simm.s32 @!p0 $0x5;
	(pc) =	sbr.rel @p1 .LBB2_1-.Ltmp1, $4  }
0xaf: {  	[hbm:s9], [sflag:s14] =	dma.local @!p0 [spmem:s15], $0x1380  }
0xb0: {  	_ =	swait.ge @!p0 [sflag:s0], $0x1380  }
0xb1: {  	[sflag:s0] =	ssyncset.done @!p0 $0x0  }
0xb2: {  	[sflag:s0] =	ssyncadd.s32 @!p0 $0xFFFFEC80  }
0xb3: {  	_ =	sfence.sel $0x180000  }
0xb4: {  	[bflag:$0x0] =	sbarrier.arrive $0xFFFF  }
0xb5: {  	_ =	strace $0x9000004D  }
0xb6: {  	s0 =	stileid.u32;
	[bflag:$0x2] =	sbarrier.arrive $0xFFFF  }
0xb7: {  	p0 =	sne.s32 s0, $0x0;
	s0 =	rddreg [dreg:$0x3]  }
0xb8: {  	s0 =	sadd.s32 @!p0 $0x100000, s0  }
0xb9: {  	[sflag:s0] =	ssyncadd.tile.s32 @!p0 $0x1;
	_ =	shalt  }
.Lfunc_end2:
_tile_overlayer_lowered:
.L_overlay_start_2:
0xba: {  	(tag) =	ssettag $0x2  }
0xbb: {  	s0 =	rddreg [dreg:$0x0];
	s2 =	stileid.u32  }
0xbc: {  	s1 =	rddreg [dreg:$0x1];
	p0 =	sne.s32 s2, $0x0  }
0xbd: {  	s3 =	rddreg [dreg:$0x2];
	[bflag:$0x3] =	sbarrier.arrive $0xFFFF;
	s2 =	simm.s32 @!p0 $0x1C05  }
0xbe: {  	[timem:s3], [sflag:s2] =	dma.local @!p0 [hbm:s0], s1  }
0xbf: {  	s0 =	simm.s32 @!p0 $0x5  }
0xc0: {  	_ =	swait.ge @!p0 [sflag:s0], s1  }
0xc1: {  	s1 =	ssub.s32 @!p0 $0x0, s1;
	[sflag:s0] =	ssyncset.done @!p0 $0x0  }
0xc2: {  	[sflag:s0] =	ssyncadd.s32 @!p0 s1  }
0xc3: {  	[bflag:$0x3] =	sbarrier.arrive $0xFFFF  }
0xc4: {  	_ =	shalt  }

// kernel: kernel.8.cloned.1.call-start
scs
__scs_entry_jumppad:
0x0: {  	(pc) =	sbr.rel $0x88, $3  }
0x1: {  	(tag) =	ssettag $0x0;
	lr =	simm.s32 $0x1  }
0x2: {  	[smem:$0x3F9B] =	sst lr;
	_ =	strace $0xD0000000  }
0x3: {  	_ = 	snop  }
0x4: {  	_ = 	snop  }
0x5: {  	_ = 	snop  }
0x6: {  	_ = 	snop  }
0x7: {  	_ = 	snop  }
__scs_overlays_trampoline_lowered:
0x8: {  	[smem:$0x3FAA] =	sst s0  }
0x9: {  	[smem:$0x3FAB] =	sst s1  }
0xa: {  	[smem:$0x3FAC] =	sst s2  }
0xb: {  	[smem:$0x3FAD] =	sst s3  }
0xc: {  	[smem:$0x3FAE] =	sst s4  }
0xd: {  	[smem:$0x3FAF] =	sst s5  }
0xe: {  	[smem:$0x3FB0] =	sst s6  }
0xf: {  	[smem:$0x3FB1] =	sst s7  }
0x10: {  	[smem:$0x3FB2] =	sst s8  }
0x11: {  	[smem:$0x3FB3] =	sst s9;
	s0 =	simm.s32 @!p0 $0x0  }
0x12: {  	s1 =	sld [smem:$0x3F99];
	s0 =	simm.s32 @p0 $0x1  }
0x13: {  	[smem:$0x3FB4] =	sst s0;
	s0 =	simm.s32 @!p1 $0x0  }
0x14: {  	s2 =	sld [smem:$0x3F98];
	s0 =	simm.s32 @p1 $0x1  }
0x15: {  	[smem:$0x3FB5] =	sst s0;
	s0 =	simm.s32 @!p2 $0x0  }
0x16: {  	s3 =	sld [smem:$0x3FDB];
	s0 =	simm.s32 @p2 $0x1  }
0x17: {  	s4 =	simm.s32 $0x1BF5;
	[smem:$0x3FB7] =	sst s0  }
0x18: {  	s0 =	sld [smem:$0x3F9A];
	_ =	swait.ge [sflag:s4], $0x0  }
0x19: {  	s7 =	sld [smem:$0x3F9B]  }
0x1a: {  	s8 =	sadd.s32 $0xFFFFE003, lr  }
0x1b: {  	s9 =	sadd.s32 $0xFFFFFEF7, lr;
	s5 =	simm.s32 $0xFFFFFFFF;
	p2 =	slt.u32 s8, $0xFFFFF086  }
0x1c: {  	p1 =	slt.u32 s9, $0xF7A;
	s5 =	simm.s32 @!p2 $0x0  }
0x1d: {  	s5 =	simm.s32 @p1 $0x1;
	p0 =	seq.s32 s7, s2  }
0x1e: {  	s7 =	smul.u32 @!p0 $0xF7A, s2;
	p2 =	seq.s32 @!p0 s5, $0x0  }
0x1f: {  	s9 =	smul.u32 $0xF7A, s1;
	s8 =	simm.s32 @!p0 $0x1BF5;
	p2 =	por !p2, p0  }
0x20: {  	[sflag:s8] =	ssyncset.s32 @!p0 $0xFFFFF086;
	s6 =	sadd.s32 @!p0 s3, s7;
	s7 =	simm.s32 @!p0 $0x108  }
0x21: {  	s3 =	sadd.s32 s3, s9;
	s6 =	sadd.s32 @!p0 $0x88, s6;
	s7 =	simm.s32 @p2 $0x1082  }
0x22: {  	[simem:s7], [sflag:s8] =	dma.local @!p0 [hbm:s6], $0xF7A  }
0x23: {  	s9 =	sor.u32 $0xD0000000, s2;
	s6 =	simm.s32 $0x108;
	_ =	swait.ge @!p0 [sflag:s8], $0x0  }
0x24: {  	s3 =	sadd.s32 $0x88, s3;
	s6 =	simm.s32 @!p1 $0x1082;
	[sflag:s4] =	ssyncset.s32 $0xFFFFF086  }
0x25: {  	[simem:s6], [sflag:s4] =	dma.local [hbm:s3], $0xF7A  }
0x26: {  	[smem:$0x3F9B] =	sst s1;
	(tag) =	ssettag s2;
	_ =	strace s9  }
0x27: {  	s1 =	sld [smem:$0x3FAB]  }
0x28: {  	s2 =	sld [smem:$0x3FAC]  }
0x29: {  	s4 =	sld [smem:$0x3FAE]  }
0x2a: {  	p0 =	seq.s32 s5, $0x0;
	s5 =	sld [smem:$0x3FAF]  }
0x2b: {  	s6 =	sld [smem:$0x3FB0]  }
0x2c: {  	s7 =	sld [smem:$0x3FB1]  }
0x2d: {  	s3 =	simm.s32 $0x108;
	s8 =	sld [smem:$0x3FB2]  }
0x2e: {  	s3 =	simm.s32 @!p0 $0x1082;
	s9 =	sld [smem:$0x3FB3]  }
0x2f: {  	lr =	sadd.s32 s0, s3;
	s0 =	sld [smem:$0x3FAA]  }
0x30: {  	s3 =	sld [smem:$0x3FAD]  }
0x31: {  	[smem:$0x3FB6] =	sst s10  }
0x32: {  	s10 =	sld [smem:$0x3FB4];
	_ =	sdelay $0x3  }
0x33: {  	p0 =	seq.s32 s10, $0x1;
	s10 =	sld [smem:$0x3FB6];
	_ =	sdelay $0x3  }
0x34: {  	[smem:$0x3FB6] =	sst s10  }
0x35: {  	s10 =	sld [smem:$0x3FB5];
	_ =	sdelay $0x3  }
0x36: {  	p1 =	seq.s32 s10, $0x1;
	s10 =	sld [smem:$0x3FB6];
	_ =	sdelay $0x3  }
0x37: {  	[smem:$0x3FB6] =	sst s10  }
0x38: {  	s10 =	sld [smem:$0x3FB7]  }
0x39: {  	_ = 	snop;
	(pc) =	sbr.ind lr, $3  }
0x3a: {  	_ = 	snop  }
0x3b: {  	_ = 	snop  }
0x3c: {  	p2 =	seq.s32 s10, $0x1;
	s10 =	sld [smem:$0x3FB6]  }
0x3d: {  	_ =	shalt  }
0x3e: {  	_ =	shalt  }
0x3f: {  	_ =	shalt  }
0x40: {  	_ =	shalt  }
0x41: {  	_ =	shalt  }
0x42: {  	_ =	shalt  }
0x43: {  	_ =	shalt  }
0x44: {  	_ =	shalt  }
0x45: {  	_ =	shalt  }
0x46: {  	_ =	shalt  }
0x47: {  	_ =	shalt  }
0x48: {  	_ =	shalt  }
0x49: {  	_ =	shalt  }
0x4a: {  	_ =	shalt  }
0x4b: {  	_ =	shalt  }
0x4c: {  	_ =	shalt  }
0x4d: {  	_ =	shalt  }
0x4e: {  	_ =	shalt  }
0x4f: {  	_ =	shalt  }
0x50: {  	_ =	shalt  }
0x51: {  	_ =	shalt  }
0x52: {  	_ =	shalt  }
0x53: {  	_ =	shalt  }
0x54: {  	_ =	shalt  }
0x55: {  	_ =	shalt  }
0x56: {  	_ =	shalt  }
0x57: {  	_ =	shalt  }
0x58: {  	_ =	shalt  }
0x59: {  	_ =	shalt  }
0x5a: {  	_ =	shalt  }
0x5b: {  	_ =	shalt  }
0x5c: {  	_ =	shalt  }
0x5d: {  	_ =	shalt  }
0x5e: {  	_ =	shalt  }
0x5f: {  	_ =	shalt  }
0x60: {  	_ =	shalt  }
0x61: {  	_ =	shalt  }
0x62: {  	_ =	shalt  }
0x63: {  	_ =	shalt  }
0x64: {  	_ =	shalt  }
0x65: {  	_ =	shalt  }
0x66: {  	_ =	shalt  }
0x67: {  	_ =	shalt  }
0x68: {  	_ =	shalt  }
0x69: {  	_ =	shalt  }
0x6a: {  	_ =	shalt  }
0x6b: {  	_ =	shalt  }
0x6c: {  	_ =	shalt  }
0x6d: {  	_ =	shalt  }
0x6e: {  	_ =	shalt  }
0x6f: {  	_ =	shalt  }
0x70: {  	_ =	shalt  }
0x71: {  	_ =	shalt  }
0x72: {  	_ =	shalt  }
0x73: {  	_ =	shalt  }
0x74: {  	_ =	shalt  }
0x75: {  	_ =	shalt  }
0x76: {  	_ =	shalt  }
0x77: {  	_ =	shalt  }
0x78: {  	_ =	shalt  }
0x79: {  	_ =	shalt  }
0x7a: {  	_ =	shalt  }
0x7b: {  	_ =	shalt  }
0x7c: {  	_ =	shalt  }
0x7d: {  	_ =	shalt  }
0x7e: {  	_ =	shalt  }
0x7f: {  	_ =	shalt  }
0x80: {  	_ =	shalt  }
0x81: {  	_ =	shalt  }
0x82: {  	_ =	shalt  }
0x83: {  	_ =	shalt  }
0x84: {  	_ =	shalt  }
0x85: {  	_ =	shalt  }
0x86: {  	_ =	shalt  }
0x87: {  	_ =	shalt  }
.Lfunc_end0:
.L_simem_size_0:
called_computation_lowered:
.L_overlay_start_0:
0x88: {  	s2 =	sld [smem:$0x3FD9]  }
0x89: {  	s3 =	sld [smem:$0x3FFE];
	_ =	sdelay $0x1  }
0x8a: {  	s1 =	srdreg.scid  }
0x8b: {  	s0 =	sand.u32 $0x1, s1  }
0x8c: {  	s17 =	sshll.u32 s0, $0xA;
	s2 =	sadd.s32 s3, s2  }
0x8d: {  	s2 =	sadd.s32 s2, s17  }
0x8e: {  	[smem:$0x3FC2] =	sst s2  }
0x8f: {  	_ = 	snop  }
0x90: {  	s2 =	sld [smem:$0x3FD0];
	(tm) =	ssettm $0x1  }
0x91: {  	s18 =	sld [smem:$0x3FFB];
	_ =	sdelay $0x3  }
0x92: {  	_ =	strace s18  }
0x93: {  	s3 =	sld [smem:$0x3FFC];
	_ =	sdelay $0x3  }
0x94: {  	_ =	strace s3  }
0x95: {  	s3 =	sld [smem:$0x3FFD];
	_ =	sdelay $0x3  }
0x96: {  	_ =	strace s3  }
0x97: {  	_ =	strace $0x8FFFFFFF  }
0x98: {  	s19 =	sld [smem:$0x3FDB];
	_ =	sdelay $0x1  }
0x99: {  	s4 =	simm.s32 $_scs_section_size  }
0x9a: {  	s5 =	simm.s32 $_size__tile_overlayer_lowered;
	s6 =	simm.s32 $_tile_overlayer_lowered  }
0x9b: {  	s22 =	simm.s32 $0x1BFF;
	s21 =	sshll.u32 s6, $0x1;
	s3 =	sadd.s32 s4, s19  }
0x9c: {  	s7 =	simm.s32 $0x0;
	s20 =	sshll.u32 s5, $0x1;
	s5 =	sadd.s32 s21, s3  }
0x9d: {  	[timem:s7], [sflag:s22] =	dma.local [hbm:s5], s20  }
0x9e: {  	_ =	swait.ge [sflag:s22], s20  }
0x9f: {  	s4 =	ssub.s32 $0x0, s20;
	[sflag:s22] =	ssyncset.done $0x0  }
0xa0: {  	[sflag:s22] =	ssyncadd.s32 s4;
	_ =	sdelay $0x1  }
0xa1: {  	s23 =	simm.s32 $0x1B8B  }
0xa2: {  	_ =	swait.ge [sflag:s23], $0x1  }
0xa3: {  	[sflag:s23] =	ssyncset.done $0x0  }
0xa4: {  	s25 =	simm.s32 $0x1B8E;
	s24 =	sld [smem:$0x3FFE];
	[sflag:s23] =	ssyncadd.s32 $0xFFFFFFFF  }
0xa5: {  	s26 =	simm.s32 $execute0_lowered;
	[smem:$0x3FD2] =	sst s25  }
0xa6: {  	s5 =	sshll.u32 s26, $0x1;
	_ =	strace $0x80000046;
	[dreg:$0x1] =	wrdreg $0xFFFFFFFF  }
0xa7: {  	s28 =	simm.s32 $_size_execute0_lowered;
	s3 =	sadd.s32 s3, s5;
	[dreg:$0x0] =	wrdreg $0x0  }
0xa8: {  	s5 =	sshll.u32 s28, $0x1;
	[dreg:$0x2] =	wrdreg s3  }
0xa9: {  	[dreg:$0x3] =	wrdreg s5  }
0xaa: {  	[dreg:$0x4] =	wrdreg $0xC0  }
0xab: {  	_ =	task [dreg:s7], $0x5FFFF  }
0xac: {  	[dreg:$0x1] =	wrdreg $0xFFFFFFFF  }
0xad: {  	[dreg:$0x0] =	wrdreg $0x60  }
0xae: {  	[dreg:$0x2] =	wrdreg s24  }
0xaf: {  	[dreg:$0x3] =	wrdreg s2  }
0xb0: {  	[dreg:$0x4] =	wrdreg $0x0  }
0xb1: {  	[dreg:$0x5] =	wrdreg $0x9  }
0xb2: {  	_ =	task.clear_ibuf [dreg:s7], $0x6FFFF;
	_ =	strace $0x90000046  }
0xb3: {  	s29 =	simm.s32 $0x9;
	_ =	strace $0x80000048  }
0xb4: {  	_ =	swait.ge [sflag:s29], $0x1  }
0xb5: {  	[sflag:s29] =	ssyncadd.s32 $0xFFFFFFFF  }
0xb6: {  	_ =	strace $0x90000048  }
0xb7: {  	_ =	sfence  }
0xb8: {  	s30 =	sld [smem:$0x0];
	_ =	sdelay $0x2  }
0xb9: {  	s31 =	sshll.u32 s1, $0xD;
	s1 =	sshrl.u32 s1, $0x2  }
0xba: {  	s3 =	sand.u32 $0x4000, s31;
	s1 =	sadd.s32 s1, s30  }
0xbb: {  	s0 =	sor.u32 s3, s0;
	s1 =	sshll.u32 s1, $0x11  }
0xbc: {  	s0 =	sor.u32 s1, s0  }
0xbd: {  	s0 =	sadd.s32 $0x8F2B, s0  }
0xbe: {  	[sflag:s0] =	ssyncadd.remote.s32 $0x1  }
0xbf: {  	_ =	sfence.sel $0xFFFF  }
0xc0: {  	[dreg:$0x0] =	wrdreg $0xFFFFFFFF;
	(pc) =	sbr.abs _section_cstart, $3  }
0xc1: {  	[dreg:$0x1] =	wrdreg $0xFFFFFFFF  }
0xc2: {  	_ =	task.clear_ibuf [dreg:s7], $0x2FFFF;
	_ =	strace $0x9FFFFFFF  }
0xc3: {  	(tm) =	ssettm $0x7FFFFFFF  }
tec
execute0_lowered:
.L_overlay_start_1:
0x0: {  	(tag) =	ssettag $0x1  }
0x1: {  	s1 =	srdreg.scid;
	s4 =	rddreg [dreg:$0x0]  }
0x2: {  	s0 =	stileid.u32;
	s6 =	rddreg [dreg:$0x1]  }
0x3: {  	s3 =	simm.s32 $0x0;
	s1 =	sand.u32 $0x1, s1;
	s2 =	sshll.u32 s0, $0x1  }
0x4: {  	[smem:$0x7FF] =	sst s3;
	s2 =	sor.u32 s1, s2  }
0x5: {  	s16 =	simm.s32 $0x2790;
	s5 =	smul.u32 $0x280, s2;
	s2 =	rddreg [dreg:$0x2]  }
0x6: {  	s17 =	simm.s32 $0x2810;
	_ =	strace $0x80000047;
	[dreg:$0x9] =	wrdreg s16  }
0x7: {  	s18 =	simm.s32 $0x2890;
	[dreg:$0xa] =	wrdreg s17  }
0x8: {  	s19 =	simm.s32 $0x2910;
	[dreg:$0xb] =	wrdreg s18  }
0x9: {  	s20 =	simm.s32 $0x2990;
	[dreg:$0xc] =	wrdreg s19  }
0xa: {  	s21 =	simm.s32 $0x2A10;
	[dreg:$0xd] =	wrdreg s20  }
0xb: {  	s22 =	simm.s32 $0x2A90;
	[dreg:$0xe] =	wrdreg s21  }
0xc: {  	s23 =	simm.s32 $0x2B10;
	[dreg:$0xf] =	wrdreg s22  }
0xd: {  	s24 =	simm.s32 $0x2B90;
	s7 =	smul.u32 $0x9C00, s0;
	[dreg:$0x10] =	wrdreg s23  }
0xe: {  	s25 =	simm.s32 $0x2C10;
	s8 =	smul.u32 $0x9E00, s0;
	[dreg:$0x11] =	wrdreg s24  }
0xf: {  	s26 =	simm.s32 $0x2C90;
	s10 =	smul.u32 $0x2780, s0;
	[dreg:$0x12] =	wrdreg s25  }
0x10: {  	s12 =	simm.s32 $0x3010;
	s31 =	smul.u32 $0x2700, s0;
	[dreg:$0x13] =	wrdreg s26  }
0x11: {  	s30 =	sadd.s32 $0xFFFFF900, s10;
	s10 =	simm.s32 $0x2F10;
	[dreg:$0x1a] =	wrdreg s12  }
0x12: {  	s9 =	smul.u32 $0x27100, s1;
	s16 =	simm.s32 $0x3210;
	[dreg:$0x18] =	wrdreg s10  }
0x13: {  	p0 =	sgt.u32 s0, $0xD;
	s17 =	simm.s32 $0x3290;
	[dreg:$0x1e] =	wrdreg s16  }
0x14: {  	s8 =	sshrl.u32 s8, $0x2;
	s11 =	sadd.s32 s31, s9;
	[dreg:$0x1f] =	wrdreg s17  }
0x15: {  	s5 =	sadd.s32 s5, s4;
	s13 =	sshrl.u32 s11, $0x3;
	s11 =	simm.s32 $0x2F90  }
0x16: {  	s9 =	sadd.s32 s9, s30;
	s5 =	sadd.s32 $0x1200, s5;
	[dreg:$0x19] =	wrdreg s11  }
0x17: {  	s9 =	sshrl.u32 s9, $0x3;
	s14 =	sadd.s32 s6, s13;
	[dreg:$0x4] =	wrdreg s5  }
0x18: {  	s7 =	sshrl.u32 s7, $0x2;
	s15 =	sadd.s32 s6, s9;
	[dreg:$0x5] =	wrdreg s14  }
0x19: {  	s6 =	sadd.s32 s7, s2;
	s7 =	simm.s32 $0x2D90;
	[dreg:$0x6] =	wrdreg s15  }
0x1a: {  	s8 =	sadd.s32 s8, s2;
	s9 =	simm.s32 $0x2E90;
	[dreg:$0x15] =	wrdreg s7  }
0x1b: {  	s8 =	sadd.s32 $0xFFFFF900, s8;
	s13 =	simm.s32 $0x3090;
	[dreg:$0x17] =	wrdreg s9  }
0x1c: {  	s5 =	sshrl.u32 @p0 s8, $0x3;
	[dreg:$0x1b] =	wrdreg s13  }
0x1d: {  	s8 =	simm.s32 $0x2E10;
	[dreg:$0x8] =	wrdreg s5  }
0x1e: {  	s14 =	simm.s32 $0x3110;
	[dreg:$0x16] =	wrdreg s8  }
0x1f: {  	s15 =	simm.s32 $0x3190;
	[dreg:$0x1c] =	wrdreg s14  }
0x20: {  	s5 =	sshrl.u32 @!p0 s6, $0x3;
	[dreg:$0x1d] =	wrdreg s15  }
0x21: {  	s4 =	sadd.s32 $0x6200, s4;
	s6 =	simm.s32 $0x2D10;
	[dreg:$0x7] =	wrdreg s5  }
0x22: {  	[dreg:$0x14] =	wrdreg s6;
	s5 =	simm.s32 $0x3B10;
	s6 =	simm.s32 $0x2  }
0x23: {  	[tilespmem:s5], [sflag:$0x2] =	stream.linear.gather [hbm4b:s4+s3], $0x7D0, $0x38;
	[tilespmem:$0x42E0] =	vst v63  }
0x24: {  	s18 =	sshll.u32 s0, $0x6;
	_ =	swait.ge [sflag:s6], $0x7D0  }
0x25: {  	s7 =	sor.u32 $0x1C02, s18;
	[sflag:s6] =	ssyncset.done $0x0  }
0x26: {  	s8 =	simm.s32 @p0 $0x2;
	s9 =	rddreg [dreg:$0x8];
	[sflag:s6] =	ssyncadd.s32 $0xFFFFF830  }
0x27: {  	[spmem:s9], [sflag:s7] =	dma.local @p0 [hbm:s4], $0x4F0  }
0x28: {  	_ =	swait.ge @p0 [sflag:s8], $0x4F0  }
0x29: {  	[sflag:s8] =	ssyncset.done @p0 $0x0  }
0x2a: {  	s9 =	simm.s32 @!p0 $0x2;
	s10 =	rddreg [dreg:$0x7];
	[sflag:s8] =	ssyncadd.s32 @p0 $0xFFFFFB10  }
0x2b: {  	[spmem:s10], [sflag:s7] =	dma.local @!p0 [hbm:s4], $0x4E0  }
0x2c: {  	_ =	swait.ge @!p0 [sflag:s9], $0x4E0  }
0x2d: {  	[sflag:s9] =	ssyncset.done @!p0 $0x0  }
0x2e: {  	s10 =	simm.s32 $0x2710;
	s19 =	rddreg [dreg:$0x4];
	[sflag:s9] =	ssyncadd.s32 @!p0 $0xFFFFFB20  }
0x2f: {  	[tilespmem:s10], [sflag:$0x2] =	stream.linear.gather [hbm4b:s19+s3], $0x1400, $0x38;
	[tilespmem:$0x42E0] =	vst v63  }
0x30: {  	_ =	swait.ge [sflag:s6], $0x1400  }
0x31: {  	[sflag:s6] =	ssyncset.done $0x0  }
0x32: {  	[sflag:s6] =	ssyncadd.s32 $0xFFFFEC00  }
0x33: {  	s11 =	simm.s32 $0x7D;
	[bflag:$0x0] =	sbarrier.arrive $0xFFFF  }
0x34: {  	[spmem:s2] =	stream.indirect.scatter.add.f32 [tilespmem:s5], [sflag:$0x1], $0x10, s10, s11, $0xb8;
	[tilespmem:$0x42E0] =	vst v63  }
0x35: {  	s12 =	rddreg [dreg:$0x9]  }
0x36: {  	[spmem:s2] =	stream.indirect.scatter.add.f32 [tilespmem:s5], [sflag:$0x1], $0x10, s12, s11, $0xb8;
	[tilespmem:$0x42E0] =	vst v63  }
0x37: {  	s13 =	rddreg [dreg:$0xa]  }
0x38: {  	[spmem:s2] =	stream.indirect.scatter.add.f32 [tilespmem:s5], [sflag:$0x1], $0x10, s13, s11, $0xb8;
	[tilespmem:$0x42E0] =	vst v63  }
0x39: {  	s14 =	rddreg [dreg:$0xb];
	s12 =	simm.s32 $0x1  }
0x3a: {  	[spmem:s2] =	stream.indirect.scatter.add.f32 [tilespmem:s5], [sflag:$0x1], $0x10, s14, s11, $0xb8;
	[tilespmem:$0x42E0] =	vst v63  }
0x3b: {  	_ =	swait.ge [sflag:s12], $0x7D0  }
0x3c: {  	[sflag:s12] =	ssyncset.done $0x0  }
0x3d: {  	[sflag:s12] =	ssyncadd.s32 $0xFFFFF830  }
0x3e: {  	_ =	swait.ge [sflag:s12], $0x7D0  }
0x3f: {  	[sflag:s12] =	ssyncset.done $0x0  }
0x40: {  	[sflag:s12] =	ssyncadd.s32 $0xFFFFF830  }
0x41: {  	_ =	swait.ge [sflag:s12], $0x7D0  }
0x42: {  	[sflag:s12] =	ssyncset.done $0x0  }
0x43: {  	[sflag:s12] =	ssyncadd.s32 $0xFFFFF830  }
0x44: {  	_ =	swait.ge [sflag:s12], $0x7D0  }
0x45: {  	[sflag:s12] =	ssyncset.done $0x0  }
0x46: {  	s20 =	rddreg [dreg:$0xc];
	[sflag:s12] =	ssyncadd.s32 $0xFFFFF830  }
0x47: {  	[spmem:s2] =	stream.indirect.scatter.add.f32 [tilespmem:s5], [sflag:$0x1], $0x10, s20, s11, $0xb8;
	[tilespmem:$0x42E0] =	vst v63  }
0x48: {  	s21 =	rddreg [dreg:$0xd]  }
0x49: {  	[spmem:s2] =	stream.indirect.scatter.add.f32 [tilespmem:s5], [sflag:$0x1], $0x10, s21, s11, $0xb8;
	[tilespmem:$0x42E0] =	vst v63  }
0x4a: {  	s22 =	rddreg [dreg:$0xe]  }
0x4b: {  	[spmem:s2] =	stream.indirect.scatter.add.f32 [tilespmem:s5], [sflag:$0x1], $0x10, s22, s11, $0xb8;
	[tilespmem:$0x42E0] =	vst v63  }
0x4c: {  	s23 =	rddreg [dreg:$0xf]  }
0x4d: {  	[spmem:s2] =	stream.indirect.scatter.add.f32 [tilespmem:s5], [sflag:$0x1], $0x10, s23, s11, $0xb8;
	[tilespmem:$0x42E0] =	vst v63  }
0x4e: {  	_ =	swait.ge [sflag:s12], $0x7D0  }
0x4f: {  	[sflag:s12] =	ssyncset.done $0x0  }
0x50: {  	[sflag:s12] =	ssyncadd.s32 $0xFFFFF830  }
0x51: {  	_ =	swait.ge [sflag:s12], $0x7D0  }
0x52: {  	[sflag:s12] =	ssyncset.done $0x0  }
0x53: {  	[sflag:s12] =	ssyncadd.s32 $0xFFFFF830  }
0x54: {  	_ =	swait.ge [sflag:s12], $0x7D0  }
0x55: {  	[sflag:s12] =	ssyncset.done $0x0  }
0x56: {  	[sflag:s12] =	ssyncadd.s32 $0xFFFFF830  }
0x57: {  	_ =	swait.ge [sflag:s12], $0x7D0  }
0x58: {  	[sflag:s12] =	ssyncset.done $0x0  }
0x59: {  	s24 =	rddreg [dreg:$0x10];
	[sflag:s12] =	ssyncadd.s32 $0xFFFFF830  }
0x5a: {  	[spmem:s2] =	stream.indirect.scatter.add.f32 [tilespmem:s5], [sflag:$0x1], $0x10, s24, s11, $0xb8;
	[tilespmem:$0x42E0] =	vst v63  }
0x5b: {  	s25 =	rddreg [dreg:$0x11]  }
0x5c: {  	[spmem:s2] =	stream.indirect.scatter.add.f32 [tilespmem:s5], [sflag:$0x1], $0x10, s25, s11, $0xb8;
	[tilespmem:$0x42E0] =	vst v63  }
0x5d: {  	s26 =	rddreg [dreg:$0x12]  }
0x5e: {  	[spmem:s2] =	stream.indirect.scatter.add.f32 [tilespmem:s5], [sflag:$0x1], $0x10, s26, s11, $0xb8;
	[tilespmem:$0x42E0] =	vst v63  }
0x5f: {  	s0 =	rddreg [dreg:$0x13]  }
0x60: {  	[spmem:s2] =	stream.indirect.scatter.add.f32 [tilespmem:s5], [sflag:$0x1], $0x10, s0, s11, $0xb8;
	[tilespmem:$0x42E0] =	vst v63  }
0x61: {  	_ =	swait.ge [sflag:s12], $0x7D0  }
0x62: {  	[sflag:s12] =	ssyncset.done $0x0  }
0x63: {  	[sflag:s12] =	ssyncadd.s32 $0xFFFFF830  }
0x64: {  	_ =	swait.ge [sflag:s12], $0x7D0  }
0x65: {  	[sflag:s12] =	ssyncset.done $0x0  }
0x66: {  	[sflag:s12] =	ssyncadd.s32 $0xFFFFF830  }
0x67: {  	_ =	swait.ge [sflag:s12], $0x7D0  }
0x68: {  	[sflag:s12] =	ssyncset.done $0x0  }
0x69: {  	[sflag:s12] =	ssyncadd.s32 $0xFFFFF830  }
0x6a: {  	_ =	swait.ge [sflag:s12], $0x7D0  }
0x6b: {  	[sflag:s12] =	ssyncset.done $0x0  }
0x6c: {  	s14 =	rddreg [dreg:$0x14];
	[sflag:s12] =	ssyncadd.s32 $0xFFFFF830  }
0x6d: {  	[spmem:s2] =	stream.indirect.scatter.add.f32 [tilespmem:s5], [sflag:$0x1], $0x10, s14, s11, $0xb8;
	[tilespmem:$0x42E0] =	vst v63  }
0x6e: {  	s15 =	rddreg [dreg:$0x15]  }
0x6f: {  	[spmem:s2] =	stream.indirect.scatter.add.f32 [tilespmem:s5], [sflag:$0x1], $0x10, s15, s11, $0xb8;
	[tilespmem:$0x42E0] =	vst v63  }
0x70: {  	s16 =	rddreg [dreg:$0x16]  }
0x71: {  	[spmem:s2] =	stream.indirect.scatter.add.f32 [tilespmem:s5], [sflag:$0x1], $0x10, s16, s11, $0xb8;
	[tilespmem:$0x42E0] =	vst v63  }
0x72: {  	s17 =	rddreg [dreg:$0x17]  }
0x73: {  	[spmem:s2] =	stream.indirect.scatter.add.f32 [tilespmem:s5], [sflag:$0x1], $0x10, s17, s11, $0xb8;
	[tilespmem:$0x42E0] =	vst v63  }
0x74: {  	_ =	swait.ge [sflag:s12], $0x7D0  }
0x75: {  	[sflag:s12] =	ssyncset.done $0x0  }
0x76: {  	[sflag:s12] =	ssyncadd.s32 $0xFFFFF830  }
0x77: {  	_ =	swait.ge [sflag:s12], $0x7D0  }
0x78: {  	[sflag:s12] =	ssyncset.done $0x0  }
0x79: {  	[sflag:s12] =	ssyncadd.s32 $0xFFFFF830  }
0x7a: {  	_ =	swait.ge [sflag:s12], $0x7D0  }
0x7b: {  	[sflag:s12] =	ssyncset.done $0x0  }
0x7c: {  	[sflag:s12] =	ssyncadd.s32 $0xFFFFF830  }
0x7d: {  	_ =	swait.ge [sflag:s12], $0x7D0  }
0x7e: {  	[sflag:s12] =	ssyncset.done $0x0  }
0x7f: {  	s18 =	rddreg [dreg:$0x18];
	[sflag:s12] =	ssyncadd.s32 $0xFFFFF830  }
0x80: {  	[spmem:s2] =	stream.indirect.scatter.add.f32 [tilespmem:s5], [sflag:$0x1], $0x10, s18, s11, $0xb8;
	[tilespmem:$0x42E0] =	vst v63  }
0x81: {  	s19 =	rddreg [dreg:$0x19]  }
0x82: {  	[spmem:s2] =	stream.indirect.scatter.add.f32 [tilespmem:s5], [sflag:$0x1], $0x10, s19, s11, $0xb8;
	[tilespmem:$0x42E0] =	vst v63  }
0x83: {  	s20 =	rddreg [dreg:$0x1a]  }
0x84: {  	[spmem:s2] =	stream.indirect.scatter.add.f32 [tilespmem:s5], [sflag:$0x1], $0x10, s20, s11, $0xb8;
	[tilespmem:$0x42E0] =	vst v63  }
0x85: {  	s21 =	rddreg [dreg:$0x1b]  }
0x86: {  	[spmem:s2] =	stream.indirect.scatter.add.f32 [tilespmem:s5], [sflag:$0x1], $0x10, s21, s11, $0xb8;
	[tilespmem:$0x42E0] =	vst v63  }
0x87: {  	_ =	swait.ge [sflag:s12], $0x7D0  }
0x88: {  	[sflag:s12] =	ssyncset.done $0x0  }
0x89: {  	[sflag:s12] =	ssyncadd.s32 $0xFFFFF830  }
0x8a: {  	_ =	swait.ge [sflag:s12], $0x7D0  }
0x8b: {  	[sflag:s12] =	ssyncset.done $0x0  }
0x8c: {  	[sflag:s12] =	ssyncadd.s32 $0xFFFFF830  }
0x8d: {  	_ =	swait.ge [sflag:s12], $0x7D0  }
0x8e: {  	[sflag:s12] =	ssyncset.done $0x0  }
0x8f: {  	[sflag:s12] =	ssyncadd.s32 $0xFFFFF830  }
0x90: {  	_ =	swait.ge [sflag:s12], $0x7D0  }
0x91: {  	[sflag:s12] =	ssyncset.done $0x0  }
0x92: {  	s22 =	rddreg [dreg:$0x1c];
	[sflag:s12] =	ssyncadd.s32 $0xFFFFF830  }
0x93: {  	[spmem:s2] =	stream.indirect.scatter.add.f32 [tilespmem:s5], [sflag:$0x1], $0x10, s22, s11, $0xb8;
	[tilespmem:$0x42E0] =	vst v63  }
0x94: {  	s23 =	rddreg [dreg:$0x1d]  }
0x95: {  	[spmem:s2] =	stream.indirect.scatter.add.f32 [tilespmem:s5], [sflag:$0x1], $0x10, s23, s11, $0xb8;
	[tilespmem:$0x42E0] =	vst v63  }
0x96: {  	s24 =	rddreg [dreg:$0x1e]  }
0x97: {  	[spmem:s2] =	stream.indirect.scatter.add.f32 [tilespmem:s5], [sflag:$0x1], $0x10, s24, s11, $0xb8;
	[tilespmem:$0x42E0] =	vst v63  }
0x98: {  	s25 =	rddreg [dreg:$0x1f]  }
0x99: {  	[spmem:s2] =	stream.indirect.scatter.add.f32 [tilespmem:s5], [sflag:$0x1], $0x10, s25, s11, $0xb8;
	[tilespmem:$0x42E0] =	vst v63  }
0x9a: {  	_ =	swait.ge [sflag:s12], $0x7D0  }
0x9b: {  	[sflag:s12] =	ssyncset.done $0x0  }
0x9c: {  	[sflag:s12] =	ssyncadd.s32 $0xFFFFF830  }
0x9d: {  	_ =	swait.ge [sflag:s12], $0x7D0  }
0x9e: {  	[sflag:s12] =	ssyncset.done $0x0  }
0x9f: {  	[sflag:s12] =	ssyncadd.s32 $0xFFFFF830  }
0xa0: {  	_ =	swait.ge [sflag:s12], $0x7D0  }
0xa1: {  	[sflag:s12] =	ssyncset.done $0x0  }
0xa2: {  	[sflag:s12] =	ssyncadd.s32 $0xFFFFF830  }
0xa3: {  	_ =	swait.ge [sflag:s12], $0x7D0  }
0xa4: {  	[sflag:s12] =	ssyncset.done $0x0  }
0xa5: {  	s26 =	simm.s32 $0x3310;
	[sflag:s12] =	ssyncadd.s32 $0xFFFFF830  }
0xa6: {  	[spmem:s2] =	stream.indirect.scatter.add.f32 [tilespmem:s5], [sflag:$0x1], $0x10, s26, s11, $0xb8;
	[tilespmem:$0x42E0] =	vst v63  }
0xa7: {  	s14 =	simm.s32 $0x3390  }
0xa8: {  	[spmem:s2] =	stream.indirect.scatter.add.f32 [tilespmem:s5], [sflag:$0x1], $0x10, s14, s11, $0xb8;
	[tilespmem:$0x42E0] =	vst v63  }
0xa9: {  	s15 =	simm.s32 $0x3410  }
0xaa: {  	[spmem:s2] =	stream.indirect.scatter.add.f32 [tilespmem:s5], [sflag:$0x1], $0x10, s15, s11, $0xb8;
	[tilespmem:$0x42E0] =	vst v63  }
0xab: {  	s16 =	simm.s32 $0x3490  }
0xac: {  	[spmem:s2] =	stream.indirect.scatter.add.f32 [tilespmem:s5], [sflag:$0x1], $0x10, s16, s11, $0xb8;
	[tilespmem:$0x42E0] =	vst v63  }
0xad: {  	_ =	swait.ge [sflag:s12], $0x7D0  }
0xae: {  	[sflag:s12] =	ssyncset.done $0x0  }
0xaf: {  	[sflag:s12] =	ssyncadd.s32 $0xFFFFF830  }
0xb0: {  	_ =	swait.ge [sflag:s12], $0x7D0  }
0xb1: {  	[sflag:s12] =	ssyncset.done $0x0  }
0xb2: {  	[sflag:s12] =	ssyncadd.s32 $0xFFFFF830  }
0xb3: {  	_ =	swait.ge [sflag:s12], $0x7D0  }
0xb4: {  	[sflag:s12] =	ssyncset.done $0x0  }
0xb5: {  	[sflag:s12] =	ssyncadd.s32 $0xFFFFF830  }
0xb6: {  	_ =	swait.ge [sflag:s12], $0x7D0  }
0xb7: {  	[sflag:s12] =	ssyncset.done $0x0  }
0xb8: {  	s17 =	simm.s32 $0x3510;
	[sflag:s12] =	ssyncadd.s32 $0xFFFFF830  }
0xb9: {  	[spmem:s2] =	stream.indirect.scatter.add.f32 [tilespmem:s5], [sflag:$0x1], $0x10, s17, s11, $0xb8;
	[tilespmem:$0x42E0] =	vst v63  }
0xba: {  	s18 =	simm.s32 $0x3590  }
0xbb: {  	[spmem:s2] =	stream.indirect.scatter.add.f32 [tilespmem:s5], [sflag:$0x1], $0x10, s18, s11, $0xb8;
	[tilespmem:$0x42E0] =	vst v63  }
0xbc: {  	s19 =	simm.s32 $0x3610  }
0xbd: {  	[spmem:s2] =	stream.indirect.scatter.add.f32 [tilespmem:s5], [sflag:$0x1], $0x10, s19, s11, $0xb8;
	[tilespmem:$0x42E0] =	vst v63  }
0xbe: {  	s20 =	simm.s32 $0x3690  }
0xbf: {  	[spmem:s2] =	stream.indirect.scatter.add.f32 [tilespmem:s5], [sflag:$0x1], $0x10, s20, s11, $0xb8;
	[tilespmem:$0x42E0] =	vst v63  }
0xc0: {  	_ =	swait.ge [sflag:s12], $0x7D0  }
0xc1: {  	[sflag:s12] =	ssyncset.done $0x0  }
0xc2: {  	[sflag:s12] =	ssyncadd.s32 $0xFFFFF830  }
0xc3: {  	_ =	swait.ge [sflag:s12], $0x7D0  }
0xc4: {  	[sflag:s12] =	ssyncset.done $0x0  }
0xc5: {  	[sflag:s12] =	ssyncadd.s32 $0xFFFFF830  }
0xc6: {  	_ =	swait.ge [sflag:s12], $0x7D0  }
0xc7: {  	[sflag:s12] =	ssyncset.done $0x0  }
0xc8: {  	[sflag:s12] =	ssyncadd.s32 $0xFFFFF830  }
0xc9: {  	_ =	swait.ge [sflag:s12], $0x7D0  }
0xca: {  	[sflag:s12] =	ssyncset.done $0x0  }
0xcb: {  	s21 =	simm.s32 $0x3710;
	[sflag:s12] =	ssyncadd.s32 $0xFFFFF830  }
0xcc: {  	[spmem:s2] =	stream.indirect.scatter.add.f32 [tilespmem:s5], [sflag:$0x1], $0x10, s21, s11, $0xb8;
	[tilespmem:$0x42E0] =	vst v63  }
0xcd: {  	s22 =	simm.s32 $0x3790  }
0xce: {  	[spmem:s2] =	stream.indirect.scatter.add.f32 [tilespmem:s5], [sflag:$0x1], $0x10, s22, s11, $0xb8;
	[tilespmem:$0x42E0] =	vst v63  }
0xcf: {  	s23 =	simm.s32 $0x3810  }
0xd0: {  	[spmem:s2] =	stream.indirect.scatter.add.f32 [tilespmem:s5], [sflag:$0x1], $0x10, s23, s11, $0xb8;
	[tilespmem:$0x42E0] =	vst v63  }
0xd1: {  	s24 =	simm.s32 $0x3890  }
0xd2: {  	[spmem:s2] =	stream.indirect.scatter.add.f32 [tilespmem:s5], [sflag:$0x1], $0x10, s24, s11, $0xb8;
	[tilespmem:$0x42E0] =	vst v63  }
0xd3: {  	_ =	swait.ge [sflag:s12], $0x7D0  }
0xd4: {  	[sflag:s12] =	ssyncset.done $0x0  }
0xd5: {  	[sflag:s12] =	ssyncadd.s32 $0xFFFFF830  }
0xd6: {  	_ =	swait.ge [sflag:s12], $0x7D0  }
0xd7: {  	[sflag:s12] =	ssyncset.done $0x0  }
0xd8: {  	[sflag:s12] =	ssyncadd.s32 $0xFFFFF830  }
0xd9: {  	_ =	swait.ge [sflag:s12], $0x7D0  }
0xda: {  	[sflag:s12] =	ssyncset.done $0x0  }
0xdb: {  	[sflag:s12] =	ssyncadd.s32 $0xFFFFF830  }
0xdc: {  	_ =	swait.ge [sflag:s12], $0x7D0  }
0xdd: {  	[sflag:s12] =	ssyncset.done $0x0  }
0xde: {  	s25 =	simm.s32 $0x3910;
	[sflag:s12] =	ssyncadd.s32 $0xFFFFF830  }
0xdf: {  	[spmem:s2] =	stream.indirect.scatter.add.f32 [tilespmem:s5], [sflag:$0x1], $0x10, s25, s11, $0xb8;
	[tilespmem:$0x42E0] =	vst v63  }
0xe0: {  	s26 =	simm.s32 $0x3990  }
0xe1: {  	[spmem:s2] =	stream.indirect.scatter.add.f32 [tilespmem:s5], [sflag:$0x1], $0x10, s26, s11, $0xb8;
	[tilespmem:$0x42E0] =	vst v63  }
0xe2: {  	s28 =	simm.s32 $0x3A10  }
0xe3: {  	[spmem:s2] =	stream.indirect.scatter.add.f32 [tilespmem:s5], [sflag:$0x1], $0x10, s28, s11, $0xb8;
	[tilespmem:$0x42E0] =	vst v63  }
0xe4: {  	s29 =	simm.s32 $0x3A90  }
0xe5: {  	[spmem:s2] =	stream.indirect.scatter.add.f32 [tilespmem:s5], [sflag:$0x1], $0x10, s29, s11, $0xb8;
	[tilespmem:$0x42E0] =	vst v63  }
0xe6: {  	_ =	swait.ge [sflag:s12], $0x7D0  }
0xe7: {  	[sflag:s12] =	ssyncset.done $0x0  }
0xe8: {  	[sflag:s12] =	ssyncadd.s32 $0xFFFFF830  }
0xe9: {  	_ =	swait.ge [sflag:s12], $0x7D0  }
0xea: {  	[sflag:s12] =	ssyncset.done $0x0  }
0xeb: {  	[sflag:s12] =	ssyncadd.s32 $0xFFFFF830  }
0xec: {  	_ =	swait.ge [sflag:s12], $0x7D0  }
0xed: {  	[sflag:s12] =	ssyncset.done $0x0  }
0xee: {  	[sflag:s12] =	ssyncadd.s32 $0xFFFFF830  }
0xef: {  	_ =	swait.ge [sflag:s12], $0x7D0  }
0xf0: {  	[sflag:s12] =	ssyncset.done $0x0  }
0xf1: {  	[sflag:s12] =	ssyncadd.s32 $0xFFFFF830  }
0xf2: {  	s30 =	sadd.s32 s30, s2;
	[bflag:$0x0] =	sbarrier.arrive $0xFFFF  }
0xf3: {  	s30 =	sshrl.u32 @p0 s30, $0x3;
	s0 =	rddreg [dreg:$0x6]  }
0xf4: {  	[hbm:s0], [sflag:s7] =	dma.local @p0 [spmem:s30], $0x4F0  }
0xf5: {  	s0 =	ssub.s32 $0x2, s1  }
0xf6: {  	s1 =	sshrl.u32 s0, $0x1  }
0xf7: {  	s0 =	ssub.s32 s0, s1  }
0xf8: {  	s0 =	smax.u32 s0, $0x1  }
0xf9: {  	s1 =	sadd.s32 $0xFFFFFFFF, s0  }
0xfa: {  	_ =	swait.ge @p0 [sflag:s8], $0x4F0;
	p1 =	sne.s32 s1, $0x0  }
.Ltmp0:
0xfb: {  	s31 =	sadd.s32 s31, s2;
	[sflag:s8] =	ssyncset.done @p0 $0x0;
	(pc) =	sbr.rel @!p1 .LBB2_2-.Ltmp0, $4  }
0xfc: {  	s31 =	sshrl.u32 @!p0 s31, $0x3;
	s13 =	rddreg [dreg:$0x5];
	[sflag:s8] =	ssyncadd.s32 @p0 $0xFFFFFB10  }
0xfd: {  	[hbm:s13], [sflag:s7] =	dma.local @!p0 [spmem:s31], $0x4E0  }
0xfe: {  	_ =	swait.ge @!p0 [sflag:s9], $0x4E0  }
0xff: {  	[sflag:s9] =	ssyncset.done @!p0 $0x0  }
.LBB2_1:
0x100: {  	[sflag:s9] =	ssyncadd.s32 @!p0 $0xFFFFFB20  }
0x101: {  	[tilespmem:s5], [sflag:$0x2] =	stream.linear.gather [hbm4b:s4+s3], $0x7D0, $0x38;
	[tilespmem:$0x42E0] =	vst v63  }
0x102: {  	_ =	swait.ge [sflag:s6], $0x7D0  }
0x103: {  	[sflag:s6] =	ssyncset.done $0x0  }
0x104: {  	s0 =	rddreg [dreg:$0x8];
	[sflag:s6] =	ssyncadd.s32 $0xFFFFF830  }
0x105: {  	[spmem:s0], [sflag:s7] =	dma.local @p0 [hbm:s4], $0x4F0  }
0x106: {  	_ =	swait.ge @p0 [sflag:s8], $0x4F0  }
0x107: {  	[sflag:s8] =	ssyncset.done @p0 $0x0  }
0x108: {  	s0 =	rddreg [dreg:$0x7];
	[sflag:s8] =	ssyncadd.s32 @p0 $0xFFFFFB10  }
0x109: {  	[spmem:s0], [sflag:s7] =	dma.local @!p0 [hbm:s4], $0x4E0  }
0x10a: {  	_ =	swait.ge @!p0 [sflag:s9], $0x4E0  }
0x10b: {  	[sflag:s9] =	ssyncset.done @!p0 $0x0  }
0x10c: {  	s13 =	rddreg [dreg:$0x4];
	[sflag:s9] =	ssyncadd.s32 @!p0 $0xFFFFFB20  }
0x10d: {  	[tilespmem:s10], [sflag:$0x2] =	stream.linear.gather [hbm4b:s13+s3], $0x1400, $0x38;
	[tilespmem:$0x42E0] =	vst v63  }
0x10e: {  	_ =	swait.ge [sflag:s6], $0x1400  }
0x10f: {  	[sflag:s6] =	ssyncset.done $0x0  }
0x110: {  	[sflag:s6] =	ssyncadd.s32 $0xFFFFEC00  }
0x111: {  	[bflag:$0x0] =	sbarrier.arrive $0xFFFF  }
0x112: {  	[spmem:s2] =	stream.indirect.scatter.add.f32 [tilespmem:s5], [sflag:$0x1], $0x10, s10, s11, $0xb8;
	[tilespmem:$0x42E0] =	vst v63  }
0x113: {  	s0 =	rddreg [dreg:$0x9]  }
0x114: {  	[spmem:s2] =	stream.indirect.scatter.add.f32 [tilespmem:s5], [sflag:$0x1], $0x10, s0, s11, $0xb8;
	[tilespmem:$0x42E0] =	vst v63  }
0x115: {  	s13 =	rddreg [dreg:$0xa]  }
0x116: {  	[spmem:s2] =	stream.indirect.scatter.add.f32 [tilespmem:s5], [sflag:$0x1], $0x10, s13, s11, $0xb8;
	[tilespmem:$0x42E0] =	vst v63  }
0x117: {  	s0 =	rddreg [dreg:$0xb]  }
0x118: {  	[spmem:s2] =	stream.indirect.scatter.add.f32 [tilespmem:s5], [sflag:$0x1], $0x10, s0, s11, $0xb8;
	[tilespmem:$0x42E0] =	vst v63  }
0x119: {  	_ =	swait.ge [sflag:s12], $0x7D0  }
0x11a: {  	[sflag:s12] =	ssyncset.done $0x0  }
0x11b: {  	[sflag:s12] =	ssyncadd.s32 $0xFFFFF830  }
0x11c: {  	_ =	swait.ge [sflag:s12], $0x7D0  }
0x11d: {  	[sflag:s12] =	ssyncset.done $0x0  }
0x11e: {  	[sflag:s12] =	ssyncadd.s32 $0xFFFFF830  }
0x11f: {  	_ =	swait.ge [sflag:s12], $0x7D0  }
0x120: {  	[sflag:s12] =	ssyncset.done $0x0  }
0x121: {  	[sflag:s12] =	ssyncadd.s32 $0xFFFFF830  }
0x122: {  	_ =	swait.ge [sflag:s12], $0x7D0  }
0x123: {  	[sflag:s12] =	ssyncset.done $0x0  }
0x124: {  	s0 =	rddreg [dreg:$0xc];
	[sflag:s12] =	ssyncadd.s32 $0xFFFFF830  }
0x125: {  	[spmem:s2] =	stream.indirect.scatter.add.f32 [tilespmem:s5], [sflag:$0x1], $0x10, s0, s11, $0xb8;
	[tilespmem:$0x42E0] =	vst v63  }
0x126: {  	s13 =	rddreg [dreg:$0xd]  }
0x127: {  	[spmem:s2] =	stream.indirect.scatter.add.f32 [tilespmem:s5], [sflag:$0x1], $0x10, s13, s11, $0xb8;
	[tilespmem:$0x42E0] =	vst v63  }
0x128: {  	s0 =	rddreg [dreg:$0xe]  }
0x129: {  	[spmem:s2] =	stream.indirect.scatter.add.f32 [tilespmem:s5], [sflag:$0x1], $0x10, s0, s11, $0xb8;
	[tilespmem:$0x42E0] =	vst v63  }
0x12a: {  	s13 =	rddreg [dreg:$0xf]  }
0x12b: {  	[spmem:s2] =	stream.indirect.scatter.add.f32 [tilespmem:s5], [sflag:$0x1], $0x10, s13, s11, $0xb8;
	[tilespmem:$0x42E0] =	vst v63  }
0x12c: {  	_ =	swait.ge [sflag:s12], $0x7D0  }
0x12d: {  	[sflag:s12] =	ssyncset.done $0x0  }
0x12e: {  	[sflag:s12] =	ssyncadd.s32 $0xFFFFF830  }
0x12f: {  	_ =	swait.ge [sflag:s12], $0x7D0  }
0x130: {  	[sflag:s12] =	ssyncset.done $0x0  }
0x131: {  	[sflag:s12] =	ssyncadd.s32 $0xFFFFF830  }
0x132: {  	_ =	swait.ge [sflag:s12], $0x7D0  }
0x133: {  	[sflag:s12] =	ssyncset.done $0x0  }
0x134: {  	[sflag:s12] =	ssyncadd.s32 $0xFFFFF830  }
0x135: {  	_ =	swait.ge [sflag:s12], $0x7D0  }
0x136: {  	[sflag:s12] =	ssyncset.done $0x0  }
0x137: {  	s0 =	rddreg [dreg:$0x10];
	[sflag:s12] =	ssyncadd.s32 $0xFFFFF830  }
0x138: {  	[spmem:s2] =	stream.indirect.scatter.add.f32 [tilespmem:s5], [sflag:$0x1], $0x10, s0, s11, $0xb8;
	[tilespmem:$0x42E0] =	vst v63  }
0x139: {  	s13 =	rddreg [dreg:$0x11]  }
0x13a: {  	[spmem:s2] =	stream.indirect.scatter.add.f32 [tilespmem:s5], [sflag:$0x1], $0x10, s13, s11, $0xb8;
	[tilespmem:$0x42E0] =	vst v63  }
0x13b: {  	s0 =	rddreg [dreg:$0x12]  }
0x13c: {  	[spmem:s2] =	stream.indirect.scatter.add.f32 [tilespmem:s5], [sflag:$0x1], $0x10, s0, s11, $0xb8;
	[tilespmem:$0x42E0] =	vst v63  }
0x13d: {  	s13 =	rddreg [dreg:$0x13]  }
0x13e: {  	[spmem:s2] =	stream.indirect.scatter.add.f32 [tilespmem:s5], [sflag:$0x1], $0x10, s13, s11, $0xb8;
	[tilespmem:$0x42E0] =	vst v63  }
0x13f: {  	_ =	swait.ge [sflag:s12], $0x7D0  }
0x140: {  	[sflag:s12] =	ssyncset.done $0x0  }
0x141: {  	[sflag:s12] =	ssyncadd.s32 $0xFFFFF830  }
0x142: {  	_ =	swait.ge [sflag:s12], $0x7D0  }
0x143: {  	[sflag:s12] =	ssyncset.done $0x0  }
0x144: {  	[sflag:s12] =	ssyncadd.s32 $0xFFFFF830  }
0x145: {  	_ =	swait.ge [sflag:s12], $0x7D0  }
0x146: {  	[sflag:s12] =	ssyncset.done $0x0  }
0x147: {  	[sflag:s12] =	ssyncadd.s32 $0xFFFFF830  }
0x148: {  	_ =	swait.ge [sflag:s12], $0x7D0  }
0x149: {  	[sflag:s12] =	ssyncset.done $0x0  }
0x14a: {  	s0 =	rddreg [dreg:$0x14];
	[sflag:s12] =	ssyncadd.s32 $0xFFFFF830  }
0x14b: {  	[spmem:s2] =	stream.indirect.scatter.add.f32 [tilespmem:s5], [sflag:$0x1], $0x10, s0, s11, $0xb8;
	[tilespmem:$0x42E0] =	vst v63  }
0x14c: {  	s13 =	rddreg [dreg:$0x15]  }
0x14d: {  	[spmem:s2] =	stream.indirect.scatter.add.f32 [tilespmem:s5], [sflag:$0x1], $0x10, s13, s11, $0xb8;
	[tilespmem:$0x42E0] =	vst v63  }
0x14e: {  	s0 =	rddreg [dreg:$0x16]  }
0x14f: {  	[spmem:s2] =	stream.indirect.scatter.add.f32 [tilespmem:s5], [sflag:$0x1], $0x10, s0, s11, $0xb8;
	[tilespmem:$0x42E0] =	vst v63  }
0x150: {  	s13 =	rddreg [dreg:$0x17]  }
0x151: {  	[spmem:s2] =	stream.indirect.scatter.add.f32 [tilespmem:s5], [sflag:$0x1], $0x10, s13, s11, $0xb8;
	[tilespmem:$0x42E0] =	vst v63  }
0x152: {  	_ =	swait.ge [sflag:s12], $0x7D0  }
0x153: {  	[sflag:s12] =	ssyncset.done $0x0  }
0x154: {  	[sflag:s12] =	ssyncadd.s32 $0xFFFFF830  }
0x155: {  	_ =	swait.ge [sflag:s12], $0x7D0  }
0x156: {  	[sflag:s12] =	ssyncset.done $0x0  }
0x157: {  	[sflag:s12] =	ssyncadd.s32 $0xFFFFF830  }
0x158: {  	_ =	swait.ge [sflag:s12], $0x7D0  }
0x159: {  	[sflag:s12] =	ssyncset.done $0x0  }
0x15a: {  	[sflag:s12] =	ssyncadd.s32 $0xFFFFF830  }
0x15b: {  	_ =	swait.ge [sflag:s12], $0x7D0  }
0x15c: {  	[sflag:s12] =	ssyncset.done $0x0  }
0x15d: {  	s0 =	rddreg [dreg:$0x18];
	[sflag:s12] =	ssyncadd.s32 $0xFFFFF830  }
0x15e: {  	[spmem:s2] =	stream.indirect.scatter.add.f32 [tilespmem:s5], [sflag:$0x1], $0x10, s0, s11, $0xb8;
	[tilespmem:$0x42E0] =	vst v63  }
0x15f: {  	s13 =	rddreg [dreg:$0x19]  }
0x160: {  	[spmem:s2] =	stream.indirect.scatter.add.f32 [tilespmem:s5], [sflag:$0x1], $0x10, s13, s11, $0xb8;
	[tilespmem:$0x42E0] =	vst v63  }
0x161: {  	s0 =	rddreg [dreg:$0x1a]  }
0x162: {  	[spmem:s2] =	stream.indirect.scatter.add.f32 [tilespmem:s5], [sflag:$0x1], $0x10, s0, s11, $0xb8;
	[tilespmem:$0x42E0] =	vst v63  }
0x163: {  	s13 =	rddreg [dreg:$0x1b]  }
0x164: {  	[spmem:s2] =	stream.indirect.scatter.add.f32 [tilespmem:s5], [sflag:$0x1], $0x10, s13, s11, $0xb8;
	[tilespmem:$0x42E0] =	vst v63  }
0x165: {  	_ =	swait.ge [sflag:s12], $0x7D0  }
0x166: {  	[sflag:s12] =	ssyncset.done $0x0  }
0x167: {  	[sflag:s12] =	ssyncadd.s32 $0xFFFFF830  }
0x168: {  	_ =	swait.ge [sflag:s12], $0x7D0  }
0x169: {  	[sflag:s12] =	ssyncset.done $0x0  }
0x16a: {  	[sflag:s12] =	ssyncadd.s32 $0xFFFFF830  }
0x16b: {  	_ =	swait.ge [sflag:s12], $0x7D0  }
0x16c: {  	[sflag:s12] =	ssyncset.done $0x0  }
0x16d: {  	[sflag:s12] =	ssyncadd.s32 $0xFFFFF830  }
0x16e: {  	_ =	swait.ge [sflag:s12], $0x7D0  }
0x16f: {  	[sflag:s12] =	ssyncset.done $0x0  }
0x170: {  	s0 =	rddreg [dreg:$0x1c];
	[sflag:s12] =	ssyncadd.s32 $0xFFFFF830  }
0x171: {  	[spmem:s2] =	stream.indirect.scatter.add.f32 [tilespmem:s5], [sflag:$0x1], $0x10, s0, s11, $0xb8;
	[tilespmem:$0x42E0] =	vst v63  }
0x172: {  	s13 =	rddreg [dreg:$0x1d]  }
0x173: {  	[spmem:s2] =	stream.indirect.scatter.add.f32 [tilespmem:s5], [sflag:$0x1], $0x10, s13, s11, $0xb8;
	[tilespmem:$0x42E0] =	vst v63  }
0x174: {  	s0 =	rddreg [dreg:$0x1e]  }
0x175: {  	[spmem:s2] =	stream.indirect.scatter.add.f32 [tilespmem:s5], [sflag:$0x1], $0x10, s0, s11, $0xb8;
	[tilespmem:$0x42E0] =	vst v63  }
0x176: {  	s13 =	rddreg [dreg:$0x1f]  }
0x177: {  	[spmem:s2] =	stream.indirect.scatter.add.f32 [tilespmem:s5], [sflag:$0x1], $0x10, s13, s11, $0xb8;
	[tilespmem:$0x42E0] =	vst v63  }
0x178: {  	_ =	swait.ge [sflag:s12], $0x7D0  }
0x179: {  	[sflag:s12] =	ssyncset.done $0x0  }
0x17a: {  	[sflag:s12] =	ssyncadd.s32 $0xFFFFF830  }
0x17b: {  	_ =	swait.ge [sflag:s12], $0x7D0  }
0x17c: {  	[sflag:s12] =	ssyncset.done $0x0  }
0x17d: {  	[sflag:s12] =	ssyncadd.s32 $0xFFFFF830  }
0x17e: {  	_ =	swait.ge [sflag:s12], $0x7D0  }
0x17f: {  	[sflag:s12] =	ssyncset.done $0x0  }
0x180: {  	[sflag:s12] =	ssyncadd.s32 $0xFFFFF830  }
0x181: {  	_ =	swait.ge [sflag:s12], $0x7D0  }
0x182: {  	[sflag:s12] =	ssyncset.done $0x0  }
0x183: {  	s13 =	simm.s32 $0x3310;
	[sflag:s12] =	ssyncadd.s32 $0xFFFFF830  }
0x184: {  	[spmem:s2] =	stream.indirect.scatter.add.f32 [tilespmem:s5], [sflag:$0x1], $0x10, s13, s11, $0xb8;
	[tilespmem:$0x42E0] =	vst v63  }
0x185: {  	_ = 	snop  }
0x186: {  	[spmem:s2] =	stream.indirect.scatter.add.f32 [tilespmem:s5], [sflag:$0x1], $0x10, s14, s11, $0xb8;
	[tilespmem:$0x42E0] =	vst v63  }
0x187: {  	_ = 	snop  }
0x188: {  	[spmem:s2] =	stream.indirect.scatter.add.f32 [tilespmem:s5], [sflag:$0x1], $0x10, s15, s11, $0xb8;
	[tilespmem:$0x42E0] =	vst v63  }
0x189: {  	_ = 	snop  }
0x18a: {  	[spmem:s2] =	stream.indirect.scatter.add.f32 [tilespmem:s5], [sflag:$0x1], $0x10, s16, s11, $0xb8;
	[tilespmem:$0x42E0] =	vst v63  }
0x18b: {  	_ =	swait.ge [sflag:s12], $0x7D0  }
0x18c: {  	[sflag:s12] =	ssyncset.done $0x0  }
0x18d: {  	[sflag:s12] =	ssyncadd.s32 $0xFFFFF830  }
0x18e: {  	_ =	swait.ge [sflag:s12], $0x7D0  }
0x18f: {  	[sflag:s12] =	ssyncset.done $0x0  }
0x190: {  	[sflag:s12] =	ssyncadd.s32 $0xFFFFF830  }
0x191: {  	_ =	swait.ge [sflag:s12], $0x7D0  }
0x192: {  	[sflag:s12] =	ssyncset.done $0x0  }
0x193: {  	[sflag:s12] =	ssyncadd.s32 $0xFFFFF830  }
0x194: {  	_ =	swait.ge [sflag:s12], $0x7D0  }
0x195: {  	[sflag:s12] =	ssyncset.done $0x0  }
0x196: {  	[sflag:s12] =	ssyncadd.s32 $0xFFFFF830  }
0x197: {  	[spmem:s2] =	stream.indirect.scatter.add.f32 [tilespmem:s5], [sflag:$0x1], $0x10, s17, s11, $0xb8;
	[tilespmem:$0x42E0] =	vst v63  }
0x198: {  	_ = 	snop  }
0x199: {  	[spmem:s2] =	stream.indirect.scatter.add.f32 [tilespmem:s5], [sflag:$0x1], $0x10, s18, s11, $0xb8;
	[tilespmem:$0x42E0] =	vst v63  }
0x19a: {  	_ = 	snop  }
0x19b: {  	[spmem:s2] =	stream.indirect.scatter.add.f32 [tilespmem:s5], [sflag:$0x1], $0x10, s19, s11, $0xb8;
	[tilespmem:$0x42E0] =	vst v63  }
0x19c: {  	_ = 	snop  }
0x19d: {  	[spmem:s2] =	stream.indirect.scatter.add.f32 [tilespmem:s5], [sflag:$0x1], $0x10, s20, s11, $0xb8;
	[tilespmem:$0x42E0] =	vst v63  }
0x19e: {  	_ =	swait.ge [sflag:s12], $0x7D0  }
0x19f: {  	[sflag:s12] =	ssyncset.done $0x0  }
0x1a0: {  	[sflag:s12] =	ssyncadd.s32 $0xFFFFF830  }
0x1a1: {  	_ =	swait.ge [sflag:s12], $0x7D0  }
0x1a2: {  	[sflag:s12] =	ssyncset.done $0x0  }
0x1a3: {  	[sflag:s12] =	ssyncadd.s32 $0xFFFFF830  }
0x1a4: {  	_ =	swait.ge [sflag:s12], $0x7D0  }
0x1a5: {  	[sflag:s12] =	ssyncset.done $0x0  }
0x1a6: {  	[sflag:s12] =	ssyncadd.s32 $0xFFFFF830  }
0x1a7: {  	_ =	swait.ge [sflag:s12], $0x7D0  }
0x1a8: {  	[sflag:s12] =	ssyncset.done $0x0  }
0x1a9: {  	[sflag:s12] =	ssyncadd.s32 $0xFFFFF830  }
0x1aa: {  	[spmem:s2] =	stream.indirect.scatter.add.f32 [tilespmem:s5], [sflag:$0x1], $0x10, s21, s11, $0xb8;
	[tilespmem:$0x42E0] =	vst v63  }
0x1ab: {  	_ = 	snop  }
0x1ac: {  	[spmem:s2] =	stream.indirect.scatter.add.f32 [tilespmem:s5], [sflag:$0x1], $0x10, s22, s11, $0xb8;
	[tilespmem:$0x42E0] =	vst v63  }
0x1ad: {  	_ = 	snop  }
0x1ae: {  	[spmem:s2] =	stream.indirect.scatter.add.f32 [tilespmem:s5], [sflag:$0x1], $0x10, s23, s11, $0xb8;
	[tilespmem:$0x42E0] =	vst v63  }
0x1af: {  	_ = 	snop  }
0x1b0: {  	[spmem:s2] =	stream.indirect.scatter.add.f32 [tilespmem:s5], [sflag:$0x1], $0x10, s24, s11, $0xb8;
	[tilespmem:$0x42E0] =	vst v63  }
0x1b1: {  	_ =	swait.ge [sflag:s12], $0x7D0  }
0x1b2: {  	[sflag:s12] =	ssyncset.done $0x0  }
0x1b3: {  	[sflag:s12] =	ssyncadd.s32 $0xFFFFF830  }
0x1b4: {  	_ =	swait.ge [sflag:s12], $0x7D0  }
0x1b5: {  	[sflag:s12] =	ssyncset.done $0x0  }
0x1b6: {  	[sflag:s12] =	ssyncadd.s32 $0xFFFFF830  }
0x1b7: {  	_ =	swait.ge [sflag:s12], $0x7D0  }
0x1b8: {  	[sflag:s12] =	ssyncset.done $0x0  }
0x1b9: {  	[sflag:s12] =	ssyncadd.s32 $0xFFFFF830  }
0x1ba: {  	_ =	swait.ge [sflag:s12], $0x7D0  }
0x1bb: {  	[sflag:s12] =	ssyncset.done $0x0  }
0x1bc: {  	[sflag:s12] =	ssyncadd.s32 $0xFFFFF830  }
0x1bd: {  	[spmem:s2] =	stream.indirect.scatter.add.f32 [tilespmem:s5], [sflag:$0x1], $0x10, s25, s11, $0xb8;
	[tilespmem:$0x42E0] =	vst v63  }
0x1be: {  	_ = 	snop  }
0x1bf: {  	[spmem:s2] =	stream.indirect.scatter.add.f32 [tilespmem:s5], [sflag:$0x1], $0x10, s26, s11, $0xb8;
	[tilespmem:$0x42E0] =	vst v63  }
0x1c0: {  	_ = 	snop  }
0x1c1: {  	[spmem:s2] =	stream.indirect.scatter.add.f32 [tilespmem:s5], [sflag:$0x1], $0x10, s28, s11, $0xb8;
	[tilespmem:$0x42E0] =	vst v63  }
0x1c2: {  	_ = 	snop  }
0x1c3: {  	[spmem:s2] =	stream.indirect.scatter.add.f32 [tilespmem:s5], [sflag:$0x1], $0x10, s29, s11, $0xb8;
	[tilespmem:$0x42E0] =	vst v63  }
0x1c4: {  	_ =	swait.ge [sflag:s12], $0x7D0  }
0x1c5: {  	[sflag:s12] =	ssyncset.done $0x0  }
0x1c6: {  	[sflag:s12] =	ssyncadd.s32 $0xFFFFF830  }
0x1c7: {  	_ =	swait.ge [sflag:s12], $0x7D0  }
0x1c8: {  	[sflag:s12] =	ssyncset.done $0x0  }
0x1c9: {  	[sflag:s12] =	ssyncadd.s32 $0xFFFFF830  }
0x1ca: {  	_ =	swait.ge [sflag:s12], $0x7D0  }
0x1cb: {  	[sflag:s12] =	ssyncset.done $0x0  }
0x1cc: {  	[sflag:s12] =	ssyncadd.s32 $0xFFFFF830  }
0x1cd: {  	_ =	swait.ge [sflag:s12], $0x7D0  }
0x1ce: {  	[sflag:s12] =	ssyncset.done $0x0  }
0x1cf: {  	[sflag:s12] =	ssyncadd.s32 $0xFFFFF830  }
0x1d0: {  	[bflag:$0x0] =	sbarrier.arrive $0xFFFF  }
0x1d1: {  	s1 =	sadd.s32 $0xFFFFFFFF, s1;
	s0 =	rddreg [dreg:$0x6]  }
0x1d2: {  	[hbm:s0], [sflag:s7] =	dma.local @p0 [spmem:s30], $0x4F0  }
0x1d3: {  	p1 =	sne.s32 s1, $0x0;
	_ =	swait.ge @p0 [sflag:s8], $0x4F0  }
.Ltmp1:
0x1d4: {  	[sflag:s8] =	ssyncset.done @p0 $0x0;
	(pc) =	sbr.rel @p1 .LBB2_1-.Ltmp1, $4  }
0x1d5: {  	s0 =	rddreg [dreg:$0x5];
	[sflag:s8] =	ssyncadd.s32 @p0 $0xFFFFFB10  }
0x1d6: {  	[hbm:s0], [sflag:s7] =	dma.local @!p0 [spmem:s31], $0x4E0  }
0x1d7: {  	_ =	swait.ge @!p0 [sflag:s9], $0x4E0  }
0x1d8: {  	[sflag:s9] =	ssyncset.done @!p0 $0x0  }
.LBB2_2:
0x1d9: {  	[sflag:s9] =	ssyncadd.s32 @!p0 $0xFFFFFB20  }
0x1da: {  	_ =	sfence.sel $0x180000  }
0x1db: {  	[bflag:$0x0] =	sbarrier.arrive $0xFFFF  }
0x1dc: {  	_ =	strace $0x90000047  }
0x1dd: {  	s0 =	stileid.u32;
	[bflag:$0x2] =	sbarrier.arrive $0xFFFF  }
0x1de: {  	p0 =	sne.s32 s0, $0x0;
	s0 =	rddreg [dreg:$0x3]  }
0x1df: {  	s0 =	sadd.s32 @!p0 $0x100000, s0  }
0x1e0: {  	[sflag:s0] =	ssyncadd.tile.s32 @!p0 $0x1;
	_ =	shalt  }
.Lfunc_end2:
_tile_overlayer_lowered:
.L_overlay_start_2:
0x1e1: {  	(tag) =	ssettag $0x2  }
0x1e2: {  	s0 =	rddreg [dreg:$0x0];
	s2 =	stileid.u32  }
0x1e3: {  	s1 =	rddreg [dreg:$0x1];
	p0 =	sne.s32 s2, $0x0  }
0x1e4: {  	s3 =	rddreg [dreg:$0x2];
	[bflag:$0x3] =	sbarrier.arrive $0xFFFF;
	s2 =	simm.s32 @!p0 $0x1C02  }
0x1e5: {  	[timem:s3], [sflag:s2] =	dma.local @!p0 [hbm:s0], s1  }
0x1e6: {  	s0 =	simm.s32 @!p0 $0x2  }
0x1e7: {  	_ =	swait.ge @!p0 [sflag:s0], s1  }
0x1e8: {  	s1 =	ssub.s32 @!p0 $0x0, s1;
	[sflag:s0] =	ssyncset.done @!p0 $0x0  }
0x1e9: {  	[sflag:s0] =	ssyncadd.s32 @!p0 s1  }
0x1ea: {  	[bflag:$0x3] =	sbarrier.arrive $0xFFFF  }
0x1eb: {  	_ =	shalt  }

</sc_bundles>
